<compile_context>
chip_gen: v7x
topology: tpu7x:2x2x1
jax: 0.10.2.dev20260603
libtpu: 0.0.44.dev20260713+nightly
codegen_flags: <defaults>
</compile_context>

<pallas_src>
import functools

import jax
import jax.numpy as jnp
from jax import lax
from jax.experimental import pallas as pl
from jax.experimental.pallas import tpu as pltpu
from jax.experimental.pallas import tpu_sc as plsc

_LANES = 128


def _sc_geometry():
    try:
        info = plsc.get_sparse_core_info()
        return info.num_cores, info.num_subcores
    except Exception:
        return 2, 16


@functools.cache
def _build(S, BB, NF, D):
    NC, NS = _sc_geometry()
    NW = NC * NS
    NBLK = S * BB
    BW = NBLK // NW
    RW = BW * NF
    DHI = D // 8
    assert NBLK % NW == 0 and BW % 2 == 0 and D % 16 == 0

    mesh = plsc.VectorSubcoreMesh(core_axis_name="c", subcore_axis_name="s")

    @functools.partial(
        pl.kernel,
        mesh=mesh,
        compiler_params=pltpu.CompilerParams(
            use_tc_tiling_on_sc=False, needs_layout_passes=False),
        out_type=jax.ShapeDtypeStruct((S, DHI, BB, 8, _LANES), jnp.float32),
        scratch_types=[
            pltpu.VMEM((RW, _LANES), jnp.int32),
            pltpu.VMEM((NF * _LANES, D), jnp.float32),
            pltpu.VMEM((NF * _LANES, D), jnp.float32),
            pltpu.VMEM((DHI, 8, _LANES), jnp.float32),
            pltpu.VMEM((DHI, 8, _LANES), jnp.float32),
            pltpu.SemaphoreType.DMA,
            pltpu.SemaphoreType.DMA,
            pltpu.SemaphoreType.DMA,
            pltpu.SemaphoreType.DMA,
        ],
    )
    def run(idx_hbm, table_hbm, out_hbm, idx_v, rows0, rows1, outv0, outv1,
            gsem0, gsem1, osem0, osem1):
        wid = lax.axis_index("s") * NC + lax.axis_index("c")
        blk0 = wid * BW

        r0 = pl.multiple_of(wid * RW, RW)
        pltpu.sync_copy(idx_hbm.at[pl.ds(r0, RW)], idx_v)

        @plsc.parallel_loop(0, RW, unroll=2)
        def _remap(i):
            for u in range(_LANES // 16):
                sl = pl.ds(u * 16, 16)
                r = idx_v[i, sl]
                idx_v[i, sl] = ((r & -256) | ((r & 127) << 1)
                                | ((r >> 7) & 1))

        iota = lax.iota(jnp.int32, 16)
        dlo = iota & 7
        dhi_q = [(iota >> 3) + 2 * q for q in range(D // 16)]

        def fire_gathers(k, rows, gsem):
            descs = []
            for f in range(NF):
                descs.append(pltpu.async_copy(
                    table_hbm.at[idx_v.at[k * NF + f]],
                    rows.at[pl.ds(f * _LANES, _LANES)],
                    gsem,
                ))
            return descs

        def drain_gathers(k, rows, gsem):
            pltpu.make_async_copy(
                table_hbm.at[pl.ds(0, NF * _LANES)], rows, gsem).wait()

        def compute(rows, outv):
            @plsc.parallel_loop(0, _LANES, unroll=4)
            def _tok(t):
                tv = lax.broadcast(t, (16,))
                for q in range(D // 16):
                    sl = pl.ds(q * 16, 16)
                    acc = rows[t, sl]
                    for f in range(1, NF):
                        acc = acc + rows[f * _LANES + t, sl]
                    plsc.store_scatter(outv, [dhi_q[q], dlo, tv], acc)

        def write_out(k, outv, osem):
            blk = blk0 + k
            s = blk // BB
            j = blk % BB
            return pltpu.async_copy(outv, out_hbm.at[s, :, j], osem)

        def drain_out(k, outv, osem):
            pltpu.make_async_copy(
                out_hbm.at[0, 0], outv, osem).wait()

        fire_gathers(0, rows0, gsem0)

        def body(m, carry):
            bufs = ((rows0, outv0, gsem0, osem0),
                    (rows1, outv1, gsem1, osem1))
            for p in range(2):
                rows, outv, gsem, osem = bufs[p]
                k = 2 * m + p
                nrows, _, ngsem, _ = bufs[1 - p]
                if p == 0:
                    fire_gathers(k + 1, nrows, ngsem)
                else:
                    @pl.when(m < BW // 2 - 1)
                    def _():
                        fire_gathers(k + 1, nrows, ngsem)
                drain_gathers(k, rows, gsem)

                @pl.when(m > 0)
                def _():
                    drain_out(k - 2, outv, osem)
                compute(rows, outv)
                write_out(k, outv, osem)
            return carry

        lax.fori_loop(0, BW // 2, body, 0)
        drain_out(BW - 2, outv0, osem0)
        drain_out(BW - 1, outv1, osem1)

    return run


@functools.cache
def _transpose_table(V, D, C=32768):
    CW = 4 * D
    assert C % CW == 0
    G = (V + C - 1) // C

    def body(t_ref, o_ref):
        for k in range(C // CW):
            a = t_ref[:, k * CW: k * CW + 2 * D]
            b = t_ref[:, k * CW + 2 * D: (k + 1) * CW]
            xx = jnp.concatenate([a, b], axis=0)
            o_ref[pl.ds(k * 2 * D, 2 * D), :] = xx.T

    return pl.pallas_call(
        body,
        grid=(G,),
        in_specs=[pl.BlockSpec((D, C), lambda i: (0, i))],
        out_specs=pl.BlockSpec((C // 2, 2 * D), lambda i: (i, 0)),
        out_shape=jax.ShapeDtypeStruct((G * C // 2, 2 * D), jnp.float32),
    )


def kernel(src_tokens, table):
    bsz, seqlen, nf = src_tokens.shape
    _, D = table.shape
    bb = bsz // _LANES
    idx = (src_tokens.astype(jnp.int32)
           .reshape(bb, _LANES, seqlen, nf)
           .transpose(2, 0, 3, 1)
           .reshape(seqlen * bb * nf, _LANES))
    V = table.shape[0]
    tab_rm = _transpose_table(V, D)(table.T)
    Vp = tab_rm.shape[0] * 2
    tab_rm = tab_rm.reshape(Vp, D)
    out5 = _build(seqlen, bb, nf, D)(idx, tab_rm)
    return (out5.transpose(2, 4, 0, 1, 3).reshape(bsz, seqlen, D))

# --- scband reference (transcript-rebuilt; emitter-appended) ---
"""Pipeline reference for scband-multi-feat-encoder-60266981097542 (READ-ONLY COPY).

The authoritative reference and input builder live on the scoring server;
editing this copy changes nothing except your own understanding.
"""

import jax, jax.numpy as jnp
import numpy as np

VOCAB = 1000000
EMBED_DIM = 64
BSZ = 1024
SEQLEN = 200
NUM_FEAT = 4


def setup_inputs(seed: int = 0) -> dict:
    key = jax.random.key(seed)
    k_idx, k_tab = jax.random.split(key)
    src_tokens = jax.random.randint(k_idx, (BSZ, SEQLEN, NUM_FEAT), 0, VOCAB, dtype=jnp.int64 if jax.config.jax_enable_x64 else jnp.int32)
    table = jax.random.normal(k_tab, (VOCAB, EMBED_DIM), dtype=jnp.float32) * 0.02
    return {"src_tokens": src_tokens, "table": table}


def reference(src_tokens, table):
    # Faithful translation of MultiFeatEncoder.forward:
    # embed feature 0, then add embeddings of features 1..num_feat-1 (shared table).
    assert src_tokens.ndim == 3
    bsz, seqlen, num_feat = src_tokens.shape
    x = jnp.take(table, src_tokens[:, :, 0], axis=0)
    for i in range(1, num_feat):
        fx = jnp.take(table, src_tokens[:, :, i], axis=0)
        x = x + fx
    return x

if __name__ == "__main__":
    import jax
    _d = setup_inputs()
    print(jax.jit(kernel)(*tuple(_d.values())))

</pallas_src>

<mosaic_0001>
#map = affine_map<(d0, d1) -> (0, 0)>
#map1 = affine_map<(d0, d1) -> (0, 0, 0, 0, 0)>
module attributes {stable_mosaic.version = 14 : i64} {
  func.func @run(%arg0: i32, %arg1: i32, %arg2: memref<6400x128xi32, #tpu.memory_space<hbm>>, %arg3: memref<1015808x64xf32, #tpu.memory_space<hbm>>, %arg4: memref<200x8x8x8x128xf32, #tpu.memory_space<hbm>>, %arg5: memref<200x128xi32, #tpu.memory_space<vmem>>, %arg6: memref<512x64xf32, #tpu.memory_space<vmem>>, %arg7: memref<512x64xf32, #tpu.memory_space<vmem>>, %arg8: memref<8x8x128xf32, #tpu.memory_space<vmem>>, %arg9: memref<8x8x128xf32, #tpu.memory_space<vmem>>, %arg10: memref<!tpu.dma_semaphore, #tpu.memory_space<semaphore_mem>>, %arg11: memref<!tpu.dma_semaphore, #tpu.memory_space<semaphore_mem>>, %arg12: memref<!tpu.dma_semaphore, #tpu.memory_space<semaphore_mem>>, %arg13: memref<!tpu.dma_semaphore, #tpu.memory_space<semaphore_mem>>) attributes {dimension_semantics = [#tpu.dimension_semantics<core_parallel>, #tpu.dimension_semantics<subcore_parallel>], iteration_bounds = array<i64: 2, 16>, scalar_prefetch = 0 : i64, scratch_operands = 9 : i64, tpu.core_type = #tpu.core_type<sc_vector_subcore>, window_params = [{transform_indices = #map}, {transform_indices = #map}, {transform_indices = #map1}]} {
    %mul3A = arith.constant 2 : i32
    %mul3A_0 = arith.muli %arg1, %mul3A : i32
    %add3A = arith.addi %mul3A_0, %arg0 : i32
    %mul3A_1 = arith.constant 50 : i32
    %mul3A_2 = arith.muli %add3A, %mul3A_1 : i32
    %mul3A_3 = arith.constant 200 : i32
    %mul3A_4 = arith.muli %add3A, %mul3A_3 : i32
    %multiple_of3A = tpu.assume_multiple %mul3A_4, 200 : i32
    "tpu.region"() ({
      %run_scoped3A = tpu.sem_alloc : memref<!tpu.dma_semaphore, #tpu.memory_space<semaphore_mem>>
      %dma_start3A_99 = arith.constant 0 : i32
      %dma_start3A_100 = tpu.memref_slice %arg2[%multiple_of3A, %dma_start3A_99] : memref<6400x128xi32, #tpu.memory_space<hbm>> -> memref<200x128xi32, #tpu.memory_space<hbm>>
      %dma_start3A_101 = arith.constant 0 : i32
      %dma_start3A_102 = tpu.memref_slice %arg2[%multiple_of3A, %dma_start3A_101] : memref<6400x128xi32, #tpu.memory_space<hbm>> -> memref<200x128xi32, #tpu.memory_space<hbm>>
      tpu.enqueue_dma source(%dma_start3A_102 : memref<200x128xi32, #tpu.memory_space<hbm>>) target(%arg5 : memref<200x128xi32, #tpu.memory_space<vmem>>) target_semaphore(%run_scoped3A : memref<!tpu.dma_semaphore, #tpu.memory_space<semaphore_mem>>)
      %dma_wait3A_103 = arith.constant 0 : i32
      %dma_wait3A_104 = tpu.memref_slice %arg2[%multiple_of3A, %dma_wait3A_103] : memref<6400x128xi32, #tpu.memory_space<hbm>> -> memref<200x128xi32, #tpu.memory_space<hbm>>
      %dma_wait3A_105 = arith.constant 0 : i32
      %dma_wait3A_106 = tpu.memref_slice %arg2[%multiple_of3A, %dma_wait3A_105] : memref<6400x128xi32, #tpu.memory_space<hbm>> -> memref<200x128xi32, #tpu.memory_space<hbm>>
      tpu.wait_dma2 semaphore(%run_scoped3A : memref<!tpu.dma_semaphore, #tpu.memory_space<semaphore_mem>>) src(%dma_wait3A_106 : memref<200x128xi32, #tpu.memory_space<hbm>>) dst(%arg5 : memref<200x128xi32, #tpu.memory_space<vmem>>)
      tpu.yield
    }) : () -> ()
    %parallel_loop3A = arith.constant 0 : i32
    %parallel_loop3A_5 = arith.constant 200 : i32
    %parallel_loop3A_6 = arith.constant 1 : i32
    scf.for %parallel_loop3A_99 = %parallel_loop3A to %parallel_loop3A_5 step %parallel_loop3A_6  : i32 {
      %parallel_loop3A_100 = arith.index_cast %parallel_loop3A_99 : i32 to index
      %parallel_loop3A_101 = arith.constant 0 : index
      %parallel_loop3A_102 = tpu.vector_load %arg5[%parallel_loop3A_100, %parallel_loop3A_101] {strides = array<i32>} : memref<200x128xi32, #tpu.memory_space<vmem>>, vector<16xi32>,
      %parallel_loop3A_103 = arith.constant -256 : i32
      %parallel_loop3A_104 = vector.broadcast %parallel_loop3A_103 : i32 to vector<16xi32>
      %parallel_loop3A_105 = arith.andi %parallel_loop3A_102, %parallel_loop3A_104 : vector<16xi32>
      %parallel_loop3A_106 = arith.constant 127 : i32
      %parallel_loop3A_107 = vector.broadcast %parallel_loop3A_106 : i32 to vector<16xi32>
      %parallel_loop3A_108 = arith.andi %parallel_loop3A_102, %parallel_loop3A_107 : vector<16xi32>
      %parallel_loop3A_109 = arith.constant 1 : i32
      %parallel_loop3A_110 = vector.broadcast %parallel_loop3A_109 : i32 to vector<16xi32>
      %parallel_loop3A_111 = arith.shli %parallel_loop3A_108, %parallel_loop3A_110 : vector<16xi32>
      %parallel_loop3A_112 = arith.ori %parallel_loop3A_105, %parallel_loop3A_111 : vector<16xi32>
      %parallel_loop3A_113 = arith.constant 7 : i32
      %parallel_loop3A_114 = vector.broadcast %parallel_loop3A_113 : i32 to vector<16xi32>
      %parallel_loop3A_115 = arith.shrsi %parallel_loop3A_102, %parallel_loop3A_114 : vector<16xi32>
      %parallel_loop3A_116 = arith.constant 1 : i32
      %parallel_loop3A_117 = vector.broadcast %parallel_loop3A_116 : i32 to vector<16xi32>
      %parallel_loop3A_118 = arith.andi %parallel_loop3A_115, %parallel_loop3A_117 : vector<16xi32>
      %parallel_loop3A_119 = arith.ori %parallel_loop3A_112, %parallel_loop3A_118 : vector<16xi32>
      %parallel_loop3A_120 = arith.index_cast %parallel_loop3A_99 : i32 to index
      %parallel_loop3A_121 = arith.constant 0 : index
      %parallel_loop3A_122 = tpu.vector_load %arg5[%parallel_loop3A_120, %parallel_loop3A_121] {strides = array<i32>} : memref<200x128xi32, #tpu.memory_space<vmem>>, vector<16xi32>,
      tpu.vector_store %arg5[%parallel_loop3A_120, %parallel_loop3A_121], %parallel_loop3A_119 {strides = array<i32>} : memref<200x128xi32, #tpu.memory_space<vmem>>, vector<16xi32>,
      %parallel_loop3A_123 = arith.index_cast %parallel_loop3A_99 : i32 to index
      %parallel_loop3A_124 = arith.constant 16 : index
      %parallel_loop3A_125 = tpu.vector_load %arg5[%parallel_loop3A_123, %parallel_loop3A_124] {strides = array<i32>} : memref<200x128xi32, #tpu.memory_space<vmem>>, vector<16xi32>,
      %parallel_loop3A_126 = arith.constant -256 : i32
      %parallel_loop3A_127 = vector.broadcast %parallel_loop3A_126 : i32 to vector<16xi32>
      %parallel_loop3A_128 = arith.andi %parallel_loop3A_125, %parallel_loop3A_127 : vector<16xi32>
      %parallel_loop3A_129 = arith.constant 127 : i32
      %parallel_loop3A_130 = vector.broadcast %parallel_loop3A_129 : i32 to vector<16xi32>
      %parallel_loop3A_131 = arith.andi %parallel_loop3A_125, %parallel_loop3A_130 : vector<16xi32>
      %parallel_loop3A_132 = arith.constant 1 : i32
      %parallel_loop3A_133 = vector.broadcast %parallel_loop3A_132 : i32 to vector<16xi32>
      %parallel_loop3A_134 = arith.shli %parallel_loop3A_131, %parallel_loop3A_133 : vector<16xi32>
      %parallel_loop3A_135 = arith.ori %parallel_loop3A_128, %parallel_loop3A_134 : vector<16xi32>
      %parallel_loop3A_136 = arith.constant 7 : i32
      %parallel_loop3A_137 = vector.broadcast %parallel_loop3A_136 : i32 to vector<16xi32>
      %parallel_loop3A_138 = arith.shrsi %parallel_loop3A_125, %parallel_loop3A_137 : vector<16xi32>
      %parallel_loop3A_139 = arith.constant 1 : i32
      %parallel_loop3A_140 = vector.broadcast %parallel_loop3A_139 : i32 to vector<16xi32>
      %parallel_loop3A_141 = arith.andi %parallel_loop3A_138, %parallel_loop3A_140 : vector<16xi32>
      %parallel_loop3A_142 = arith.ori %parallel_loop3A_135, %parallel_loop3A_141 : vector<16xi32>
      %parallel_loop3A_143 = arith.index_cast %parallel_loop3A_99 : i32 to index
      %parallel_loop3A_144 = arith.constant 16 : index
      %parallel_loop3A_145 = tpu.vector_load %arg5[%parallel_loop3A_143, %parallel_loop3A_144] {strides = array<i32>} : memref<200x128xi32, #tpu.memory_space<vmem>>, vector<16xi32>,
      tpu.vector_store %arg5[%parallel_loop3A_143, %parallel_loop3A_144], %parallel_loop3A_142 {strides = array<i32>} : memref<200x128xi32, #tpu.memory_space<vmem>>, vector<16xi32>,
      %parallel_loop3A_146 = arith.index_cast %parallel_loop3A_99 : i32 to index
      %parallel_loop3A_147 = arith.constant 32 : index
      %parallel_loop3A_148 = tpu.vector_load %arg5[%parallel_loop3A_146, %parallel_loop3A_147] {strides = array<i32>} : memref<200x128xi32, #tpu.memory_space<vmem>>, vector<16xi32>,
      %parallel_loop3A_149 = arith.constant -256 : i32
      %parallel_loop3A_150 = vector.broadcast %parallel_loop3A_149 : i32 to vector<16xi32>
      %parallel_loop3A_151 = arith.andi %parallel_loop3A_148, %parallel_loop3A_150 : vector<16xi32>
      %parallel_loop3A_152 = arith.constant 127 : i32
      %parallel_loop3A_153 = vector.broadcast %parallel_loop3A_152 : i32 to vector<16xi32>
      %parallel_loop3A_154 = arith.andi %parallel_loop3A_148, %parallel_loop3A_153 : vector<16xi32>
      %parallel_loop3A_155 = arith.constant 1 : i32
      %parallel_loop3A_156 = vector.broadcast %parallel_loop3A_155 : i32 to vector<16xi32>
      %parallel_loop3A_157 = arith.shli %parallel_loop3A_154, %parallel_loop3A_156 : vector<16xi32>
      %parallel_loop3A_158 = arith.ori %parallel_loop3A_151, %parallel_loop3A_157 : vector<16xi32>
      %parallel_loop3A_159 = arith.constant 7 : i32
      %parallel_loop3A_160 = vector.broadcast %parallel_loop3A_159 : i32 to vector<16xi32>
      %parallel_loop3A_161 = arith.shrsi %parallel_loop3A_148, %parallel_loop3A_160 : vector<16xi32>
      %parallel_loop3A_162 = arith.constant 1 : i32
      %parallel_loop3A_163 = vector.broadcast %parallel_loop3A_162 : i32 to vector<16xi32>
      %parallel_loop3A_164 = arith.andi %parallel_loop3A_161, %parallel_loop3A_163 : vector<16xi32>
      %parallel_loop3A_165 = arith.ori %parallel_loop3A_158, %parallel_loop3A_164 : vector<16xi32>
      %parallel_loop3A_166 = arith.index_cast %parallel_loop3A_99 : i32 to index
      %parallel_loop3A_167 = arith.constant 32 : index
      %parallel_loop3A_168 = tpu.vector_load %arg5[%parallel_loop3A_166, %parallel_loop3A_167] {strides = array<i32>} : memref<200x128xi32, #tpu.memory_space<vmem>>, vector<16xi32>,
      tpu.vector_store %arg5[%parallel_loop3A_166, %parallel_loop3A_167], %parallel_loop3A_165 {strides = array<i32>} : memref<200x128xi32, #tpu.memory_space<vmem>>, vector<16xi32>,
      %parallel_loop3A_169 = arith.index_cast %parallel_loop3A_99 : i32 to index
      %parallel_loop3A_170 = arith.constant 48 : index
      %parallel_loop3A_171 = tpu.vector_load %arg5[%parallel_loop3A_169, %parallel_loop3A_170] {strides = array<i32>} : memref<200x128xi32, #tpu.memory_space<vmem>>, vector<16xi32>,
      %parallel_loop3A_172 = arith.constant -256 : i32
      %parallel_loop3A_173 = vector.broadcast %parallel_loop3A_172 : i32 to vector<16xi32>
      %parallel_loop3A_174 = arith.andi %parallel_loop3A_171, %parallel_loop3A_173 : vector<16xi32>
      %parallel_loop3A_175 = arith.constant 127 : i32
      %parallel_loop3A_176 = vector.broadcast %parallel_loop3A_175 : i32 to vector<16xi32>
      %parallel_loop3A_177 = arith.andi %parallel_loop3A_171, %parallel_loop3A_176 : vector<16xi32>
      %parallel_loop3A_178 = arith.constant 1 : i32
      %parallel_loop3A_179 = vector.broadcast %parallel_loop3A_178 : i32 to vector<16xi32>
      %parallel_loop3A_180 = arith.shli %parallel_loop3A_177, %parallel_loop3A_179 : vector<16xi32>
      %parallel_loop3A_181 = arith.ori %parallel_loop3A_174, %parallel_loop3A_180 : vector<16xi32>
      %parallel_loop3A_182 = arith.constant 7 : i32
      %parallel_loop3A_183 = vector.broadcast %parallel_loop3A_182 : i32 to vector<16xi32>
      %parallel_loop3A_184 = arith.shrsi %parallel_loop3A_171, %parallel_loop3A_183 : vector<16xi32>
      %parallel_loop3A_185 = arith.constant 1 : i32
      %parallel_loop3A_186 = vector.broadcast %parallel_loop3A_185 : i32 to vector<16xi32>
      %parallel_loop3A_187 = arith.andi %parallel_loop3A_184, %parallel_loop3A_186 : vector<16xi32>
      %parallel_loop3A_188 = arith.ori %parallel_loop3A_181, %parallel_loop3A_187 : vector<16xi32>
      %parallel_loop3A_189 = arith.index_cast %parallel_loop3A_99 : i32 to index
      %parallel_loop3A_190 = arith.constant 48 : index
      %parallel_loop3A_191 = tpu.vector_load %arg5[%parallel_loop3A_189, %parallel_loop3A_190] {strides = array<i32>} : memref<200x128xi32, #tpu.memory_space<vmem>>, vector<16xi32>,
      tpu.vector_store %arg5[%parallel_loop3A_189, %parallel_loop3A_190], %parallel_loop3A_188 {strides = array<i32>} : memref<200x128xi32, #tpu.memory_space<vmem>>, vector<16xi32>,
      %parallel_loop3A_192 = arith.index_cast %parallel_loop3A_99 : i32 to index
      %parallel_loop3A_193 = arith.constant 64 : index
      %parallel_loop3A_194 = tpu.vector_load %arg5[%parallel_loop3A_192, %parallel_loop3A_193] {strides = array<i32>} : memref<200x128xi32, #tpu.memory_space<vmem>>, vector<16xi32>,
      %parallel_loop3A_195 = arith.constant -256 : i32
      %parallel_loop3A_196 = vector.broadcast %parallel_loop3A_195 : i32 to vector<16xi32>
      %parallel_loop3A_197 = arith.andi %parallel_loop3A_194, %parallel_loop3A_196 : vector<16xi32>
      %parallel_loop3A_198 = arith.constant 127 : i32
      %parallel_loop3A_199 = vector.broadcast %parallel_loop3A_198 : i32 to vector<16xi32>
      %parallel_loop3A_200 = arith.andi %parallel_loop3A_194, %parallel_loop3A_199 : vector<16xi32>
      %parallel_loop3A_201 = arith.constant 1 : i32
      %parallel_loop3A_202 = vector.broadcast %parallel_loop3A_201 : i32 to vector<16xi32>
      %parallel_loop3A_203 = arith.shli %parallel_loop3A_200, %parallel_loop3A_202 : vector<16xi32>
      %parallel_loop3A_204 = arith.ori %parallel_loop3A_197, %parallel_loop3A_203 : vector<16xi32>
      %parallel_loop3A_205 = arith.constant 7 : i32
      %parallel_loop3A_206 = vector.broadcast %parallel_loop3A_205 : i32 to vector<16xi32>
      %parallel_loop3A_207 = arith.shrsi %parallel_loop3A_194, %parallel_loop3A_206 : vector<16xi32>
      %parallel_loop3A_208 = arith.constant 1 : i32
      %parallel_loop3A_209 = vector.broadcast %parallel_loop3A_208 : i32 to vector<16xi32>
      %parallel_loop3A_210 = arith.andi %parallel_loop3A_207, %parallel_loop3A_209 : vector<16xi32>
      %parallel_loop3A_211 = arith.ori %parallel_loop3A_204, %parallel_loop3A_210 : vector<16xi32>
      %parallel_loop3A_212 = arith.index_cast %parallel_loop3A_99 : i32 to index
      %parallel_loop3A_213 = arith.constant 64 : index
      %parallel_loop3A_214 = tpu.vector_load %arg5[%parallel_loop3A_212, %parallel_loop3A_213] {strides = array<i32>} : memref<200x128xi32, #tpu.memory_space<vmem>>, vector<16xi32>,
      tpu.vector_store %arg5[%parallel_loop3A_212, %parallel_loop3A_213], %parallel_loop3A_211 {strides = array<i32>} : memref<200x128xi32, #tpu.memory_space<vmem>>, vector<16xi32>,
      %parallel_loop3A_215 = arith.index_cast %parallel_loop3A_99 : i32 to index
      %parallel_loop3A_216 = arith.constant 80 : index
      %parallel_loop3A_217 = tpu.vector_load %arg5[%parallel_loop3A_215, %parallel_loop3A_216] {strides = array<i32>} : memref<200x128xi32, #tpu.memory_space<vmem>>, vector<16xi32>,
      %parallel_loop3A_218 = arith.constant -256 : i32
      %parallel_loop3A_219 = vector.broadcast %parallel_loop3A_218 : i32 to vector<16xi32>
      %parallel_loop3A_220 = arith.andi %parallel_loop3A_217, %parallel_loop3A_219 : vector<16xi32>
      %parallel_loop3A_221 = arith.constant 127 : i32
      %parallel_loop3A_222 = vector.broadcast %parallel_loop3A_221 : i32 to vector<16xi32>
      %parallel_loop3A_223 = arith.andi %parallel_loop3A_217, %parallel_loop3A_222 : vector<16xi32>
      %parallel_loop3A_224 = arith.constant 1 : i32
      %parallel_loop3A_225 = vector.broadcast %parallel_loop3A_224 : i32 to vector<16xi32>
      %parallel_loop3A_226 = arith.shli %parallel_loop3A_223, %parallel_loop3A_225 : vector<16xi32>
      %parallel_loop3A_227 = arith.ori %parallel_loop3A_220, %parallel_loop3A_226 : vector<16xi32>
      %parallel_loop3A_228 = arith.constant 7 : i32
      %parallel_loop3A_229 = vector.broadcast %parallel_loop3A_228 : i32 to vector<16xi32>
      %parallel_loop3A_230 = arith.shrsi %parallel_loop3A_217, %parallel_loop3A_229 : vector<16xi32>
      %parallel_loop3A_231 = arith.constant 1 : i32
      %parallel_loop3A_232 = vector.broadcast %parallel_loop3A_231 : i32 to vector<16xi32>
      %parallel_loop3A_233 = arith.andi %parallel_loop3A_230, %parallel_loop3A_232 : vector<16xi32>
      %parallel_loop3A_234 = arith.ori %parallel_loop3A_227, %parallel_loop3A_233 : vector<16xi32>
      %parallel_loop3A_235 = arith.index_cast %parallel_loop3A_99 : i32 to index
      %parallel_loop3A_236 = arith.constant 80 : index
      %parallel_loop3A_237 = tpu.vector_load %arg5[%parallel_loop3A_235, %parallel_loop3A_236] {strides = array<i32>} : memref<200x128xi32, #tpu.memory_space<vmem>>, vector<16xi32>,
      tpu.vector_store %arg5[%parallel_loop3A_235, %parallel_loop3A_236], %parallel_loop3A_234 {strides = array<i32>} : memref<200x128xi32, #tpu.memory_space<vmem>>, vector<16xi32>,
      %parallel_loop3A_238 = arith.index_cast %parallel_loop3A_99 : i32 to index
      %parallel_loop3A_239 = arith.constant 96 : index
      %parallel_loop3A_240 = tpu.vector_load %arg5[%parallel_loop3A_238, %parallel_loop3A_239] {strides = array<i32>} : memref<200x128xi32, #tpu.memory_space<vmem>>, vector<16xi32>,
      %parallel_loop3A_241 = arith.constant -256 : i32
      %parallel_loop3A_242 = vector.broadcast %parallel_loop3A_241 : i32 to vector<16xi32>
      %parallel_loop3A_243 = arith.andi %parallel_loop3A_240, %parallel_loop3A_242 : vector<16xi32>
      %parallel_loop3A_244 = arith.constant 127 : i32
      %parallel_loop3A_245 = vector.broadcast %parallel_loop3A_244 : i32 to vector<16xi32>
      %parallel_loop3A_246 = arith.andi %parallel_loop3A_240, %parallel_loop3A_245 : vector<16xi32>
      %parallel_loop3A_247 = arith.constant 1 : i32
      %parallel_loop3A_248 = vector.broadcast %parallel_loop3A_247 : i32 to vector<16xi32>
      %parallel_loop3A_249 = arith.shli %parallel_loop3A_246, %parallel_loop3A_248 : vector<16xi32>
      %parallel_loop3A_250 = arith.ori %parallel_loop3A_243, %parallel_loop3A_249 : vector<16xi32>
      %parallel_loop3A_251 = arith.constant 7 : i32
      %parallel_loop3A_252 = vector.broadcast %parallel_loop3A_251 : i32 to vector<16xi32>
      %parallel_loop3A_253 = arith.shrsi %parallel_loop3A_240, %parallel_loop3A_252 : vector<16xi32>
      %parallel_loop3A_254 = arith.constant 1 : i32
      %parallel_loop3A_255 = vector.broadcast %parallel_loop3A_254 : i32 to vector<16xi32>
      %parallel_loop3A_256 = arith.andi %parallel_loop3A_253, %parallel_loop3A_255 : vector<16xi32>
      %parallel_loop3A_257 = arith.ori %parallel_loop3A_250, %parallel_loop3A_256 : vector<16xi32>
      %parallel_loop3A_258 = arith.index_cast %parallel_loop3A_99 : i32 to index
      %parallel_loop3A_259 = arith.constant 96 : index
      %parallel_loop3A_260 = tpu.vector_load %arg5[%parallel_loop3A_258, %parallel_loop3A_259] {strides = array<i32>} : memref<200x128xi32, #tpu.memory_space<vmem>>, vector<16xi32>,
      tpu.vector_store %arg5[%parallel_loop3A_258, %parallel_loop3A_259], %parallel_loop3A_257 {strides = array<i32>} : memref<200x128xi32, #tpu.memory_space<vmem>>, vector<16xi32>,
      %parallel_loop3A_261 = arith.index_cast %parallel_loop3A_99 : i32 to index
      %parallel_loop3A_262 = arith.constant 112 : index
      %parallel_loop3A_263 = tpu.vector_load %arg5[%parallel_loop3A_261, %parallel_loop3A_262] {strides = array<i32>} : memref<200x128xi32, #tpu.memory_space<vmem>>, vector<16xi32>,
      %parallel_loop3A_264 = arith.constant -256 : i32
      %parallel_loop3A_265 = vector.broadcast %parallel_loop3A_264 : i32 to vector<16xi32>
      %parallel_loop3A_266 = arith.andi %parallel_loop3A_263, %parallel_loop3A_265 : vector<16xi32>
      %parallel_loop3A_267 = arith.constant 127 : i32
      %parallel_loop3A_268 = vector.broadcast %parallel_loop3A_267 : i32 to vector<16xi32>
      %parallel_loop3A_269 = arith.andi %parallel_loop3A_263, %parallel_loop3A_268 : vector<16xi32>
      %parallel_loop3A_270 = arith.constant 1 : i32
      %parallel_loop3A_271 = vector.broadcast %parallel_loop3A_270 : i32 to vector<16xi32>
      %parallel_loop3A_272 = arith.shli %parallel_loop3A_269, %parallel_loop3A_271 : vector<16xi32>
      %parallel_loop3A_273 = arith.ori %parallel_loop3A_266, %parallel_loop3A_272 : vector<16xi32>
      %parallel_loop3A_274 = arith.constant 7 : i32
      %parallel_loop3A_275 = vector.broadcast %parallel_loop3A_274 : i32 to vector<16xi32>
      %parallel_loop3A_276 = arith.shrsi %parallel_loop3A_263, %parallel_loop3A_275 : vector<16xi32>
      %parallel_loop3A_277 = arith.constant 1 : i32
      %parallel_loop3A_278 = vector.broadcast %parallel_loop3A_277 : i32 to vector<16xi32>
      %parallel_loop3A_279 = arith.andi %parallel_loop3A_276, %parallel_loop3A_278 : vector<16xi32>
      %parallel_loop3A_280 = arith.ori %parallel_loop3A_273, %parallel_loop3A_279 : vector<16xi32>
      %parallel_loop3A_281 = arith.index_cast %parallel_loop3A_99 : i32 to index
      %parallel_loop3A_282 = arith.constant 112 : index
      %parallel_loop3A_283 = tpu.vector_load %arg5[%parallel_loop3A_281, %parallel_loop3A_282] {strides = array<i32>} : memref<200x128xi32, #tpu.memory_space<vmem>>, vector<16xi32>,
      tpu.vector_store %arg5[%parallel_loop3A_281, %parallel_loop3A_282], %parallel_loop3A_280 {strides = array<i32>} : memref<200x128xi32, #tpu.memory_space<vmem>>, vector<16xi32>,
    } {sc.loop_unroll_factor = 2 : i64, sc.parallel_access}
    %iota3A = tpu.iota {dimensions = array<i32: 0>} : vector<16xi32>
    %and3A = arith.constant 7 : i32
    %and3A_7 = vector.broadcast %and3A : i32 to vector<16xi32>
    %and3A_8 = arith.andi %iota3A, %and3A_7 : vector<16xi32>
    %shift_right_arithmetic3A = arith.constant 3 : i32
    %shift_right_arithmetic3A_9 = vector.broadcast %shift_right_arithmetic3A : i32 to vector<16xi32>
    %shift_right_arithmetic3A_10 = arith.shrsi %iota3A, %shift_right_arithmetic3A_9 : vector<16xi32>
    %add3A_11 = arith.constant 0 : i32
    %add3A_12 = vector.broadcast %add3A_11 : i32 to vector<16xi32>
    %add3A_13 = arith.addi %shift_right_arithmetic3A_10, %add3A_12 : vector<16xi32>
    %shift_right_arithmetic3A_14 = arith.constant 3 : i32
    %shift_right_arithmetic3A_15 = vector.broadcast %shift_right_arithmetic3A_14 : i32 to vector<16xi32>
    %shift_right_arithmetic3A_16 = arith.shrsi %iota3A, %shift_right_arithmetic3A_15 : vector<16xi32>
    %add3A_17 = arith.constant 2 : i32
    %add3A_18 = vector.broadcast %add3A_17 : i32 to vector<16xi32>
    %add3A_19 = arith.addi %shift_right_arithmetic3A_16, %add3A_18 : vector<16xi32>
    %shift_right_arithmetic3A_20 = arith.constant 3 : i32
    %shift_right_arithmetic3A_21 = vector.broadcast %shift_right_arithmetic3A_20 : i32 to vector<16xi32>
    %shift_right_arithmetic3A_22 = arith.shrsi %iota3A, %shift_right_arithmetic3A_21 : vector<16xi32>
    %add3A_23 = arith.constant 4 : i32
    %add3A_24 = vector.broadcast %add3A_23 : i32 to vector<16xi32>
    %add3A_25 = arith.addi %shift_right_arithmetic3A_22, %add3A_24 : vector<16xi32>
    %shift_right_arithmetic3A_26 = arith.constant 3 : i32
    %shift_right_arithmetic3A_27 = vector.broadcast %shift_right_arithmetic3A_26 : i32 to vector<16xi32>
    %shift_right_arithmetic3A_28 = arith.shrsi %iota3A, %shift_right_arithmetic3A_27 : vector<16xi32>
    %add3A_29 = arith.constant 6 : i32
    %add3A_30 = vector.broadcast %add3A_29 : i32 to vector<16xi32>
    %add3A_31 = arith.addi %shift_right_arithmetic3A_28, %add3A_30 : vector<16xi32>
    %dma_start3A = arith.constant 0 : i32
    %dma_start3A_32 = arith.constant 0 : i32
    %dma_start3A_33 = arith.constant 0 : i32
    %dma_start3A_34 = tpu.memref_slice %arg6[%dma_start3A_32, %dma_start3A_33] : memref<512x64xf32, #tpu.memory_space<vmem>> -> memref<128x64xf32, #tpu.memory_space<vmem>>
    %dma_start3A_35 = arith.constant 0 : i32
    %dma_start3A_36 = tpu.memref_slice %arg5[%dma_start3A, %dma_start3A_35] : memref<200x128xi32, #tpu.memory_space<vmem>> -> memref<1x128xi32, #tpu.memory_space<vmem>>
    %dma_start3A_37 = tpu.memref_squeeze %dma_start3A_36 : memref<1x128xi32, #tpu.memory_space<vmem>> -> memref<128xi32, #tpu.memory_space<vmem>>
    %dma_start3A_38 = arith.constant 0 : i32
    %dma_start3A_39 = arith.constant 0 : i32
    %dma_start3A_40 = tpu.memref_slice %arg3[%dma_start3A_38, %dma_start3A_39] : memref<1015808x64xf32, #tpu.memory_space<hbm>> -> memref<1015808x64xf32, #tpu.memory_space<hbm>>
    tpu.enqueue_indirect_dma source(%dma_start3A_40 : memref<1015808x64xf32, #tpu.memory_space<hbm>>) target(%dma_start3A_34 : memref<128x64xf32, #tpu.memory_space<vmem>>) offsets(%dma_start3A_37 : memref<128xi32, #tpu.memory_space<vmem>>) semaphore(%arg10 : memref<!tpu.dma_semaphore, #tpu.memory_space<semaphore_mem>>)
    %dma_start3A_41 = arith.constant 1 : i32
    %dma_start3A_42 = arith.constant 128 : i32
    %dma_start3A_43 = arith.constant 0 : i32
    %dma_start3A_44 = tpu.memref_slice %arg6[%dma_start3A_42, %dma_start3A_43] : memref<512x64xf32, #tpu.memory_space<vmem>> -> memref<128x64xf32, #tpu.memory_space<vmem>>
    %dma_start3A_45 = arith.constant 0 : i32
    %dma_start3A_46 = tpu.memref_slice %arg5[%dma_start3A_41, %dma_start3A_45] : memref<200x128xi32, #tpu.memory_space<vmem>> -> memref<1x128xi32, #tpu.memory_space<vmem>>
    %dma_start3A_47 = tpu.memref_squeeze %dma_start3A_46 : memref<1x128xi32, #tpu.memory_space<vmem>> -> memref<128xi32, #tpu.memory_space<vmem>>
    %dma_start3A_48 = arith.constant 0 : i32
    %dma_start3A_49 = arith.constant 0 : i32
    %dma_start3A_50 = tpu.memref_slice %arg3[%dma_start3A_48, %dma_start3A_49] : memref<1015808x64xf32, #tpu.memory_space<hbm>> -> memref<1015808x64xf32, #tpu.memory_space<hbm>>
    tpu.enqueue_indirect_dma source(%dma_start3A_50 : memref<1015808x64xf32, #tpu.memory_space<hbm>>) target(%dma_start3A_44 : memref<128x64xf32, #tpu.memory_space<vmem>>) offsets(%dma_start3A_47 : memref<128xi32, #tpu.memory_space<vmem>>) semaphore(%arg10 : memref<!tpu.dma_semaphore, #tpu.memory_space<semaphore_mem>>)
    %dma_start3A_51 = arith.constant 2 : i32
    %dma_start3A_52 = arith.constant 256 : i32
    %dma_start3A_53 = arith.constant 0 : i32
    %dma_start3A_54 = tpu.memref_slice %arg6[%dma_start3A_52, %dma_start3A_53] : memref<512x64xf32, #tpu.memory_space<vmem>> -> memref<128x64xf32, #tpu.memory_space<vmem>>
    %dma_start3A_55 = arith.constant 0 : i32
    %dma_start3A_56 = tpu.memref_slice %arg5[%dma_start3A_51, %dma_start3A_55] : memref<200x128xi32, #tpu.memory_space<vmem>> -> memref<1x128xi32, #tpu.memory_space<vmem>>
    %dma_start3A_57 = tpu.memref_squeeze %dma_start3A_56 : memref<1x128xi32, #tpu.memory_space<vmem>> -> memref<128xi32, #tpu.memory_space<vmem>>
    %dma_start3A_58 = arith.constant 0 : i32
    %dma_start3A_59 = arith.constant 0 : i32
    %dma_start3A_60 = tpu.memref_slice %arg3[%dma_start3A_58, %dma_start3A_59] : memref<1015808x64xf32, #tpu.memory_space<hbm>> -> memref<1015808x64xf32, #tpu.memory_space<hbm>>
    tpu.enqueue_indirect_dma source(%dma_start3A_60 : memref<1015808x64xf32, #tpu.memory_space<hbm>>) target(%dma_start3A_54 : memref<128x64xf32, #tpu.memory_space<vmem>>) offsets(%dma_start3A_57 : memref<128xi32, #tpu.memory_space<vmem>>) semaphore(%arg10 : memref<!tpu.dma_semaphore, #tpu.memory_space<semaphore_mem>>)
    %dma_start3A_61 = arith.constant 3 : i32
    %dma_start3A_62 = arith.constant 384 : i32
    %dma_start3A_63 = arith.constant 0 : i32
    %dma_start3A_64 = tpu.memref_slice %arg6[%dma_start3A_62, %dma_start3A_63] : memref<512x64xf32, #tpu.memory_space<vmem>> -> memref<128x64xf32, #tpu.memory_space<vmem>>
    %dma_start3A_65 = arith.constant 0 : i32
    %dma_start3A_66 = tpu.memref_slice %arg5[%dma_start3A_61, %dma_start3A_65] : memref<200x128xi32, #tpu.memory_space<vmem>> -> memref<1x128xi32, #tpu.memory_space<vmem>>
    %dma_start3A_67 = tpu.memref_squeeze %dma_start3A_66 : memref<1x128xi32, #tpu.memory_space<vmem>> -> memref<128xi32, #tpu.memory_space<vmem>>
    %dma_start3A_68 = arith.constant 0 : i32
    %dma_start3A_69 = arith.constant 0 : i32
    %dma_start3A_70 = tpu.memref_slice %arg3[%dma_start3A_68, %dma_start3A_69] : memref<1015808x64xf32, #tpu.memory_space<hbm>> -> memref<1015808x64xf32, #tpu.memory_space<hbm>>
    tpu.enqueue_indirect_dma source(%dma_start3A_70 : memref<1015808x64xf32, #tpu.memory_space<hbm>>) target(%dma_start3A_64 : memref<128x64xf32, #tpu.memory_space<vmem>>) offsets(%dma_start3A_67 : memref<128xi32, #tpu.memory_space<vmem>>) semaphore(%arg10 : memref<!tpu.dma_semaphore, #tpu.memory_space<semaphore_mem>>)
    %scan3A = arith.constant 0 : i32
    %scan3A_71 = arith.constant 0 : i32
    %scan3A_72 = arith.constant 25 : i32
    %scan3A_73 = arith.addi %scan3A_71, %scan3A_72 : i32
    %scan3A_74 = arith.constant 1 : i32
    scf.for %scan3A_99 = %scan3A_71 to %scan3A_73 step %scan3A_74  : i32 {
      %mul3A_100 = arith.constant 2 : i32
      %mul3A_101 = arith.muli %mul3A_100, %scan3A_99 : i32
      %add3A_102 = arith.constant 0 : i32
      %add3A_103 = arith.addi %mul3A_101, %add3A_102 : i32
      %add3A_104 = arith.constant 1 : i32
      %add3A_105 = arith.addi %add3A_103, %add3A_104 : i32
      %mul3A_106 = arith.constant 4 : i32
      %mul3A_107 = arith.muli %add3A_105, %mul3A_106 : i32
      %add3A_108 = arith.constant 0 : i32
      %add3A_109 = arith.addi %mul3A_107, %add3A_108 : i32
      %dma_start3A_110 = arith.constant 0 : i32
      %dma_start3A_111 = arith.constant 0 : i32
      %dma_start3A_112 = tpu.memref_slice %arg7[%dma_start3A_110, %dma_start3A_111] : memref<512x64xf32, #tpu.memory_space<vmem>> -> memref<128x64xf32, #tpu.memory_space<vmem>>
      %dma_start3A_113 = arith.constant 0 : i32
      %dma_start3A_114 = tpu.memref_slice %arg5[%add3A_109, %dma_start3A_113] : memref<200x128xi32, #tpu.memory_space<vmem>> -> memref<1x128xi32, #tpu.memory_space<vmem>>
      %dma_start3A_115 = tpu.memref_squeeze %dma_start3A_114 : memref<1x128xi32, #tpu.memory_space<vmem>> -> memref<128xi32, #tpu.memory_space<vmem>>
      %dma_start3A_116 = arith.constant 0 : i32
      %dma_start3A_117 = arith.constant 0 : i32
      %dma_start3A_118 = tpu.memref_slice %arg3[%dma_start3A_116, %dma_start3A_117] : memref<1015808x64xf32, #tpu.memory_space<hbm>> -> memref<1015808x64xf32, #tpu.memory_space<hbm>>
      tpu.enqueue_indirect_dma source(%dma_start3A_118 : memref<1015808x64xf32, #tpu.memory_space<hbm>>) target(%dma_start3A_112 : memref<128x64xf32, #tpu.memory_space<vmem>>) offsets(%dma_start3A_115 : memref<128xi32, #tpu.memory_space<vmem>>) semaphore(%arg11 : memref<!tpu.dma_semaphore, #tpu.memory_space<semaphore_mem>>)
      %mul3A_119 = arith.constant 4 : i32
      %mul3A_120 = arith.muli %add3A_105, %mul3A_119 : i32
      %add3A_121 = arith.constant 1 : i32
      %add3A_122 = arith.addi %mul3A_120, %add3A_121 : i32
      %dma_start3A_123 = arith.constant 128 : i32
      %dma_start3A_124 = arith.constant 0 : i32
      %dma_start3A_125 = tpu.memref_slice %arg7[%dma_start3A_123, %dma_start3A_124] : memref<512x64xf32, #tpu.memory_space<vmem>> -> memref<128x64xf32, #tpu.memory_space<vmem>>
      %dma_start3A_126 = arith.constant 0 : i32
      %dma_start3A_127 = tpu.memref_slice %arg5[%add3A_122, %dma_start3A_126] : memref<200x128xi32, #tpu.memory_space<vmem>> -> memref<1x128xi32, #tpu.memory_space<vmem>>
      %dma_start3A_128 = tpu.memref_squeeze %dma_start3A_127 : memref<1x128xi32, #tpu.memory_space<vmem>> -> memref<128xi32, #tpu.memory_space<vmem>>
      %dma_start3A_129 = arith.constant 0 : i32
      %dma_start3A_130 = arith.constant 0 : i32
      %dma_start3A_131 = tpu.memref_slice %arg3[%dma_start3A_129, %dma_start3A_130] : memref<1015808x64xf32, #tpu.memory_space<hbm>> -> memref<1015808x64xf32, #tpu.memory_space<hbm>>
      tpu.enqueue_indirect_dma source(%dma_start3A_131 : memref<1015808x64xf32, #tpu.memory_space<hbm>>) target(%dma_start3A_125 : memref<128x64xf32, #tpu.memory_space<vmem>>) offsets(%dma_start3A_128 : memref<128xi32, #tpu.memory_space<vmem>>) semaphore(%arg11 : memref<!tpu.dma_semaphore, #tpu.memory_space<semaphore_mem>>)
      %mul3A_132 = arith.constant 4 : i32
      %mul3A_133 = arith.muli %add3A_105, %mul3A_132 : i32
      %add3A_134 = arith.constant 2 : i32
      %add3A_135 = arith.addi %mul3A_133, %add3A_134 : i32
      %dma_start3A_136 = arith.constant 256 : i32
      %dma_start3A_137 = arith.constant 0 : i32
      %dma_start3A_138 = tpu.memref_slice %arg7[%dma_start3A_136, %dma_start3A_137] : memref<512x64xf32, #tpu.memory_space<vmem>> -> memref<128x64xf32, #tpu.memory_space<vmem>>
      %dma_start3A_139 = arith.constant 0 : i32
      %dma_start3A_140 = tpu.memref_slice %arg5[%add3A_135, %dma_start3A_139] : memref<200x128xi32, #tpu.memory_space<vmem>> -> memref<1x128xi32, #tpu.memory_space<vmem>>
      %dma_start3A_141 = tpu.memref_squeeze %dma_start3A_140 : memref<1x128xi32, #tpu.memory_space<vmem>> -> memref<128xi32, #tpu.memory_space<vmem>>
      %dma_start3A_142 = arith.constant 0 : i32
      %dma_start3A_143 = arith.constant 0 : i32
      %dma_start3A_144 = tpu.memref_slice %arg3[%dma_start3A_142, %dma_start3A_143] : memref<1015808x64xf32, #tpu.memory_space<hbm>> -> memref<1015808x64xf32, #tpu.memory_space<hbm>>
      tpu.enqueue_indirect_dma source(%dma_start3A_144 : memref<1015808x64xf32, #tpu.memory_space<hbm>>) target(%dma_start3A_138 : memref<128x64xf32, #tpu.memory_space<vmem>>) offsets(%dma_start3A_141 : memref<128xi32, #tpu.memory_space<vmem>>) semaphore(%arg11 : memref<!tpu.dma_semaphore, #tpu.memory_space<semaphore_mem>>)
      %mul3A_145 = arith.constant 4 : i32
      %mul3A_146 = arith.muli %add3A_105, %mul3A_145 : i32
      %add3A_147 = arith.constant 3 : i32
      %add3A_148 = arith.addi %mul3A_146, %add3A_147 : i32
      %dma_start3A_149 = arith.constant 384 : i32
      %dma_start3A_150 = arith.constant 0 : i32
      %dma_start3A_151 = tpu.memref_slice %arg7[%dma_start3A_149, %dma_start3A_150] : memref<512x64xf32, #tpu.memory_space<vmem>> -> memref<128x64xf32, #tpu.memory_space<vmem>>
      %dma_start3A_152 = arith.constant 0 : i32
      %dma_start3A_153 = tpu.memref_slice %arg5[%add3A_148, %dma_start3A_152] : memref<200x128xi32, #tpu.memory_space<vmem>> -> memref<1x128xi32, #tpu.memory_space<vmem>>
      %dma_start3A_154 = tpu.memref_squeeze %dma_start3A_153 : memref<1x128xi32, #tpu.memory_space<vmem>> -> memref<128xi32, #tpu.memory_space<vmem>>
      %dma_start3A_155 = arith.constant 0 : i32
      %dma_start3A_156 = arith.constant 0 : i32
      %dma_start3A_157 = tpu.memref_slice %arg3[%dma_start3A_155, %dma_start3A_156] : memref<1015808x64xf32, #tpu.memory_space<hbm>> -> memref<1015808x64xf32, #tpu.memory_space<hbm>>
      tpu.enqueue_indirect_dma source(%dma_start3A_157 : memref<1015808x64xf32, #tpu.memory_space<hbm>>) target(%dma_start3A_151 : memref<128x64xf32, #tpu.memory_space<vmem>>) offsets(%dma_start3A_154 : memref<128xi32, #tpu.memory_space<vmem>>) semaphore(%arg11 : memref<!tpu.dma_semaphore, #tpu.memory_space<semaphore_mem>>)
      %dma_wait3A_158 = arith.constant 0 : i32
      %dma_wait3A_159 = arith.constant 0 : i32
      %dma_wait3A_160 = tpu.memref_slice %arg3[%dma_wait3A_158, %dma_wait3A_159] : memref<1015808x64xf32, #tpu.memory_space<hbm>> -> memref<512x64xf32, #tpu.memory_space<hbm>>
      %dma_wait3A_161 = arith.constant 0 : i32
      %dma_wait3A_162 = arith.constant 0 : i32
      %dma_wait3A_163 = tpu.memref_slice %arg3[%dma_wait3A_161, %dma_wait3A_162] : memref<1015808x64xf32, #tpu.memory_space<hbm>> -> memref<512x64xf32, #tpu.memory_space<hbm>>
      tpu.wait_dma2 semaphore(%arg10 : memref<!tpu.dma_semaphore, #tpu.memory_space<semaphore_mem>>) src(%dma_wait3A_163 : memref<512x64xf32, #tpu.memory_space<hbm>>) dst(%arg6 : memref<512x64xf32, #tpu.memory_space<vmem>>)
      %gt3A = arith.constant 0 : i32
      %gt3A_164 = arith.cmpi sgt, %scan3A_99, %gt3A : i32
      %convert_element_type3A = arith.extui %gt3A_164 : i1 to i32
      %cond3A = arith.constant 0 : i32
      %cond3A_165 = arith.cmpi ne, %convert_element_type3A, %cond3A : i32
      scf.if %cond3A_165 {
        %sub3A_285 = arith.constant 2 : i32
        %sub3A_286 = arith.subi %add3A_103, %sub3A_285 : i32
        %dma_wait3A_287 = arith.constant 0 : i32
        %dma_wait3A_288 = arith.constant 0 : i32
        %dma_wait3A_289 = arith.constant 0 : i32
        %dma_wait3A_290 = arith.constant 0 : i32
        %dma_wait3A_291 = arith.constant 0 : i32
        %dma_wait3A_292 = tpu.memref_slice %arg4[%dma_wait3A_287, %dma_wait3A_288, %dma_wait3A_289, %dma_wait3A_290, %dma_wait3A_291] : memref<200x8x8x8x128xf32, #tpu.memory_space<hbm>> -> memref<1x1x8x8x128xf32, #tpu.memory_space<hbm>>
        %dma_wait3A_293 = tpu.memref_squeeze %dma_wait3A_292 : memref<1x1x8x8x128xf32, #tpu.memory_space<hbm>> -> memref<8x8x128xf32, #tpu.memory_space<hbm>>
        %dma_wait3A_294 = arith.constant 0 : i32
        %dma_wait3A_295 = arith.constant 0 : i32
        %dma_wait3A_296 = arith.constant 0 : i32
        %dma_wait3A_297 = tpu.memref_slice %arg4[%dma_wait3A_287, %dma_wait3A_288, %dma_wait3A_294, %dma_wait3A_295, %dma_wait3A_296] : memref<200x8x8x8x128xf32, #tpu.memory_space<hbm>> -> memref<1x1x8x8x128xf32, #tpu.memory_space<hbm>>
        %dma_wait3A_298 = tpu.memref_squeeze %dma_wait3A_297 : memref<1x1x8x8x128xf32, #tpu.memory_space<hbm>> -> memref<8x8x128xf32, #tpu.memory_space<hbm>>
        tpu.wait_dma2 semaphore(%arg12 : memref<!tpu.dma_semaphore, #tpu.memory_space<semaphore_mem>>) src(%dma_wait3A_298 : memref<8x8x128xf32, #tpu.memory_space<hbm>>) dst(%arg8 : memref<8x8x128xf32, #tpu.memory_space<vmem>>)
      } else {
      }
      %parallel_loop3A_166 = arith.constant 0 : i32
      %parallel_loop3A_167 = arith.constant 128 : i32
      %parallel_loop3A_168 = arith.constant 1 : i32
      scf.for %parallel_loop3A_285 = %parallel_loop3A_166 to %parallel_loop3A_167 step %parallel_loop3A_168  : i32 {
        %parallel_loop3A_286 = vector.broadcast %parallel_loop3A_285 : i32 to vector<16xi32>
        %parallel_loop3A_287 = arith.index_cast %parallel_loop3A_285 : i32 to index
        %parallel_loop3A_288 = arith.constant 0 : index
        %parallel_loop3A_289 = tpu.vector_load %arg6[%parallel_loop3A_287, %parallel_loop3A_288] {strides = array<i32>} : memref<512x64xf32, #tpu.memory_space<vmem>>, vector<16xf32>,
        %parallel_loop3A_290 = arith.constant 128 : i32
        %parallel_loop3A_291 = arith.addi %parallel_loop3A_290, %parallel_loop3A_285 : i32
        %parallel_loop3A_292 = arith.index_cast %parallel_loop3A_291 : i32 to index
        %parallel_loop3A_293 = arith.constant 0 : index
        %parallel_loop3A_294 = tpu.vector_load %arg6[%parallel_loop3A_292, %parallel_loop3A_293] {strides = array<i32>} : memref<512x64xf32, #tpu.memory_space<vmem>>, vector<16xf32>,
        %parallel_loop3A_295 = arith.addf %parallel_loop3A_289, %parallel_loop3A_294 : vector<16xf32>
        %parallel_loop3A_296 = arith.constant 256 : i32
        %parallel_loop3A_297 = arith.addi %parallel_loop3A_296, %parallel_loop3A_285 : i32
        %parallel_loop3A_298 = arith.index_cast %parallel_loop3A_297 : i32 to index
        %parallel_loop3A_299 = arith.constant 0 : index
        %parallel_loop3A_300 = tpu.vector_load %arg6[%parallel_loop3A_298, %parallel_loop3A_299] {strides = array<i32>} : memref<512x64xf32, #tpu.memory_space<vmem>>, vector<16xf32>,
        %parallel_loop3A_301 = arith.addf %parallel_loop3A_295, %parallel_loop3A_300 : vector<16xf32>
        %parallel_loop3A_302 = arith.constant 384 : i32
        %parallel_loop3A_303 = arith.addi %parallel_loop3A_302, %parallel_loop3A_285 : i32
        %parallel_loop3A_304 = arith.index_cast %parallel_loop3A_303 : i32 to index
        %parallel_loop3A_305 = arith.constant 0 : index
        %parallel_loop3A_306 = tpu.vector_load %arg6[%parallel_loop3A_304, %parallel_loop3A_305] {strides = array<i32>} : memref<512x64xf32, #tpu.memory_space<vmem>>, vector<16xf32>,
        %parallel_loop3A_307 = arith.addf %parallel_loop3A_301, %parallel_loop3A_306 : vector<16xf32>
        tpu.vector_store_idx %arg8[%add3A_13, %and3A_8, %parallel_loop3A_286], %parallel_loop3A_307 : memref<8x8x128xf32, #tpu.memory_space<vmem>>[vector<16xi32>, vector<16xi32>, vector<16xi32>], vector<16xf32>,
        %parallel_loop3A_308 = arith.index_cast %parallel_loop3A_285 : i32 to index
        %parallel_loop3A_309 = arith.constant 16 : index
        %parallel_loop3A_310 = tpu.vector_load %arg6[%parallel_loop3A_308, %parallel_loop3A_309] {strides = array<i32>} : memref<512x64xf32, #tpu.memory_space<vmem>>, vector<16xf32>,
        %parallel_loop3A_311 = arith.constant 128 : i32
        %parallel_loop3A_312 = arith.addi %parallel_loop3A_311, %parallel_loop3A_285 : i32
        %parallel_loop3A_313 = arith.index_cast %parallel_loop3A_312 : i32 to index
        %parallel_loop3A_314 = arith.constant 16 : index
        %parallel_loop3A_315 = tpu.vector_load %arg6[%parallel_loop3A_313, %parallel_loop3A_314] {strides = array<i32>} : memref<512x64xf32, #tpu.memory_space<vmem>>, vector<16xf32>,
        %parallel_loop3A_316 = arith.addf %parallel_loop3A_310, %parallel_loop3A_315 : vector<16xf32>
        %parallel_loop3A_317 = arith.constant 256 : i32
        %parallel_loop3A_318 = arith.addi %parallel_loop3A_317, %parallel_loop3A_285 : i32
        %parallel_loop3A_319 = arith.index_cast %parallel_loop3A_318 : i32 to index
        %parallel_loop3A_320 = arith.constant 16 : index
        %parallel_loop3A_321 = tpu.vector_load %arg6[%parallel_loop3A_319, %parallel_loop3A_320] {strides = array<i32>} : memref<512x64xf32, #tpu.memory_space<vmem>>, vector<16xf32>,
        %parallel_loop3A_322 = arith.addf %parallel_loop3A_316, %parallel_loop3A_321 : vector<16xf32>
        %parallel_loop3A_323 = arith.constant 384 : i32
        %parallel_loop3A_324 = arith.addi %parallel_loop3A_323, %parallel_loop3A_285 : i32
        %parallel_loop3A_325 = arith.index_cast %parallel_loop3A_324 : i32 to index
        %parallel_loop3A_326 = arith.constant 16 : index
        %parallel_loop3A_327 = tpu.vector_load %arg6[%parallel_loop3A_325, %parallel_loop3A_326] {strides = array<i32>} : memref<512x64xf32, #tpu.memory_space<vmem>>, vector<16xf32>,
        %parallel_loop3A_328 = arith.addf %parallel_loop3A_322, %parallel_loop3A_327 : vector<16xf32>
        tpu.vector_store_idx %arg8[%add3A_19, %and3A_8, %parallel_loop3A_286], %parallel_loop3A_328 : memref<8x8x128xf32, #tpu.memory_space<vmem>>[vector<16xi32>, vector<16xi32>, vector<16xi32>], vector<16xf32>,
        %parallel_loop3A_329 = arith.index_cast %parallel_loop3A_285 : i32 to index
        %parallel_loop3A_330 = arith.constant 32 : index
        %parallel_loop3A_331 = tpu.vector_load %arg6[%parallel_loop3A_329, %parallel_loop3A_330] {strides = array<i32>} : memref<512x64xf32, #tpu.memory_space<vmem>>, vector<16xf32>,
        %parallel_loop3A_332 = arith.constant 128 : i32
        %parallel_loop3A_333 = arith.addi %parallel_loop3A_332, %parallel_loop3A_285 : i32
        %parallel_loop3A_334 = arith.index_cast %parallel_loop3A_333 : i32 to index
        %parallel_loop3A_335 = arith.constant 32 : index
        %parallel_loop3A_336 = tpu.vector_load %arg6[%parallel_loop3A_334, %parallel_loop3A_335] {strides = array<i32>} : memref<512x64xf32, #tpu.memory_space<vmem>>, vector<16xf32>,
        %parallel_loop3A_337 = arith.addf %parallel_loop3A_331, %parallel_loop3A_336 : vector<16xf32>
        %parallel_loop3A_338 = arith.constant 256 : i32
        %parallel_loop3A_339 = arith.addi %parallel_loop3A_338, %parallel_loop3A_285 : i32
        %parallel_loop3A_340 = arith.index_cast %parallel_loop3A_339 : i32 to index
        %parallel_loop3A_341 = arith.constant 32 : index
        %parallel_loop3A_342 = tpu.vector_load %arg6[%parallel_loop3A_340, %parallel_loop3A_341] {strides = array<i32>} : memref<512x64xf32, #tpu.memory_space<vmem>>, vector<16xf32>,
        %parallel_loop3A_343 = arith.addf %parallel_loop3A_337, %parallel_loop3A_342 : vector<16xf32>
        %parallel_loop3A_344 = arith.constant 384 : i32
        %parallel_loop3A_345 = arith.addi %parallel_loop3A_344, %parallel_loop3A_285 : i32
        %parallel_loop3A_346 = arith.index_cast %parallel_loop3A_345 : i32 to index
        %parallel_loop3A_347 = arith.constant 32 : index
        %parallel_loop3A_348 = tpu.vector_load %arg6[%parallel_loop3A_346, %parallel_loop3A_347] {strides = array<i32>} : memref<512x64xf32, #tpu.memory_space<vmem>>, vector<16xf32>,
        %parallel_loop3A_349 = arith.addf %parallel_loop3A_343, %parallel_loop3A_348 : vector<16xf32>
        tpu.vector_store_idx %arg8[%add3A_25, %and3A_8, %parallel_loop3A_286], %parallel_loop3A_349 : memref<8x8x128xf32, #tpu.memory_space<vmem>>[vector<16xi32>, vector<16xi32>, vector<16xi32>], vector<16xf32>,
        %parallel_loop3A_350 = arith.index_cast %parallel_loop3A_285 : i32 to index
        %parallel_loop3A_351 = arith.constant 48 : index
        %parallel_loop3A_352 = tpu.vector_load %arg6[%parallel_loop3A_350, %parallel_loop3A_351] {strides = array<i32>} : memref<512x64xf32, #tpu.memory_space<vmem>>, vector<16xf32>,
        %parallel_loop3A_353 = arith.constant 128 : i32
        %parallel_loop3A_354 = arith.addi %parallel_loop3A_353, %parallel_loop3A_285 : i32
        %parallel_loop3A_355 = arith.index_cast %parallel_loop3A_354 : i32 to index
        %parallel_loop3A_356 = arith.constant 48 : index
        %parallel_loop3A_357 = tpu.vector_load %arg6[%parallel_loop3A_355, %parallel_loop3A_356] {strides = array<i32>} : memref<512x64xf32, #tpu.memory_space<vmem>>, vector<16xf32>,
        %parallel_loop3A_358 = arith.addf %parallel_loop3A_352, %parallel_loop3A_357 : vector<16xf32>
        %parallel_loop3A_359 = arith.constant 256 : i32
        %parallel_loop3A_360 = arith.addi %parallel_loop3A_359, %parallel_loop3A_285 : i32
        %parallel_loop3A_361 = arith.index_cast %parallel_loop3A_360 : i32 to index
        %parallel_loop3A_362 = arith.constant 48 : index
        %parallel_loop3A_363 = tpu.vector_load %arg6[%parallel_loop3A_361, %parallel_loop3A_362] {strides = array<i32>} : memref<512x64xf32, #tpu.memory_space<vmem>>, vector<16xf32>,
        %parallel_loop3A_364 = arith.addf %parallel_loop3A_358, %parallel_loop3A_363 : vector<16xf32>
        %parallel_loop3A_365 = arith.constant 384 : i32
        %parallel_loop3A_366 = arith.addi %parallel_loop3A_365, %parallel_loop3A_285 : i32
        %parallel_loop3A_367 = arith.index_cast %parallel_loop3A_366 : i32 to index
        %parallel_loop3A_368 = arith.constant 48 : index
        %parallel_loop3A_369 = tpu.vector_load %arg6[%parallel_loop3A_367, %parallel_loop3A_368] {strides = array<i32>} : memref<512x64xf32, #tpu.memory_space<vmem>>, vector<16xf32>,
        %parallel_loop3A_370 = arith.addf %parallel_loop3A_364, %parallel_loop3A_369 : vector<16xf32>
        tpu.vector_store_idx %arg8[%add3A_31, %and3A_8, %parallel_loop3A_286], %parallel_loop3A_370 : memref<8x8x128xf32, #tpu.memory_space<vmem>>[vector<16xi32>, vector<16xi32>, vector<16xi32>], vector<16xf32>,
      } {sc.loop_unroll_factor = 4 : i64, sc.parallel_access}
      %add3A_169 = arith.addi %mul3A_2, %add3A_103 : i32
      %jit3A = arith.constant 8 : i32
      %div3A = arith.divsi %add3A_169, %jit3A : i32
      %sign3A = arith.constant 0 : i32
      %sign3A_170 = arith.cmpi sgt, %add3A_169, %sign3A : i32
      %sign3A_171 = arith.extui %sign3A_170 : i1 to i32
      %sign3A_172 = arith.constant 0 : i32
      %sign3A_173 = arith.cmpi slt, %add3A_169, %sign3A_172 : i32
      %sign3A_174 = arith.extui %sign3A_173 : i1 to i32
      %sign3A_175 = arith.subi %sign3A_171, %sign3A_174 : i32
      %sign3A_176 = arith.constant 0 : i32
      %sign3A_177 = arith.cmpi sgt, %jit3A, %sign3A_176 : i32
      %sign3A_178 = arith.extui %sign3A_177 : i1 to i32
      %sign3A_179 = arith.constant 0 : i32
      %sign3A_180 = arith.cmpi slt, %jit3A, %sign3A_179 : i32
      %sign3A_181 = arith.extui %sign3A_180 : i1 to i32
      %sign3A_182 = arith.subi %sign3A_178, %sign3A_181 : i32
      %ne3A = arith.cmpi ne, %sign3A_175, %sign3A_182 : i32
      %rem3A = arith.remsi %add3A_169, %jit3A : i32
      %ne3A_183 = arith.constant 0 : i32
      %ne3A_184 = arith.cmpi ne, %rem3A, %ne3A_183 : i32
      %and3A_185 = arith.andi %ne3A, %ne3A_184 : i1
      %sub3A = arith.constant 1 : i32
      %sub3A_186 = arith.subi %div3A, %sub3A : i32
      %select_n3A = arith.select %and3A_185, %sub3A_186, %div3A : i32
      %jit3A_187 = arith.constant 8 : i32
      %eq3A = arith.constant 0 : i32
      %eq3A_188 = arith.cmpi eq, %jit3A_187, %eq3A : i32
      %jit3A_189 = arith.constant 1 : i32
      %select_n3A_190 = arith.select %eq3A_188, %jit3A_189, %jit3A_187 : i32
      %rem3A_191 = arith.remsi %add3A_169, %select_n3A_190 : i32
      %ne3A_192 = arith.constant 0 : i32
      %ne3A_193 = arith.cmpi ne, %rem3A_191, %ne3A_192 : i32
      %lt3A = arith.constant 0 : i32
      %lt3A_194 = arith.cmpi slt, %rem3A_191, %lt3A : i32
      %lt3A_195 = arith.constant 0 : i32
      %lt3A_196 = arith.cmpi slt, %select_n3A_190, %lt3A_195 : i32
      %ne3A_197 = arith.xori %lt3A_194, %lt3A_196 : i1
      %and3A_198 = arith.andi %ne3A_197, %ne3A_193 : i1
      %add3A_199 = arith.addi %rem3A_191, %select_n3A_190 : i32
      %select_n3A_200 = arith.select %and3A_198, %add3A_199, %rem3A_191 : i32
      %dma_start3A_201 = arith.constant 0 : i32
      %dma_start3A_202 = arith.constant 0 : i32
      %dma_start3A_203 = arith.constant 0 : i32
      %dma_start3A_204 = tpu.memref_slice %arg4[%select_n3A, %dma_start3A_201, %select_n3A_200, %dma_start3A_202, %dma_start3A_203] : memref<200x8x8x8x128xf32, #tpu.memory_space<hbm>> -> memref<1x8x1x8x128xf32, #tpu.memory_space<hbm>>
      %dma_start3A_205 = tpu.memref_squeeze %dma_start3A_204 : memref<1x8x1x8x128xf32, #tpu.memory_space<hbm>> -> memref<8x8x128xf32, #tpu.memory_space<hbm>>
      %dma_start3A_206 = arith.constant 0 : i32
      %dma_start3A_207 = arith.constant 0 : i32
      %dma_start3A_208 = arith.constant 0 : i32
      %dma_start3A_209 = tpu.memref_slice %arg4[%select_n3A, %dma_start3A_206, %select_n3A_200, %dma_start3A_207, %dma_start3A_208] : memref<200x8x8x8x128xf32, #tpu.memory_space<hbm>> -> memref<1x8x1x8x128xf32, #tpu.memory_space<hbm>>
      %dma_start3A_210 = tpu.memref_squeeze %dma_start3A_209 : memref<1x8x1x8x128xf32, #tpu.memory_space<hbm>> -> memref<8x8x128xf32, #tpu.memory_space<hbm>>
      tpu.enqueue_dma source(%arg8 : memref<8x8x128xf32, #tpu.memory_space<vmem>>) target(%dma_start3A_210 : memref<8x8x128xf32, #tpu.memory_space<hbm>>) target_semaphore(%arg12 : memref<!tpu.dma_semaphore, #tpu.memory_space<semaphore_mem>>)
      %mul3A_211 = arith.constant 2 : i32
      %mul3A_212 = arith.muli %mul3A_211, %scan3A_99 : i32
      %add3A_213 = arith.constant 1 : i32
      %add3A_214 = arith.addi %mul3A_212, %add3A_213 : i32
      %lt3A_215 = arith.constant 24 : i32
      %lt3A_216 = arith.cmpi slt, %scan3A_99, %lt3A_215 : i32
      %convert_element_type3A_217 = arith.extui %lt3A_216 : i1 to i32
      %cond3A_218 = arith.constant 0 : i32
      %cond3A_219 = arith.cmpi ne, %convert_element_type3A_217, %cond3A_218 : i32
      scf.if %cond3A_219 {
        %add3A_285 = arith.constant 1 : i32
        %add3A_286 = arith.addi %add3A_214, %add3A_285 : i32
        %mul3A_287 = arith.constant 4 : i32
        %mul3A_288 = arith.muli %add3A_286, %mul3A_287 : i32
        %add3A_289 = arith.constant 0 : i32
        %add3A_290 = arith.addi %mul3A_288, %add3A_289 : i32
        %dma_start3A_291 = arith.constant 0 : i32
        %dma_start3A_292 = arith.constant 0 : i32
        %dma_start3A_293 = tpu.memref_slice %arg6[%dma_start3A_291, %dma_start3A_292] : memref<512x64xf32, #tpu.memory_space<vmem>> -> memref<128x64xf32, #tpu.memory_space<vmem>>
        %dma_start3A_294 = arith.constant 0 : i32
        %dma_start3A_295 = tpu.memref_slice %arg5[%add3A_290, %dma_start3A_294] : memref<200x128xi32, #tpu.memory_space<vmem>> -> memref<1x128xi32, #tpu.memory_space<vmem>>
        %dma_start3A_296 = tpu.memref_squeeze %dma_start3A_295 : memref<1x128xi32, #tpu.memory_space<vmem>> -> memref<128xi32, #tpu.memory_space<vmem>>
        %dma_start3A_297 = arith.constant 0 : i32
        %dma_start3A_298 = arith.constant 0 : i32
        %dma_start3A_299 = tpu.memref_slice %arg3[%dma_start3A_297, %dma_start3A_298] : memref<1015808x64xf32, #tpu.memory_space<hbm>> -> memref<1015808x64xf32, #tpu.memory_space<hbm>>
        tpu.enqueue_indirect_dma source(%dma_start3A_299 : memref<1015808x64xf32, #tpu.memory_space<hbm>>) target(%dma_start3A_293 : memref<128x64xf32, #tpu.memory_space<vmem>>) offsets(%dma_start3A_296 : memref<128xi32, #tpu.memory_space<vmem>>) semaphore(%arg10 : memref<!tpu.dma_semaphore, #tpu.memory_space<semaphore_mem>>)
        %mul3A_300 = arith.constant 4 : i32
        %mul3A_301 = arith.muli %add3A_286, %mul3A_300 : i32
        %add3A_302 = arith.constant 1 : i32
        %add3A_303 = arith.addi %mul3A_301, %add3A_302 : i32
        %dma_start3A_304 = arith.constant 128 : i32
        %dma_start3A_305 = arith.constant 0 : i32
        %dma_start3A_306 = tpu.memref_slice %arg6[%dma_start3A_304, %dma_start3A_305] : memref<512x64xf32, #tpu.memory_space<vmem>> -> memref<128x64xf32, #tpu.memory_space<vmem>>
        %dma_start3A_307 = arith.constant 0 : i32
        %dma_start3A_308 = tpu.memref_slice %arg5[%add3A_303, %dma_start3A_307] : memref<200x128xi32, #tpu.memory_space<vmem>> -> memref<1x128xi32, #tpu.memory_space<vmem>>
        %dma_start3A_309 = tpu.memref_squeeze %dma_start3A_308 : memref<1x128xi32, #tpu.memory_space<vmem>> -> memref<128xi32, #tpu.memory_space<vmem>>
        %dma_start3A_310 = arith.constant 0 : i32
        %dma_start3A_311 = arith.constant 0 : i32
        %dma_start3A_312 = tpu.memref_slice %arg3[%dma_start3A_310, %dma_start3A_311] : memref<1015808x64xf32, #tpu.memory_space<hbm>> -> memref<1015808x64xf32, #tpu.memory_space<hbm>>
        tpu.enqueue_indirect_dma source(%dma_start3A_312 : memref<1015808x64xf32, #tpu.memory_space<hbm>>) target(%dma_start3A_306 : memref<128x64xf32, #tpu.memory_space<vmem>>) offsets(%dma_start3A_309 : memref<128xi32, #tpu.memory_space<vmem>>) semaphore(%arg10 : memref<!tpu.dma_semaphore, #tpu.memory_space<semaphore_mem>>)
        %mul3A_313 = arith.constant 4 : i32
        %mul3A_314 = arith.muli %add3A_286, %mul3A_313 : i32
        %add3A_315 = arith.constant 2 : i32
        %add3A_316 = arith.addi %mul3A_314, %add3A_315 : i32
        %dma_start3A_317 = arith.constant 256 : i32
        %dma_start3A_318 = arith.constant 0 : i32
        %dma_start3A_319 = tpu.memref_slice %arg6[%dma_start3A_317, %dma_start3A_318] : memref<512x64xf32, #tpu.memory_space<vmem>> -> memref<128x64xf32, #tpu.memory_space<vmem>>
        %dma_start3A_320 = arith.constant 0 : i32
        %dma_start3A_321 = tpu.memref_slice %arg5[%add3A_316, %dma_start3A_320] : memref<200x128xi32, #tpu.memory_space<vmem>> -> memref<1x128xi32, #tpu.memory_space<vmem>>
        %dma_start3A_322 = tpu.memref_squeeze %dma_start3A_321 : memref<1x128xi32, #tpu.memory_space<vmem>> -> memref<128xi32, #tpu.memory_space<vmem>>
        %dma_start3A_323 = arith.constant 0 : i32
        %dma_start3A_324 = arith.constant 0 : i32
        %dma_start3A_325 = tpu.memref_slice %arg3[%dma_start3A_323, %dma_start3A_324] : memref<1015808x64xf32, #tpu.memory_space<hbm>> -> memref<1015808x64xf32, #tpu.memory_space<hbm>>
        tpu.enqueue_indirect_dma source(%dma_start3A_325 : memref<1015808x64xf32, #tpu.memory_space<hbm>>) target(%dma_start3A_319 : memref<128x64xf32, #tpu.memory_space<vmem>>) offsets(%dma_start3A_322 : memref<128xi32, #tpu.memory_space<vmem>>) semaphore(%arg10 : memref<!tpu.dma_semaphore, #tpu.memory_space<semaphore_mem>>)
        %mul3A_326 = arith.constant 4 : i32
        %mul3A_327 = arith.muli %add3A_286, %mul3A_326 : i32
        %add3A_328 = arith.constant 3 : i32
        %add3A_329 = arith.addi %mul3A_327, %add3A_328 : i32
        %dma_start3A_330 = arith.constant 384 : i32
        %dma_start3A_331 = arith.constant 0 : i32
        %dma_start3A_332 = tpu.memref_slice %arg6[%dma_start3A_330, %dma_start3A_331] : memref<512x64xf32, #tpu.memory_space<vmem>> -> memref<128x64xf32, #tpu.memory_space<vmem>>
        %dma_start3A_333 = arith.constant 0 : i32
        %dma_start3A_334 = tpu.memref_slice %arg5[%add3A_329, %dma_start3A_333] : memref<200x128xi32, #tpu.memory_space<vmem>> -> memref<1x128xi32, #tpu.memory_space<vmem>>
        %dma_start3A_335 = tpu.memref_squeeze %dma_start3A_334 : memref<1x128xi32, #tpu.memory_space<vmem>> -> memref<128xi32, #tpu.memory_space<vmem>>
        %dma_start3A_336 = arith.constant 0 : i32
        %dma_start3A_337 = arith.constant 0 : i32
        %dma_start3A_338 = tpu.memref_slice %arg3[%dma_start3A_336, %dma_start3A_337] : memref<1015808x64xf32, #tpu.memory_space<hbm>> -> memref<1015808x64xf32, #tpu.memory_space<hbm>>
        tpu.enqueue_indirect_dma source(%dma_start3A_338 : memref<1015808x64xf32, #tpu.memory_space<hbm>>) target(%dma_start3A_332 : memref<128x64xf32, #tpu.memory_space<vmem>>) offsets(%dma_start3A_335 : memref<128xi32, #tpu.memory_space<vmem>>) semaphore(%arg10 : memref<!tpu.dma_semaphore, #tpu.memory_space<semaphore_mem>>)
      } else {
      }
      %dma_wait3A_220 = arith.constant 0 : i32
      %dma_wait3A_221 = arith.constant 0 : i32
      %dma_wait3A_222 = tpu.memref_slice %arg3[%dma_wait3A_220, %dma_wait3A_221] : memref<1015808x64xf32, #tpu.memory_space<hbm>> -> memref<512x64xf32, #tpu.memory_space<hbm>>
      %dma_wait3A_223 = arith.constant 0 : i32
      %dma_wait3A_224 = arith.constant 0 : i32
      %dma_wait3A_225 = tpu.memref_slice %arg3[%dma_wait3A_223, %dma_wait3A_224] : memref<1015808x64xf32, #tpu.memory_space<hbm>> -> memref<512x64xf32, #tpu.memory_space<hbm>>
      tpu.wait_dma2 semaphore(%arg11 : memref<!tpu.dma_semaphore, #tpu.memory_space<semaphore_mem>>) src(%dma_wait3A_225 : memref<512x64xf32, #tpu.memory_space<hbm>>) dst(%arg7 : memref<512x64xf32, #tpu.memory_space<vmem>>)
      %gt3A_226 = arith.constant 0 : i32
      %gt3A_227 = arith.cmpi sgt, %scan3A_99, %gt3A_226 : i32
      %convert_element_type3A_228 = arith.extui %gt3A_227 : i1 to i32
      %cond3A_229 = arith.constant 0 : i32
      %cond3A_230 = arith.cmpi ne, %convert_element_type3A_228, %cond3A_229 : i32
      scf.if %cond3A_230 {
        %sub3A_285 = arith.constant 2 : i32
        %sub3A_286 = arith.subi %add3A_214, %sub3A_285 : i32
        %dma_wait3A_287 = arith.constant 0 : i32
        %dma_wait3A_288 = arith.constant 0 : i32
        %dma_wait3A_289 = arith.constant 0 : i32
        %dma_wait3A_290 = arith.constant 0 : i32
        %dma_wait3A_291 = arith.constant 0 : i32
        %dma_wait3A_292 = tpu.memref_slice %arg4[%dma_wait3A_287, %dma_wait3A_288, %dma_wait3A_289, %dma_wait3A_290, %dma_wait3A_291] : memref<200x8x8x8x128xf32, #tpu.memory_space<hbm>> -> memref<1x1x8x8x128xf32, #tpu.memory_space<hbm>>
        %dma_wait3A_293 = tpu.memref_squeeze %dma_wait3A_292 : memref<1x1x8x8x128xf32, #tpu.memory_space<hbm>> -> memref<8x8x128xf32, #tpu.memory_space<hbm>>
        %dma_wait3A_294 = arith.constant 0 : i32
        %dma_wait3A_295 = arith.constant 0 : i32
        %dma_wait3A_296 = arith.constant 0 : i32
        %dma_wait3A_297 = tpu.memref_slice %arg4[%dma_wait3A_287, %dma_wait3A_288, %dma_wait3A_294, %dma_wait3A_295, %dma_wait3A_296] : memref<200x8x8x8x128xf32, #tpu.memory_space<hbm>> -> memref<1x1x8x8x128xf32, #tpu.memory_space<hbm>>
        %dma_wait3A_298 = tpu.memref_squeeze %dma_wait3A_297 : memref<1x1x8x8x128xf32, #tpu.memory_space<hbm>> -> memref<8x8x128xf32, #tpu.memory_space<hbm>>
        tpu.wait_dma2 semaphore(%arg13 : memref<!tpu.dma_semaphore, #tpu.memory_space<semaphore_mem>>) src(%dma_wait3A_298 : memref<8x8x128xf32, #tpu.memory_space<hbm>>) dst(%arg9 : memref<8x8x128xf32, #tpu.memory_space<vmem>>)
      } else {
      }
      %parallel_loop3A_231 = arith.constant 0 : i32
      %parallel_loop3A_232 = arith.constant 128 : i32
      %parallel_loop3A_233 = arith.constant 1 : i32
      scf.for %parallel_loop3A_285 = %parallel_loop3A_231 to %parallel_loop3A_232 step %parallel_loop3A_233  : i32 {
        %parallel_loop3A_286 = vector.broadcast %parallel_loop3A_285 : i32 to vector<16xi32>
        %parallel_loop3A_287 = arith.index_cast %parallel_loop3A_285 : i32 to index
        %parallel_loop3A_288 = arith.constant 0 : index
        %parallel_loop3A_289 = tpu.vector_load %arg7[%parallel_loop3A_287, %parallel_loop3A_288] {strides = array<i32>} : memref<512x64xf32, #tpu.memory_space<vmem>>, vector<16xf32>,
        %parallel_loop3A_290 = arith.constant 128 : i32
        %parallel_loop3A_291 = arith.addi %parallel_loop3A_290, %parallel_loop3A_285 : i32
        %parallel_loop3A_292 = arith.index_cast %parallel_loop3A_291 : i32 to index
        %parallel_loop3A_293 = arith.constant 0 : index
        %parallel_loop3A_294 = tpu.vector_load %arg7[%parallel_loop3A_292, %parallel_loop3A_293] {strides = array<i32>} : memref<512x64xf32, #tpu.memory_space<vmem>>, vector<16xf32>,
        %parallel_loop3A_295 = arith.addf %parallel_loop3A_289, %parallel_loop3A_294 : vector<16xf32>
        %parallel_loop3A_296 = arith.constant 256 : i32
        %parallel_loop3A_297 = arith.addi %parallel_loop3A_296, %parallel_loop3A_285 : i32
        %parallel_loop3A_298 = arith.index_cast %parallel_loop3A_297 : i32 to index
        %parallel_loop3A_299 = arith.constant 0 : index
        %parallel_loop3A_300 = tpu.vector_load %arg7[%parallel_loop3A_298, %parallel_loop3A_299] {strides = array<i32>} : memref<512x64xf32, #tpu.memory_space<vmem>>, vector<16xf32>,
        %parallel_loop3A_301 = arith.addf %parallel_loop3A_295, %parallel_loop3A_300 : vector<16xf32>
        %parallel_loop3A_302 = arith.constant 384 : i32
        %parallel_loop3A_303 = arith.addi %parallel_loop3A_302, %parallel_loop3A_285 : i32
        %parallel_loop3A_304 = arith.index_cast %parallel_loop3A_303 : i32 to index
        %parallel_loop3A_305 = arith.constant 0 : index
        %parallel_loop3A_306 = tpu.vector_load %arg7[%parallel_loop3A_304, %parallel_loop3A_305] {strides = array<i32>} : memref<512x64xf32, #tpu.memory_space<vmem>>, vector<16xf32>,
        %parallel_loop3A_307 = arith.addf %parallel_loop3A_301, %parallel_loop3A_306 : vector<16xf32>
        tpu.vector_store_idx %arg9[%add3A_13, %and3A_8, %parallel_loop3A_286], %parallel_loop3A_307 : memref<8x8x128xf32, #tpu.memory_space<vmem>>[vector<16xi32>, vector<16xi32>, vector<16xi32>], vector<16xf32>,
        %parallel_loop3A_308 = arith.index_cast %parallel_loop3A_285 : i32 to index
        %parallel_loop3A_309 = arith.constant 16 : index
        %parallel_loop3A_310 = tpu.vector_load %arg7[%parallel_loop3A_308, %parallel_loop3A_309] {strides = array<i32>} : memref<512x64xf32, #tpu.memory_space<vmem>>, vector<16xf32>,
        %parallel_loop3A_311 = arith.constant 128 : i32
        %parallel_loop3A_312 = arith.addi %parallel_loop3A_311, %parallel_loop3A_285 : i32
        %parallel_loop3A_313 = arith.index_cast %parallel_loop3A_312 : i32 to index
        %parallel_loop3A_314 = arith.constant 16 : index
        %parallel_loop3A_315 = tpu.vector_load %arg7[%parallel_loop3A_313, %parallel_loop3A_314] {strides = array<i32>} : memref<512x64xf32, #tpu.memory_space<vmem>>, vector<16xf32>,
        %parallel_loop3A_316 = arith.addf %parallel_loop3A_310, %parallel_loop3A_315 : vector<16xf32>
        %parallel_loop3A_317 = arith.constant 256 : i32
        %parallel_loop3A_318 = arith.addi %parallel_loop3A_317, %parallel_loop3A_285 : i32
        %parallel_loop3A_319 = arith.index_cast %parallel_loop3A_318 : i32 to index
        %parallel_loop3A_320 = arith.constant 16 : index
        %parallel_loop3A_321 = tpu.vector_load %arg7[%parallel_loop3A_319, %parallel_loop3A_320] {strides = array<i32>} : memref<512x64xf32, #tpu.memory_space<vmem>>, vector<16xf32>,
        %parallel_loop3A_322 = arith.addf %parallel_loop3A_316, %parallel_loop3A_321 : vector<16xf32>
        %parallel_loop3A_323 = arith.constant 384 : i32
        %parallel_loop3A_324 = arith.addi %parallel_loop3A_323, %parallel_loop3A_285 : i32
        %parallel_loop3A_325 = arith.index_cast %parallel_loop3A_324 : i32 to index
        %parallel_loop3A_326 = arith.constant 16 : index
        %parallel_loop3A_327 = tpu.vector_load %arg7[%parallel_loop3A_325, %parallel_loop3A_326] {strides = array<i32>} : memref<512x64xf32, #tpu.memory_space<vmem>>, vector<16xf32>,
        %parallel_loop3A_328 = arith.addf %parallel_loop3A_322, %parallel_loop3A_327 : vector<16xf32>
        tpu.vector_store_idx %arg9[%add3A_19, %and3A_8, %parallel_loop3A_286], %parallel_loop3A_328 : memref<8x8x128xf32, #tpu.memory_space<vmem>>[vector<16xi32>, vector<16xi32>, vector<16xi32>], vector<16xf32>,
        %parallel_loop3A_329 = arith.index_cast %parallel_loop3A_285 : i32 to index
        %parallel_loop3A_330 = arith.constant 32 : index
        %parallel_loop3A_331 = tpu.vector_load %arg7[%parallel_loop3A_329, %parallel_loop3A_330] {strides = array<i32>} : memref<512x64xf32, #tpu.memory_space<vmem>>, vector<16xf32>,
        %parallel_loop3A_332 = arith.constant 128 : i32
        %parallel_loop3A_333 = arith.addi %parallel_loop3A_332, %parallel_loop3A_285 : i32
        %parallel_loop3A_334 = arith.index_cast %parallel_loop3A_333 : i32 to index
        %parallel_loop3A_335 = arith.constant 32 : index
        %parallel_loop3A_336 = tpu.vector_load %arg7[%parallel_loop3A_334, %parallel_loop3A_335] {strides = array<i32>} : memref<512x64xf32, #tpu.memory_space<vmem>>, vector<16xf32>,
        %parallel_loop3A_337 = arith.addf %parallel_loop3A_331, %parallel_loop3A_336 : vector<16xf32>
        %parallel_loop3A_338 = arith.constant 256 : i32
        %parallel_loop3A_339 = arith.addi %parallel_loop3A_338, %parallel_loop3A_285 : i32
        %parallel_loop3A_340 = arith.index_cast %parallel_loop3A_339 : i32 to index
        %parallel_loop3A_341 = arith.constant 32 : index
        %parallel_loop3A_342 = tpu.vector_load %arg7[%parallel_loop3A_340, %parallel_loop3A_341] {strides = array<i32>} : memref<512x64xf32, #tpu.memory_space<vmem>>, vector<16xf32>,
        %parallel_loop3A_343 = arith.addf %parallel_loop3A_337, %parallel_loop3A_342 : vector<16xf32>
        %parallel_loop3A_344 = arith.constant 384 : i32
        %parallel_loop3A_345 = arith.addi %parallel_loop3A_344, %parallel_loop3A_285 : i32
        %parallel_loop3A_346 = arith.index_cast %parallel_loop3A_345 : i32 to index
        %parallel_loop3A_347 = arith.constant 32 : index
        %parallel_loop3A_348 = tpu.vector_load %arg7[%parallel_loop3A_346, %parallel_loop3A_347] {strides = array<i32>} : memref<512x64xf32, #tpu.memory_space<vmem>>, vector<16xf32>,
        %parallel_loop3A_349 = arith.addf %parallel_loop3A_343, %parallel_loop3A_348 : vector<16xf32>
        tpu.vector_store_idx %arg9[%add3A_25, %and3A_8, %parallel_loop3A_286], %parallel_loop3A_349 : memref<8x8x128xf32, #tpu.memory_space<vmem>>[vector<16xi32>, vector<16xi32>, vector<16xi32>], vector<16xf32>,
        %parallel_loop3A_350 = arith.index_cast %parallel_loop3A_285 : i32 to index
        %parallel_loop3A_351 = arith.constant 48 : index
        %parallel_loop3A_352 = tpu.vector_load %arg7[%parallel_loop3A_350, %parallel_loop3A_351] {strides = array<i32>} : memref<512x64xf32, #tpu.memory_space<vmem>>, vector<16xf32>,
        %parallel_loop3A_353 = arith.constant 128 : i32
        %parallel_loop3A_354 = arith.addi %parallel_loop3A_353, %parallel_loop3A_285 : i32
        %parallel_loop3A_355 = arith.index_cast %parallel_loop3A_354 : i32 to index
        %parallel_loop3A_356 = arith.constant 48 : index
        %parallel_loop3A_357 = tpu.vector_load %arg7[%parallel_loop3A_355, %parallel_loop3A_356] {strides = array<i32>} : memref<512x64xf32, #tpu.memory_space<vmem>>, vector<16xf32>,
        %parallel_loop3A_358 = arith.addf %parallel_loop3A_352, %parallel_loop3A_357 : vector<16xf32>
        %parallel_loop3A_359 = arith.constant 256 : i32
        %parallel_loop3A_360 = arith.addi %parallel_loop3A_359, %parallel_loop3A_285 : i32
        %parallel_loop3A_361 = arith.index_cast %parallel_loop3A_360 : i32 to index
        %parallel_loop3A_362 = arith.constant 48 : index
        %parallel_loop3A_363 = tpu.vector_load %arg7[%parallel_loop3A_361, %parallel_loop3A_362] {strides = array<i32>} : memref<512x64xf32, #tpu.memory_space<vmem>>, vector<16xf32>,
        %parallel_loop3A_364 = arith.addf %parallel_loop3A_358, %parallel_loop3A_363 : vector<16xf32>
        %parallel_loop3A_365 = arith.constant 384 : i32
        %parallel_loop3A_366 = arith.addi %parallel_loop3A_365, %parallel_loop3A_285 : i32
        %parallel_loop3A_367 = arith.index_cast %parallel_loop3A_366 : i32 to index
        %parallel_loop3A_368 = arith.constant 48 : index
        %parallel_loop3A_369 = tpu.vector_load %arg7[%parallel_loop3A_367, %parallel_loop3A_368] {strides = array<i32>} : memref<512x64xf32, #tpu.memory_space<vmem>>, vector<16xf32>,
        %parallel_loop3A_370 = arith.addf %parallel_loop3A_364, %parallel_loop3A_369 : vector<16xf32>
        tpu.vector_store_idx %arg9[%add3A_31, %and3A_8, %parallel_loop3A_286], %parallel_loop3A_370 : memref<8x8x128xf32, #tpu.memory_space<vmem>>[vector<16xi32>, vector<16xi32>, vector<16xi32>], vector<16xf32>,
      } {sc.loop_unroll_factor = 4 : i64, sc.parallel_access}
      %add3A_234 = arith.addi %mul3A_2, %add3A_214 : i32
      %jit3A_235 = arith.constant 8 : i32
      %div3A_236 = arith.divsi %add3A_234, %jit3A_235 : i32
      %sign3A_237 = arith.constant 0 : i32
      %sign3A_238 = arith.cmpi sgt, %add3A_234, %sign3A_237 : i32
      %sign3A_239 = arith.extui %sign3A_238 : i1 to i32
      %sign3A_240 = arith.constant 0 : i32
      %sign3A_241 = arith.cmpi slt, %add3A_234, %sign3A_240 : i32
      %sign3A_242 = arith.extui %sign3A_241 : i1 to i32
      %sign3A_243 = arith.subi %sign3A_239, %sign3A_242 : i32
      %sign3A_244 = arith.constant 0 : i32
      %sign3A_245 = arith.cmpi sgt, %jit3A_235, %sign3A_244 : i32
      %sign3A_246 = arith.extui %sign3A_245 : i1 to i32
      %sign3A_247 = arith.constant 0 : i32
      %sign3A_248 = arith.cmpi slt, %jit3A_235, %sign3A_247 : i32
      %sign3A_249 = arith.extui %sign3A_248 : i1 to i32
      %sign3A_250 = arith.subi %sign3A_246, %sign3A_249 : i32
      %ne3A_251 = arith.cmpi ne, %sign3A_243, %sign3A_250 : i32
      %rem3A_252 = arith.remsi %add3A_234, %jit3A_235 : i32
      %ne3A_253 = arith.constant 0 : i32
      %ne3A_254 = arith.cmpi ne, %rem3A_252, %ne3A_253 : i32
      %and3A_255 = arith.andi %ne3A_251, %ne3A_254 : i1
      %sub3A_256 = arith.constant 1 : i32
      %sub3A_257 = arith.subi %div3A_236, %sub3A_256 : i32
      %select_n3A_258 = arith.select %and3A_255, %sub3A_257, %div3A_236 : i32
      %jit3A_259 = arith.constant 8 : i32
      %eq3A_260 = arith.constant 0 : i32
      %eq3A_261 = arith.cmpi eq, %jit3A_259, %eq3A_260 : i32
      %jit3A_262 = arith.constant 1 : i32
      %select_n3A_263 = arith.select %eq3A_261, %jit3A_262, %jit3A_259 : i32
      %rem3A_264 = arith.remsi %add3A_234, %select_n3A_263 : i32
      %ne3A_265 = arith.constant 0 : i32
      %ne3A_266 = arith.cmpi ne, %rem3A_264, %ne3A_265 : i32
      %lt3A_267 = arith.constant 0 : i32
      %lt3A_268 = arith.cmpi slt, %rem3A_264, %lt3A_267 : i32
      %lt3A_269 = arith.constant 0 : i32
      %lt3A_270 = arith.cmpi slt, %select_n3A_263, %lt3A_269 : i32
      %ne3A_271 = arith.xori %lt3A_268, %lt3A_270 : i1
      %and3A_272 = arith.andi %ne3A_271, %ne3A_266 : i1
      %add3A_273 = arith.addi %rem3A_264, %select_n3A_263 : i32
      %select_n3A_274 = arith.select %and3A_272, %add3A_273, %rem3A_264 : i32
      %dma_start3A_275 = arith.constant 0 : i32
      %dma_start3A_276 = arith.constant 0 : i32
      %dma_start3A_277 = arith.constant 0 : i32
      %dma_start3A_278 = tpu.memref_slice %arg4[%select_n3A_258, %dma_start3A_275, %select_n3A_274, %dma_start3A_276, %dma_start3A_277] : memref<200x8x8x8x128xf32, #tpu.memory_space<hbm>> -> memref<1x8x1x8x128xf32, #tpu.memory_space<hbm>>
      %dma_start3A_279 = tpu.memref_squeeze %dma_start3A_278 : memref<1x8x1x8x128xf32, #tpu.memory_space<hbm>> -> memref<8x8x128xf32, #tpu.memory_space<hbm>>
      %dma_start3A_280 = arith.constant 0 : i32
      %dma_start3A_281 = arith.constant 0 : i32
      %dma_start3A_282 = arith.constant 0 : i32
      %dma_start3A_283 = tpu.memref_slice %arg4[%select_n3A_258, %dma_start3A_280, %select_n3A_274, %dma_start3A_281, %dma_start3A_282] : memref<200x8x8x8x128xf32, #tpu.memory_space<hbm>> -> memref<1x8x1x8x128xf32, #tpu.memory_space<hbm>>
      %dma_start3A_284 = tpu.memref_squeeze %dma_start3A_283 : memref<1x8x1x8x128xf32, #tpu.memory_space<hbm>> -> memref<8x8x128xf32, #tpu.memory_space<hbm>>
      tpu.enqueue_dma source(%arg9 : memref<8x8x128xf32, #tpu.memory_space<vmem>>) target(%dma_start3A_284 : memref<8x8x128xf32, #tpu.memory_space<hbm>>) target_semaphore(%arg13 : memref<!tpu.dma_semaphore, #tpu.memory_space<semaphore_mem>>)
    }
    %scan3A_75 = arith.constant 25 : i32
    %dma_wait3A = arith.constant 0 : i32
    %dma_wait3A_76 = arith.constant 0 : i32
    %dma_wait3A_77 = arith.constant 0 : i32
    %dma_wait3A_78 = arith.constant 0 : i32
    %dma_wait3A_79 = arith.constant 0 : i32
    %dma_wait3A_80 = tpu.memref_slice %arg4[%dma_wait3A, %dma_wait3A_76, %dma_wait3A_77, %dma_wait3A_78, %dma_wait3A_79] : memref<200x8x8x8x128xf32, #tpu.memory_space<hbm>> -> memref<1x1x8x8x128xf32, #tpu.memory_space<hbm>>
    %dma_wait3A_81 = tpu.memref_squeeze %dma_wait3A_80 : memref<1x1x8x8x128xf32, #tpu.memory_space<hbm>> -> memref<8x8x128xf32, #tpu.memory_space<hbm>>
    %dma_wait3A_82 = arith.constant 0 : i32
    %dma_wait3A_83 = arith.constant 0 : i32
    %dma_wait3A_84 = arith.constant 0 : i32
    %dma_wait3A_85 = tpu.memref_slice %arg4[%dma_wait3A, %dma_wait3A_76, %dma_wait3A_82, %dma_wait3A_83, %dma_wait3A_84] : memref<200x8x8x8x128xf32, #tpu.memory_space<hbm>> -> memref<1x1x8x8x128xf32, #tpu.memory_space<hbm>>
    %dma_wait3A_86 = tpu.memref_squeeze %dma_wait3A_85 : memref<1x1x8x8x128xf32, #tpu.memory_space<hbm>> -> memref<8x8x128xf32, #tpu.memory_space<hbm>>
    tpu.wait_dma2 semaphore(%arg12 : memref<!tpu.dma_semaphore, #tpu.memory_space<semaphore_mem>>) src(%dma_wait3A_86 : memref<8x8x128xf32, #tpu.memory_space<hbm>>) dst(%arg8 : memref<8x8x128xf32, #tpu.memory_space<vmem>>)
    %dma_wait3A_87 = arith.constant 0 : i32
    %dma_wait3A_88 = arith.constant 0 : i32
    %dma_wait3A_89 = arith.constant 0 : i32
    %dma_wait3A_90 = arith.constant 0 : i32
    %dma_wait3A_91 = arith.constant 0 : i32
    %dma_wait3A_92 = tpu.memref_slice %arg4[%dma_wait3A_87, %dma_wait3A_88, %dma_wait3A_89, %dma_wait3A_90, %dma_wait3A_91] : memref<200x8x8x8x128xf32, #tpu.memory_space<hbm>> -> memref<1x1x8x8x128xf32, #tpu.memory_space<hbm>>
    %dma_wait3A_93 = tpu.memref_squeeze %dma_wait3A_92 : memref<1x1x8x8x128xf32, #tpu.memory_space<hbm>> -> memref<8x8x128xf32, #tpu.memory_space<hbm>>
    %dma_wait3A_94 = arith.constant 0 : i32
    %dma_wait3A_95 = arith.constant 0 : i32
    %dma_wait3A_96 = arith.constant 0 : i32
    %dma_wait3A_97 = tpu.memref_slice %arg4[%dma_wait3A_87, %dma_wait3A_88, %dma_wait3A_94, %dma_wait3A_95, %dma_wait3A_96] : memref<200x8x8x8x128xf32, #tpu.memory_space<hbm>> -> memref<1x1x8x8x128xf32, #tpu.memory_space<hbm>>
    %dma_wait3A_98 = tpu.memref_squeeze %dma_wait3A_97 : memref<1x1x8x8x128xf32, #tpu.memory_space<hbm>> -> memref<8x8x128xf32, #tpu.memory_space<hbm>>
    tpu.wait_dma2 semaphore(%arg13 : memref<!tpu.dma_semaphore, #tpu.memory_space<semaphore_mem>>) src(%dma_wait3A_98 : memref<8x8x128xf32, #tpu.memory_space<hbm>>) dst(%arg9 : memref<8x8x128xf32, #tpu.memory_space<vmem>>)
    return
  }
}

module attributes {stable_mosaic.version = 14 : i64} {
  func.func @body(%arg0: i32, %arg1: memref<64x32768xf32, #tpu.memory_space<vmem>>, %arg2: memref<16384x128xf32, #tpu.memory_space<vmem>>) attributes {dimension_semantics = [#tpu.dimension_semantics<arbitrary>], iteration_bounds = array<i64: 31>, scalar_prefetch = 0 : i64, scratch_operands = 0 : i64, tpu.core_type = #tpu.core_type<tc>, window_params = [{transform_indices = @transform_0, window_bounds = array<i64: 64, 32768>}, {transform_indices = @transform_1, window_bounds = array<i64: 16384, 128>}]} {
    %get3A = arith.constant 0 : index
    %get3A_0 = arith.constant 0 : index
    %get3A_1 = vector.load %arg1[%get3A, %get3A_0] : memref<64x32768xf32, #tpu.memory_space<vmem>>, vector<64x128xf32>
    %get3A_2 = arith.constant 0 : index
    %get3A_3 = arith.constant 128 : index
    %get3A_4 = vector.load %arg1[%get3A_2, %get3A_3] : memref<64x32768xf32, #tpu.memory_space<vmem>>, vector<64x128xf32>
    %concatenate3A = tpu.concatenate %get3A_1, %get3A_4 in 0 : vector<64x128xf32>, vector<64x128xf32> -> vector<128x128xf32>
    %transpose3A = tpu.transpose %concatenate3A, [1, 0] : vector<128x128xf32> -> vector<128x128xf32>
    %swap3A = arith.constant 0 : index
    %swap3A_5 = arith.constant 0 : index
    %swap3A_6 = vector.load %arg2[%swap3A, %swap3A_5] : memref<16384x128xf32, #tpu.memory_space<vmem>>, vector<128x128xf32>
    tpu.vector_store %arg2[%swap3A, %swap3A_5], %transpose3A {strides = array<i32>} : memref<16384x128xf32, #tpu.memory_space<vmem>>, vector<128x128xf32>,
    %get3A_7 = arith.constant 0 : index
    %get3A_8 = arith.constant 256 : index
    %get3A_9 = vector.load %arg1[%get3A_7, %get3A_8] : memref<64x32768xf32, #tpu.memory_space<vmem>>, vector<64x128xf32>
    %get3A_10 = arith.constant 0 : index
    %get3A_11 = arith.constant 384 : index
    %get3A_12 = vector.load %arg1[%get3A_10, %get3A_11] : memref<64x32768xf32, #tpu.memory_space<vmem>>, vector<64x128xf32>
    %concatenate3A_13 = tpu.concatenate %get3A_9, %get3A_12 in 0 : vector<64x128xf32>, vector<64x128xf32> -> vector<128x128xf32>
    %transpose3A_14 = tpu.transpose %concatenate3A_13, [1, 0] : vector<128x128xf32> -> vector<128x128xf32>
    %swap3A_15 = arith.constant 128 : index
    %swap3A_16 = arith.constant 0 : index
    %swap3A_17 = vector.load %arg2[%swap3A_15, %swap3A_16] : memref<16384x128xf32, #tpu.memory_space<vmem>>, vector<128x128xf32>
    tpu.vector_store %arg2[%swap3A_15, %swap3A_16], %transpose3A_14 {strides = array<i32>} : memref<16384x128xf32, #tpu.memory_space<vmem>>, vector<128x128xf32>,
    %get3A_18 = arith.constant 0 : index
    %get3A_19 = arith.constant 512 : index
    %get3A_20 = vector.load %arg1[%get3A_18, %get3A_19] : memref<64x32768xf32, #tpu.memory_space<vmem>>, vector<64x128xf32>
    %get3A_21 = arith.constant 0 : index
    %get3A_22 = arith.constant 640 : index
    %get3A_23 = vector.load %arg1[%get3A_21, %get3A_22] : memref<64x32768xf32, #tpu.memory_space<vmem>>, vector<64x128xf32>
    %concatenate3A_24 = tpu.concatenate %get3A_20, %get3A_23 in 0 : vector<64x128xf32>, vector<64x128xf32> -> vector<128x128xf32>
    %transpose3A_25 = tpu.transpose %concatenate3A_24, [1, 0] : vector<128x128xf32> -> vector<128x128xf32>
    %swap3A_26 = arith.constant 256 : index
    %swap3A_27 = arith.constant 0 : index
    %swap3A_28 = vector.load %arg2[%swap3A_26, %swap3A_27] : memref<16384x128xf32, #tpu.memory_space<vmem>>, vector<128x128xf32>
    tpu.vector_store %arg2[%swap3A_26, %swap3A_27], %transpose3A_25 {strides = array<i32>} : memref<16384x128xf32, #tpu.memory_space<vmem>>, vector<128x128xf32>,
    %get3A_29 = arith.constant 0 : index
    %get3A_30 = arith.constant 768 : index
    %get3A_31 = vector.load %arg1[%get3A_29, %get3A_30] : memref<64x32768xf32, #tpu.memory_space<vmem>>, vector<64x128xf32>
    %get3A_32 = arith.constant 0 : index
    %get3A_33 = arith.constant 896 : index
    %get3A_34 = vector.load %arg1[%get3A_32, %get3A_33] : memref<64x32768xf32, #tpu.memory_space<vmem>>, vector<64x128xf32>
    %concatenate3A_35 = tpu.concatenate %get3A_31, %get3A_34 in 0 : vector<64x128xf32>, vector<64x128xf32> -> vector<128x128xf32>
    %transpose3A_36 = tpu.transpose %concatenate3A_35, [1, 0] : vector<128x128xf32> -> vector<128x128xf32>
    %swap3A_37 = arith.constant 384 : index
    %swap3A_38 = arith.constant 0 : index
    %swap3A_39 = vector.load %arg2[%swap3A_37, %swap3A_38] : memref<16384x128xf32, #tpu.memory_space<vmem>>, vector<128x128xf32>
    tpu.vector_store %arg2[%swap3A_37, %swap3A_38], %transpose3A_36 {strides = array<i32>} : memref<16384x128xf32, #tpu.memory_space<vmem>>, vector<128x128xf32>,
    %get3A_40 = arith.constant 0 : index
    %get3A_41 = arith.constant 1024 : index
    %get3A_42 = vector.load %arg1[%get3A_40, %get3A_41] : memref<64x32768xf32, #tpu.memory_space<vmem>>, vector<64x128xf32>
    %get3A_43 = arith.constant 0 : index
    %get3A_44 = arith.constant 1152 : index
    %get3A_45 = vector.load %arg1[%get3A_43, %get3A_44] : memref<64x32768xf32, #tpu.memory_space<vmem>>, vector<64x128xf32>
    %concatenate3A_46 = tpu.concatenate %get3A_42, %get3A_45 in 0 : vector<64x128xf32>, vector<64x128xf32> -> vector<128x128xf32>
    %transpose3A_47 = tpu.transpose %concatenate3A_46, [1, 0] : vector<128x128xf32> -> vector<128x128xf32>
    %swap3A_48 = arith.constant 512 : index
    %swap3A_49 = arith.constant 0 : index
    %swap3A_50 = vector.load %arg2[%swap3A_48, %swap3A_49] : memref<16384x128xf32, #tpu.memory_space<vmem>>, vector<128x128xf32>
    tpu.vector_store %arg2[%swap3A_48, %swap3A_49], %transpose3A_47 {strides = array<i32>} : memref<16384x128xf32, #tpu.memory_space<vmem>>, vector<128x128xf32>,
    %get3A_51 = arith.constant 0 : index
    %get3A_52 = arith.constant 1280 : index
    %get3A_53 = vector.load %arg1[%get3A_51, %get3A_52] : memref<64x32768xf32, #tpu.memory_space<vmem>>, vector<64x128xf32>
    %get3A_54 = arith.constant 0 : index
    %get3A_55 = arith.constant 1408 : index
    %get3A_56 = vector.load %arg1[%get3A_54, %get3A_55] : memref<64x32768xf32, #tpu.memory_space<vmem>>, vector<64x128xf32>
    %concatenate3A_57 = tpu.concatenate %get3A_53, %get3A_56 in 0 : vector<64x128xf32>, vector<64x128xf32> -> vector<128x128xf32>
    %transpose3A_58 = tpu.transpose %concatenate3A_57, [1, 0] : vector<128x128xf32> -> vector<128x128xf32>
    %swap3A_59 = arith.constant 640 : index
    %swap3A_60 = arith.constant 0 : index
    %swap3A_61 = vector.load %arg2[%swap3A_59, %swap3A_60] : memref<16384x128xf32, #tpu.memory_space<vmem>>, vector<128x128xf32>
    tpu.vector_store %arg2[%swap3A_59, %swap3A_60], %transpose3A_58 {strides = array<i32>} : memref<16384x128xf32, #tpu.memory_space<vmem>>, vector<128x128xf32>,
    %get3A_62 = arith.constant 0 : index
    %get3A_63 = arith.constant 1536 : index
    %get3A_64 = vector.load %arg1[%get3A_62, %get3A_63] : memref<64x32768xf32, #tpu.memory_space<vmem>>, vector<64x128xf32>
    %get3A_65 = arith.constant 0 : index
    %get3A_66 = arith.constant 1664 : index
    %get3A_67 = vector.load %arg1[%get3A_65, %get3A_66] : memref<64x32768xf32, #tpu.memory_space<vmem>>, vector<64x128xf32>
    %concatenate3A_68 = tpu.concatenate %get3A_64, %get3A_67 in 0 : vector<64x128xf32>, vector<64x128xf32> -> vector<128x128xf32>
    %transpose3A_69 = tpu.transpose %concatenate3A_68, [1, 0] : vector<128x128xf32> -> vector<128x128xf32>
    %swap3A_70 = arith.constant 768 : index
    %swap3A_71 = arith.constant 0 : index
    %swap3A_72 = vector.load %arg2[%swap3A_70, %swap3A_71] : memref<16384x128xf32, #tpu.memory_space<vmem>>, vector<128x128xf32>
    tpu.vector_store %arg2[%swap3A_70, %swap3A_71], %transpose3A_69 {strides = array<i32>} : memref<16384x128xf32, #tpu.memory_space<vmem>>, vector<128x128xf32>,
    %get3A_73 = arith.constant 0 : index
    %get3A_74 = arith.constant 1792 : index
    %get3A_75 = vector.load %arg1[%get3A_73, %get3A_74] : memref<64x32768xf32, #tpu.memory_space<vmem>>, vector<64x128xf32>
    %get3A_76 = arith.constant 0 : index
    %get3A_77 = arith.constant 1920 : index
    %get3A_78 = vector.load %arg1[%get3A_76, %get3A_77] : memref<64x32768xf32, #tpu.memory_space<vmem>>, vector<64x128xf32>
    %concatenate3A_79 = tpu.concatenate %get3A_75, %get3A_78 in 0 : vector<64x128xf32>, vector<64x128xf32> -> vector<128x128xf32>
    %transpose3A_80 = tpu.transpose %concatenate3A_79, [1, 0] : vector<128x128xf32> -> vector<128x128xf32>
    %swap3A_81 = arith.constant 896 : index
    %swap3A_82 = arith.constant 0 : index
    %swap3A_83 = vector.load %arg2[%swap3A_81, %swap3A_82] : memref<16384x128xf32, #tpu.memory_space<vmem>>, vector<128x128xf32>
    tpu.vector_store %arg2[%swap3A_81, %swap3A_82], %transpose3A_80 {strides = array<i32>} : memref<16384x128xf32, #tpu.memory_space<vmem>>, vector<128x128xf32>,
    %get3A_84 = arith.constant 0 : index
    %get3A_85 = arith.constant 2048 : index
    %get3A_86 = vector.load %arg1[%get3A_84, %get3A_85] : memref<64x32768xf32, #tpu.memory_space<vmem>>, vector<64x128xf32>
    %get3A_87 = arith.constant 0 : index
    %get3A_88 = arith.constant 2176 : index
    %get3A_89 = vector.load %arg1[%get3A_87, %get3A_88] : memref<64x32768xf32, #tpu.memory_space<vmem>>, vector<64x128xf32>
    %concatenate3A_90 = tpu.concatenate %get3A_86, %get3A_89 in 0 : vector<64x128xf32>, vector<64x128xf32> -> vector<128x128xf32>
    %transpose3A_91 = tpu.transpose %concatenate3A_90, [1, 0] : vector<128x128xf32> -> vector<128x128xf32>
    %swap3A_92 = arith.constant 1024 : index
    %swap3A_93 = arith.constant 0 : index
    %swap3A_94 = vector.load %arg2[%swap3A_92, %swap3A_93] : memref<16384x128xf32, #tpu.memory_space<vmem>>, vector<128x128xf32>
    tpu.vector_store %arg2[%swap3A_92, %swap3A_93], %transpose3A_91 {strides = array<i32>} : memref<16384x128xf32, #tpu.memory_space<vmem>>, vector<128x128xf32>,
    %get3A_95 = arith.constant 0 : index
    %get3A_96 = arith.constant 2304 : index
    %get3A_97 = vector.load %arg1[%get3A_95, %get3A_96] : memref<64x32768xf32, #tpu.memory_space<vmem>>, vector<64x128xf32>
    %get3A_98 = arith.constant 0 : index
    %get3A_99 = arith.constant 2432 : index
    %get3A_100 = vector.load %arg1[%get3A_98, %get3A_99] : memref<64x32768xf32, #tpu.memory_space<vmem>>, vector<64x128xf32>
    %concatenate3A_101 = tpu.concatenate %get3A_97, %get3A_100 in 0 : vector<64x128xf32>, vector<64x128xf32> -> vector<128x128xf32>
    %transpose3A_102 = tpu.transpose %concatenate3A_101, [1, 0] : vector<128x128xf32> -> vector<128x128xf32>
    %swap3A_103 = arith.constant 1152 : index
    %swap3A_104 = arith.constant 0 : index
    %swap3A_105 = vector.load %arg2[%swap3A_103, %swap3A_104] : memref<16384x128xf32, #tpu.memory_space<vmem>>, vector<128x128xf32>
    tpu.vector_store %arg2[%swap3A_103, %swap3A_104], %transpose3A_102 {strides = array<i32>} : memref<16384x128xf32, #tpu.memory_space<vmem>>, vector<128x128xf32>,
    %get3A_106 = arith.constant 0 : index
    %get3A_107 = arith.constant 2560 : index
    %get3A_108 = vector.load %arg1[%get3A_106, %get3A_107] : memref<64x32768xf32, #tpu.memory_space<vmem>>, vector<64x128xf32>
    %get3A_109 = arith.constant 0 : index
    %get3A_110 = arith.constant 2688 : index
    %get3A_111 = vector.load %arg1[%get3A_109, %get3A_110] : memref<64x32768xf32, #tpu.memory_space<vmem>>, vector<64x128xf32>
    %concatenate3A_112 = tpu.concatenate %get3A_108, %get3A_111 in 0 : vector<64x128xf32>, vector<64x128xf32> -> vector<128x128xf32>
    %transpose3A_113 = tpu.transpose %concatenate3A_112, [1, 0] : vector<128x128xf32> -> vector<128x128xf32>
    %swap3A_114 = arith.constant 1280 : index
    %swap3A_115 = arith.constant 0 : index
    %swap3A_116 = vector.load %arg2[%swap3A_114, %swap3A_115] : memref<16384x128xf32, #tpu.memory_space<vmem>>, vector<128x128xf32>
    tpu.vector_store %arg2[%swap3A_114, %swap3A_115], %transpose3A_113 {strides = array<i32>} : memref<16384x128xf32, #tpu.memory_space<vmem>>, vector<128x128xf32>,
    %get3A_117 = arith.constant 0 : index
    %get3A_118 = arith.constant 2816 : index
    %get3A_119 = vector.load %arg1[%get3A_117, %get3A_118] : memref<64x32768xf32, #tpu.memory_space<vmem>>, vector<64x128xf32>
    %get3A_120 = arith.constant 0 : index
    %get3A_121 = arith.constant 2944 : index
    %get3A_122 = vector.load %arg1[%get3A_120, %get3A_121] : memref<64x32768xf32, #tpu.memory_space<vmem>>, vector<64x128xf32>
    %concatenate3A_123 = tpu.concatenate %get3A_119, %get3A_122 in 0 : vector<64x128xf32>, vector<64x128xf32> -> vector<128x128xf32>
    %transpose3A_124 = tpu.transpose %concatenate3A_123, [1, 0] : vector<128x128xf32> -> vector<128x128xf32>
    %swap3A_125 = arith.constant 1408 : index
    %swap3A_126 = arith.constant 0 : index
    %swap3A_127 = vector.load %arg2[%swap3A_125, %swap3A_126] : memref<16384x128xf32, #tpu.memory_space<vmem>>, vector<128x128xf32>
    tpu.vector_store %arg2[%swap3A_125, %swap3A_126], %transpose3A_124 {strides = array<i32>} : memref<16384x128xf32, #tpu.memory_space<vmem>>, vector<128x128xf32>,
    %get3A_128 = arith.constant 0 : index
    %get3A_129 = arith.constant 3072 : index
    %get3A_130 = vector.load %arg1[%get3A_128, %get3A_129] : memref<64x32768xf32, #tpu.memory_space<vmem>>, vector<64x128xf32>
    %get3A_131 = arith.constant 0 : index
    %get3A_132 = arith.constant 3200 : index
    %get3A_133 = vector.load %arg1[%get3A_131, %get3A_132] : memref<64x32768xf32, #tpu.memory_space<vmem>>, vector<64x128xf32>
    %concatenate3A_134 = tpu.concatenate %get3A_130, %get3A_133 in 0 : vector<64x128xf32>, vector<64x128xf32> -> vector<128x128xf32>
    %transpose3A_135 = tpu.transpose %concatenate3A_134, [1, 0] : vector<128x128xf32> -> vector<128x128xf32>
    %swap3A_136 = arith.constant 1536 : index
    %swap3A_137 = arith.constant 0 : index
    %swap3A_138 = vector.load %arg2[%swap3A_136, %swap3A_137] : memref<16384x128xf32, #tpu.memory_space<vmem>>, vector<128x128xf32>
    tpu.vector_store %arg2[%swap3A_136, %swap3A_137], %transpose3A_135 {strides = array<i32>} : memref<16384x128xf32, #tpu.memory_space<vmem>>, vector<128x128xf32>,
    %get3A_139 = arith.constant 0 : index
    %get3A_140 = arith.constant 3328 : index
    %get3A_141 = vector.load %arg1[%get3A_139, %get3A_140] : memref<64x32768xf32, #tpu.memory_space<vmem>>, vector<64x128xf32>
    %get3A_142 = arith.constant 0 : index
    %get3A_143 = arith.constant 3456 : index
    %get3A_144 = vector.load %arg1[%get3A_142, %get3A_143] : memref<64x32768xf32, #tpu.memory_space<vmem>>, vector<64x128xf32>
    %concatenate3A_145 = tpu.concatenate %get3A_141, %get3A_144 in 0 : vector<64x128xf32>, vector<64x128xf32> -> vector<128x128xf32>
    %transpose3A_146 = tpu.transpose %concatenate3A_145, [1, 0] : vector<128x128xf32> -> vector<128x128xf32>
    %swap3A_147 = arith.constant 1664 : index
    %swap3A_148 = arith.constant 0 : index
    %swap3A_149 = vector.load %arg2[%swap3A_147, %swap3A_148] : memref<16384x128xf32, #tpu.memory_space<vmem>>, vector<128x128xf32>
    tpu.vector_store %arg2[%swap3A_147, %swap3A_148], %transpose3A_146 {strides = array<i32>} : memref<16384x128xf32, #tpu.memory_space<vmem>>, vector<128x128xf32>,
    %get3A_150 = arith.constant 0 : index
    %get3A_151 = arith.constant 3584 : index
    %get3A_152 = vector.load %arg1[%get3A_150, %get3A_151] : memref<64x32768xf32, #tpu.memory_space<vmem>>, vector<64x128xf32>
    %get3A_153 = arith.constant 0 : index
    %get3A_154 = arith.constant 3712 : index
    %get3A_155 = vector.load %arg1[%get3A_153, %get3A_154] : memref<64x32768xf32, #tpu.memory_space<vmem>>, vector<64x128xf32>
    %concatenate3A_156 = tpu.concatenate %get3A_152, %get3A_155 in 0 : vector<64x128xf32>, vector<64x128xf32> -> vector<128x128xf32>
    %transpose3A_157 = tpu.transpose %concatenate3A_156, [1, 0] : vector<128x128xf32> -> vector<128x128xf32>
    %swap3A_158 = arith.constant 1792 : index
    %swap3A_159 = arith.constant 0 : index
    %swap3A_160 = vector.load %arg2[%swap3A_158, %swap3A_159] : memref<16384x128xf32, #tpu.memory_space<vmem>>, vector<128x128xf32>
    tpu.vector_store %arg2[%swap3A_158, %swap3A_159], %transpose3A_157 {strides = array<i32>} : memref<16384x128xf32, #tpu.memory_space<vmem>>, vector<128x128xf32>,
    %get3A_161 = arith.constant 0 : index
    %get3A_162 = arith.constant 3840 : index
    %get3A_163 = vector.load %arg1[%get3A_161, %get3A_162] : memref<64x32768xf32, #tpu.memory_space<vmem>>, vector<64x128xf32>
    %get3A_164 = arith.constant 0 : index
    %get3A_165 = arith.constant 3968 : index
    %get3A_166 = vector.load %arg1[%get3A_164, %get3A_165] : memref<64x32768xf32, #tpu.memory_space<vmem>>, vector<64x128xf32>
    %concatenate3A_167 = tpu.concatenate %get3A_163, %get3A_166 in 0 : vector<64x128xf32>, vector<64x128xf32> -> vector<128x128xf32>
    %transpose3A_168 = tpu.transpose %concatenate3A_167, [1, 0] : vector<128x128xf32> -> vector<128x128xf32>
    %swap3A_169 = arith.constant 1920 : index
    %swap3A_170 = arith.constant 0 : index
    %swap3A_171 = vector.load %arg2[%swap3A_169, %swap3A_170] : memref<16384x128xf32, #tpu.memory_space<vmem>>, vector<128x128xf32>
    tpu.vector_store %arg2[%swap3A_169, %swap3A_170], %transpose3A_168 {strides = array<i32>} : memref<16384x128xf32, #tpu.memory_space<vmem>>, vector<128x128xf32>,
    %get3A_172 = arith.constant 0 : index
    %get3A_173 = arith.constant 4096 : index
    %get3A_174 = vector.load %arg1[%get3A_172, %get3A_173] : memref<64x32768xf32, #tpu.memory_space<vmem>>, vector<64x128xf32>
    %get3A_175 = arith.constant 0 : index
    %get3A_176 = arith.constant 4224 : index
    %get3A_177 = vector.load %arg1[%get3A_175, %get3A_176] : memref<64x32768xf32, #tpu.memory_space<vmem>>, vector<64x128xf32>
    %concatenate3A_178 = tpu.concatenate %get3A_174, %get3A_177 in 0 : vector<64x128xf32>, vector<64x128xf32> -> vector<128x128xf32>
    %transpose3A_179 = tpu.transpose %concatenate3A_178, [1, 0] : vector<128x128xf32> -> vector<128x128xf32>
    %swap3A_180 = arith.constant 2048 : index
    %swap3A_181 = arith.constant 0 : index
    %swap3A_182 = vector.load %arg2[%swap3A_180, %swap3A_181] : memref<16384x128xf32, #tpu.memory_space<vmem>>, vector<128x128xf32>
    tpu.vector_store %arg2[%swap3A_180, %swap3A_181], %transpose3A_179 {strides = array<i32>} : memref<16384x128xf32, #tpu.memory_space<vmem>>, vector<128x128xf32>,
    %get3A_183 = arith.constant 0 : index
    %get3A_184 = arith.constant 4352 : index
    %get3A_185 = vector.load %arg1[%get3A_183, %get3A_184] : memref<64x32768xf32, #tpu.memory_space<vmem>>, vector<64x128xf32>
    %get3A_186 = arith.constant 0 : index
    %get3A_187 = arith.constant 4480 : index
    %get3A_188 = vector.load %arg1[%get3A_186, %get3A_187] : memref<64x32768xf32, #tpu.memory_space<vmem>>, vector<64x128xf32>
    %concatenate3A_189 = tpu.concatenate %get3A_185, %get3A_188 in 0 : vector<64x128xf32>, vector<64x128xf32> -> vector<128x128xf32>
    %transpose3A_190 = tpu.transpose %concatenate3A_189, [1, 0] : vector<128x128xf32> -> vector<128x128xf32>
    %swap3A_191 = arith.constant 2176 : index
    %swap3A_192 = arith.constant 0 : index
    %swap3A_193 = vector.load %arg2[%swap3A_191, %swap3A_192] : memref<16384x128xf32, #tpu.memory_space<vmem>>, vector<128x128xf32>
    tpu.vector_store %arg2[%swap3A_191, %swap3A_192], %transpose3A_190 {strides = array<i32>} : memref<16384x128xf32, #tpu.memory_space<vmem>>, vector<128x128xf32>,
    %get3A_194 = arith.constant 0 : index
    %get3A_195 = arith.constant 4608 : index
    %get3A_196 = vector.load %arg1[%get3A_194, %get3A_195] : memref<64x32768xf32, #tpu.memory_space<vmem>>, vector<64x128xf32>
    %get3A_197 = arith.constant 0 : index
    %get3A_198 = arith.constant 4736 : index
    %get3A_199 = vector.load %arg1[%get3A_197, %get3A_198] : memref<64x32768xf32, #tpu.memory_space<vmem>>, vector<64x128xf32>
    %concatenate3A_200 = tpu.concatenate %get3A_196, %get3A_199 in 0 : vector<64x128xf32>, vector<64x128xf32> -> vector<128x128xf32>
    %transpose3A_201 = tpu.transpose %concatenate3A_200, [1, 0] : vector<128x128xf32> -> vector<128x128xf32>
    %swap3A_202 = arith.constant 2304 : index
    %swap3A_203 = arith.constant 0 : index
    %swap3A_204 = vector.load %arg2[%swap3A_202, %swap3A_203] : memref<16384x128xf32, #tpu.memory_space<vmem>>, vector<128x128xf32>
    tpu.vector_store %arg2[%swap3A_202, %swap3A_203], %transpose3A_201 {strides = array<i32>} : memref<16384x128xf32, #tpu.memory_space<vmem>>, vector<128x128xf32>,
    %get3A_205 = arith.constant 0 : index
    %get3A_206 = arith.constant 4864 : index
    %get3A_207 = vector.load %arg1[%get3A_205, %get3A_206] : memref<64x32768xf32, #tpu.memory_space<vmem>>, vector<64x128xf32>
    %get3A_208 = arith.constant 0 : index
    %get3A_209 = arith.constant 4992 : index
    %get3A_210 = vector.load %arg1[%get3A_208, %get3A_209] : memref<64x32768xf32, #tpu.memory_space<vmem>>, vector<64x128xf32>
    %concatenate3A_211 = tpu.concatenate %get3A_207, %get3A_210 in 0 : vector<64x128xf32>, vector<64x128xf32> -> vector<128x128xf32>
    %transpose3A_212 = tpu.transpose %concatenate3A_211, [1, 0] : vector<128x128xf32> -> vector<128x128xf32>
    %swap3A_213 = arith.constant 2432 : index
    %swap3A_214 = arith.constant 0 : index
    %swap3A_215 = vector.load %arg2[%swap3A_213, %swap3A_214] : memref<16384x128xf32, #tpu.memory_space<vmem>>, vector<128x128xf32>
    tpu.vector_store %arg2[%swap3A_213, %swap3A_214], %transpose3A_212 {strides = array<i32>} : memref<16384x128xf32, #tpu.memory_space<vmem>>, vector<128x128xf32>,
    %get3A_216 = arith.constant 0 : index
    %get3A_217 = arith.constant 5120 : index
    %get3A_218 = vector.load %arg1[%get3A_216, %get3A_217] : memref<64x32768xf32, #tpu.memory_space<vmem>>, vector<64x128xf32>
    %get3A_219 = arith.constant 0 : index
    %get3A_220 = arith.constant 5248 : index
    %get3A_221 = vector.load %arg1[%get3A_219, %get3A_220] : memref<64x32768xf32, #tpu.memory_space<vmem>>, vector<64x128xf32>
    %concatenate3A_222 = tpu.concatenate %get3A_218, %get3A_221 in 0 : vector<64x128xf32>, vector<64x128xf32> -> vector<128x128xf32>
    %transpose3A_223 = tpu.transpose %concatenate3A_222, [1, 0] : vector<128x128xf32> -> vector<128x128xf32>
    %swap3A_224 = arith.constant 2560 : index
    %swap3A_225 = arith.constant 0 : index
    %swap3A_226 = vector.load %arg2[%swap3A_224, %swap3A_225] : memref<16384x128xf32, #tpu.memory_space<vmem>>, vector<128x128xf32>
    tpu.vector_store %arg2[%swap3A_224, %swap3A_225], %transpose3A_223 {strides = array<i32>} : memref<16384x128xf32, #tpu.memory_space<vmem>>, vector<128x128xf32>,
    %get3A_227 = arith.constant 0 : index
    %get3A_228 = arith.constant 5376 : index
    %get3A_229 = vector.load %arg1[%get3A_227, %get3A_228] : memref<64x32768xf32, #tpu.memory_space<vmem>>, vector<64x128xf32>
    %get3A_230 = arith.constant 0 : index
    %get3A_231 = arith.constant 5504 : index
    %get3A_232 = vector.load %arg1[%get3A_230, %get3A_231] : memref<64x32768xf32, #tpu.memory_space<vmem>>, vector<64x128xf32>
    %concatenate3A_233 = tpu.concatenate %get3A_229, %get3A_232 in 0 : vector<64x128xf32>, vector<64x128xf32> -> vector<128x128xf32>
    %transpose3A_234 = tpu.transpose %concatenate3A_233, [1, 0] : vector<128x128xf32> -> vector<128x128xf32>
    %swap3A_235 = arith.constant 2688 : index
    %swap3A_236 = arith.constant 0 : index
    %swap3A_237 = vector.load %arg2[%swap3A_235, %swap3A_236] : memref<16384x128xf32, #tpu.memory_space<vmem>>, vector<128x128xf32>
    tpu.vector_store %arg2[%swap3A_235, %swap3A_236], %transpose3A_234 {strides = array<i32>} : memref<16384x128xf32, #tpu.memory_space<vmem>>, vector<128x128xf32>,
    %get3A_238 = arith.constant 0 : index
    %get3A_239 = arith.constant 5632 : index
    %get3A_240 = vector.load %arg1[%get3A_238, %get3A_239] : memref<64x32768xf32, #tpu.memory_space<vmem>>, vector<64x128xf32>
    %get3A_241 = arith.constant 0 : index
    %get3A_242 = arith.constant 5760 : index
    %get3A_243 = vector.load %arg1[%get3A_241, %get3A_242] : memref<64x32768xf32, #tpu.memory_space<vmem>>, vector<64x128xf32>
    %concatenate3A_244 = tpu.concatenate %get3A_240, %get3A_243 in 0 : vector<64x128xf32>, vector<64x128xf32> -> vector<128x128xf32>
    %transpose3A_245 = tpu.transpose %concatenate3A_244, [1, 0] : vector<128x128xf32> -> vector<128x128xf32>
    %swap3A_246 = arith.constant 2816 : index
    %swap3A_247 = arith.constant 0 : index
    %swap3A_248 = vector.load %arg2[%swap3A_246, %swap3A_247] : memref<16384x128xf32, #tpu.memory_space<vmem>>, vector<128x128xf32>
    tpu.vector_store %arg2[%swap3A_246, %swap3A_247], %transpose3A_245 {strides = array<i32>} : memref<16384x128xf32, #tpu.memory_space<vmem>>, vector<128x128xf32>,
    %get3A_249 = arith.constant 0 : index
    %get3A_250 = arith.constant 5888 : index
    %get3A_251 = vector.load %arg1[%get3A_249, %get3A_250] : memref<64x32768xf32, #tpu.memory_space<vmem>>, vector<64x128xf32>
    %get3A_252 = arith.constant 0 : index
    %get3A_253 = arith.constant 6016 : index
    %get3A_254 = vector.load %arg1[%get3A_252, %get3A_253] : memref<64x32768xf32, #tpu.memory_space<vmem>>, vector<64x128xf32>
    %concatenate3A_255 = tpu.concatenate %get3A_251, %get3A_254 in 0 : vector<64x128xf32>, vector<64x128xf32> -> vector<128x128xf32>
    %transpose3A_256 = tpu.transpose %concatenate3A_255, [1, 0] : vector<128x128xf32> -> vector<128x128xf32>
    %swap3A_257 = arith.constant 2944 : index
    %swap3A_258 = arith.constant 0 : index
    %swap3A_259 = vector.load %arg2[%swap3A_257, %swap3A_258] : memref<16384x128xf32, #tpu.memory_space<vmem>>, vector<128x128xf32>
    tpu.vector_store %arg2[%swap3A_257, %swap3A_258], %transpose3A_256 {strides = array<i32>} : memref<16384x128xf32, #tpu.memory_space<vmem>>, vector<128x128xf32>,
    %get3A_260 = arith.constant 0 : index
    %get3A_261 = arith.constant 6144 : index
    %get3A_262 = vector.load %arg1[%get3A_260, %get3A_261] : memref<64x32768xf32, #tpu.memory_space<vmem>>, vector<64x128xf32>
    %get3A_263 = arith.constant 0 : index
    %get3A_264 = arith.constant 6272 : index
    %get3A_265 = vector.load %arg1[%get3A_263, %get3A_264] : memref<64x32768xf32, #tpu.memory_space<vmem>>, vector<64x128xf32>
    %concatenate3A_266 = tpu.concatenate %get3A_262, %get3A_265 in 0 : vector<64x128xf32>, vector<64x128xf32> -> vector<128x128xf32>
    %transpose3A_267 = tpu.transpose %concatenate3A_266, [1, 0] : vector<128x128xf32> -> vector<128x128xf32>
    %swap3A_268 = arith.constant 3072 : index
    %swap3A_269 = arith.constant 0 : index
    %swap3A_270 = vector.load %arg2[%swap3A_268, %swap3A_269] : memref<16384x128xf32, #tpu.memory_space<vmem>>, vector<128x128xf32>
    tpu.vector_store %arg2[%swap3A_268, %swap3A_269], %transpose3A_267 {strides = array<i32>} : memref<16384x128xf32, #tpu.memory_space<vmem>>, vector<128x128xf32>,
    %get3A_271 = arith.constant 0 : index
    %get3A_272 = arith.constant 6400 : index
    %get3A_273 = vector.load %arg1[%get3A_271, %get3A_272] : memref<64x32768xf32, #tpu.memory_space<vmem>>, vector<64x128xf32>
    %get3A_274 = arith.constant 0 : index
    %get3A_275 = arith.constant 6528 : index
    %get3A_276 = vector.load %arg1[%get3A_274, %get3A_275] : memref<64x32768xf32, #tpu.memory_space<vmem>>, vector<64x128xf32>
    %concatenate3A_277 = tpu.concatenate %get3A_273, %get3A_276 in 0 : vector<64x128xf32>, vector<64x128xf32> -> vector<128x128xf32>
    %transpose3A_278 = tpu.transpose %concatenate3A_277, [1, 0] : vector<128x128xf32> -> vector<128x128xf32>
    %swap3A_279 = arith.constant 3200 : index
    %swap3A_280 = arith.constant 0 : index
    %swap3A_281 = vector.load %arg2[%swap3A_279, %swap3A_280] : memref<16384x128xf32, #tpu.memory_space<vmem>>, vector<128x128xf32>
    tpu.vector_store %arg2[%swap3A_279, %swap3A_280], %transpose3A_278 {strides = array<i32>} : memref<16384x128xf32, #tpu.memory_space<vmem>>, vector<128x128xf32>,
    %get3A_282 = arith.constant 0 : index
    %get3A_283 = arith.constant 6656 : index
    %get3A_284 = vector.load %arg1[%get3A_282, %get3A_283] : memref<64x32768xf32, #tpu.memory_space<vmem>>, vector<64x128xf32>
    %get3A_285 = arith.constant 0 : index
    %get3A_286 = arith.constant 6784 : index
    %get3A_287 = vector.load %arg1[%get3A_285, %get3A_286] : memref<64x32768xf32, #tpu.memory_space<vmem>>, vector<64x128xf32>
    %concatenate3A_288 = tpu.concatenate %get3A_284, %get3A_287 in 0 : vector<64x128xf32>, vector<64x128xf32> -> vector<128x128xf32>
    %transpose3A_289 = tpu.transpose %concatenate3A_288, [1, 0] : vector<128x128xf32> -> vector<128x128xf32>
    %swap3A_290 = arith.constant 3328 : index
    %swap3A_291 = arith.constant 0 : index
    %swap3A_292 = vector.load %arg2[%swap3A_290, %swap3A_291] : memref<16384x128xf32, #tpu.memory_space<vmem>>, vector<128x128xf32>
    tpu.vector_store %arg2[%swap3A_290, %swap3A_291], %transpose3A_289 {strides = array<i32>} : memref<16384x128xf32, #tpu.memory_space<vmem>>, vector<128x128xf32>,
    %get3A_293 = arith.constant 0 : index
    %get3A_294 = arith.constant 6912 : index
    %get3A_295 = vector.load %arg1[%get3A_293, %get3A_294] : memref<64x32768xf32, #tpu.memory_space<vmem>>, vector<64x128xf32>
    %get3A_296 = arith.constant 0 : index
    %get3A_297 = arith.constant 7040 : index
    %get3A_298 = vector.load %arg1[%get3A_296, %get3A_297] : memref<64x32768xf32, #tpu.memory_space<vmem>>, vector<64x128xf32>
    %concatenate3A_299 = tpu.concatenate %get3A_295, %get3A_298 in 0 : vector<64x128xf32>, vector<64x128xf32> -> vector<128x128xf32>
    %transpose3A_300 = tpu.transpose %concatenate3A_299, [1, 0] : vector<128x128xf32> -> vector<128x128xf32>
    %swap3A_301 = arith.constant 3456 : index
    %swap3A_302 = arith.constant 0 : index
    %swap3A_303 = vector.load %arg2[%swap3A_301, %swap3A_302] : memref<16384x128xf32, #tpu.memory_space<vmem>>, vector<128x128xf32>
    tpu.vector_store %arg2[%swap3A_301, %swap3A_302], %transpose3A_300 {strides = array<i32>} : memref<16384x128xf32, #tpu.memory_space<vmem>>, vector<128x128xf32>,
    %get3A_304 = arith.constant 0 : index
    %get3A_305 = arith.constant 7168 : index
    %get3A_306 = vector.load %arg1[%get3A_304, %get3A_305] : memref<64x32768xf32, #tpu.memory_space<vmem>>, vector<64x128xf32>
    %get3A_307 = arith.constant 0 : index
    %get3A_308 = arith.constant 7296 : index
    %get3A_309 = vector.load %arg1[%get3A_307, %get3A_308] : memref<64x32768xf32, #tpu.memory_space<vmem>>, vector<64x128xf32>
    %concatenate3A_310 = tpu.concatenate %get3A_306, %get3A_309 in 0 : vector<64x128xf32>, vector<64x128xf32> -> vector<128x128xf32>
    %transpose3A_311 = tpu.transpose %concatenate3A_310, [1, 0] : vector<128x128xf32> -> vector<128x128xf32>
    %swap3A_312 = arith.constant 3584 : index
    %swap3A_313 = arith.constant 0 : index
    %swap3A_314 = vector.load %arg2[%swap3A_312, %swap3A_313] : memref<16384x128xf32, #tpu.memory_space<vmem>>, vector<128x128xf32>
    tpu.vector_store %arg2[%swap3A_312, %swap3A_313], %transpose3A_311 {strides = array<i32>} : memref<16384x128xf32, #tpu.memory_space<vmem>>, vector<128x128xf32>,
    %get3A_315 = arith.constant 0 : index
    %get3A_316 = arith.constant 7424 : index
    %get3A_317 = vector.load %arg1[%get3A_315, %get3A_316] : memref<64x32768xf32, #tpu.memory_space<vmem>>, vector<64x128xf32>
    %get3A_318 = arith.constant 0 : index
    %get3A_319 = arith.constant 7552 : index
    %get3A_320 = vector.load %arg1[%get3A_318, %get3A_319] : memref<64x32768xf32, #tpu.memory_space<vmem>>, vector<64x128xf32>
    %concatenate3A_321 = tpu.concatenate %get3A_317, %get3A_320 in 0 : vector<64x128xf32>, vector<64x128xf32> -> vector<128x128xf32>
    %transpose3A_322 = tpu.transpose %concatenate3A_321, [1, 0] : vector<128x128xf32> -> vector<128x128xf32>
    %swap3A_323 = arith.constant 3712 : index
    %swap3A_324 = arith.constant 0 : index
    %swap3A_325 = vector.load %arg2[%swap3A_323, %swap3A_324] : memref<16384x128xf32, #tpu.memory_space<vmem>>, vector<128x128xf32>
    tpu.vector_store %arg2[%swap3A_323, %swap3A_324], %transpose3A_322 {strides = array<i32>} : memref<16384x128xf32, #tpu.memory_space<vmem>>, vector<128x128xf32>,
    %get3A_326 = arith.constant 0 : index
    %get3A_327 = arith.constant 7680 : index
    %get3A_328 = vector.load %arg1[%get3A_326, %get3A_327] : memref<64x32768xf32, #tpu.memory_space<vmem>>, vector<64x128xf32>
    %get3A_329 = arith.constant 0 : index
    %get3A_330 = arith.constant 7808 : index
    %get3A_331 = vector.load %arg1[%get3A_329, %get3A_330] : memref<64x32768xf32, #tpu.memory_space<vmem>>, vector<64x128xf32>
    %concatenate3A_332 = tpu.concatenate %get3A_328, %get3A_331 in 0 : vector<64x128xf32>, vector<64x128xf32> -> vector<128x128xf32>
    %transpose3A_333 = tpu.transpose %concatenate3A_332, [1, 0] : vector<128x128xf32> -> vector<128x128xf32>
    %swap3A_334 = arith.constant 3840 : index
    %swap3A_335 = arith.constant 0 : index
    %swap3A_336 = vector.load %arg2[%swap3A_334, %swap3A_335] : memref<16384x128xf32, #tpu.memory_space<vmem>>, vector<128x128xf32>
    tpu.vector_store %arg2[%swap3A_334, %swap3A_335], %transpose3A_333 {strides = array<i32>} : memref<16384x128xf32, #tpu.memory_space<vmem>>, vector<128x128xf32>,
    %get3A_337 = arith.constant 0 : index
    %get3A_338 = arith.constant 7936 : index
    %get3A_339 = vector.load %arg1[%get3A_337, %get3A_338] : memref<64x32768xf32, #tpu.memory_space<vmem>>, vector<64x128xf32>
    %get3A_340 = arith.constant 0 : index
    %get3A_341 = arith.constant 8064 : index
    %get3A_342 = vector.load %arg1[%get3A_340, %get3A_341] : memref<64x32768xf32, #tpu.memory_space<vmem>>, vector<64x128xf32>
    %concatenate3A_343 = tpu.concatenate %get3A_339, %get3A_342 in 0 : vector<64x128xf32>, vector<64x128xf32> -> vector<128x128xf32>
    %transpose3A_344 = tpu.transpose %concatenate3A_343, [1, 0] : vector<128x128xf32> -> vector<128x128xf32>
    %swap3A_345 = arith.constant 3968 : index
    %swap3A_346 = arith.constant 0 : index
    %swap3A_347 = vector.load %arg2[%swap3A_345, %swap3A_346] : memref<16384x128xf32, #tpu.memory_space<vmem>>, vector<128x128xf32>
    tpu.vector_store %arg2[%swap3A_345, %swap3A_346], %transpose3A_344 {strides = array<i32>} : memref<16384x128xf32, #tpu.memory_space<vmem>>, vector<128x128xf32>,
    %get3A_348 = arith.constant 0 : index
    %get3A_349 = arith.constant 8192 : index
    %get3A_350 = vector.load %arg1[%get3A_348, %get3A_349] : memref<64x32768xf32, #tpu.memory_space<vmem>>, vector<64x128xf32>
    %get3A_351 = arith.constant 0 : index
    %get3A_352 = arith.constant 8320 : index
    %get3A_353 = vector.load %arg1[%get3A_351, %get3A_352] : memref<64x32768xf32, #tpu.memory_space<vmem>>, vector<64x128xf32>
    %concatenate3A_354 = tpu.concatenate %get3A_350, %get3A_353 in 0 : vector<64x128xf32>, vector<64x128xf32> -> vector<128x128xf32>
    %transpose3A_355 = tpu.transpose %concatenate3A_354, [1, 0] : vector<128x128xf32> -> vector<128x128xf32>
    %swap3A_356 = arith.constant 4096 : index
    %swap3A_357 = arith.constant 0 : index
    %swap3A_358 = vector.load %arg2[%swap3A_356, %swap3A_357] : memref<16384x128xf32, #tpu.memory_space<vmem>>, vector<128x128xf32>
    tpu.vector_store %arg2[%swap3A_356, %swap3A_357], %transpose3A_355 {strides = array<i32>} : memref<16384x128xf32, #tpu.memory_space<vmem>>, vector<128x128xf32>,
    %get3A_359 = arith.constant 0 : index
    %get3A_360 = arith.constant 8448 : index
    %get3A_361 = vector.load %arg1[%get3A_359, %get3A_360] : memref<64x32768xf32, #tpu.memory_space<vmem>>, vector<64x128xf32>
    %get3A_362 = arith.constant 0 : index
    %get3A_363 = arith.constant 8576 : index
    %get3A_364 = vector.load %arg1[%get3A_362, %get3A_363] : memref<64x32768xf32, #tpu.memory_space<vmem>>, vector<64x128xf32>
    %concatenate3A_365 = tpu.concatenate %get3A_361, %get3A_364 in 0 : vector<64x128xf32>, vector<64x128xf32> -> vector<128x128xf32>
    %transpose3A_366 = tpu.transpose %concatenate3A_365, [1, 0] : vector<128x128xf32> -> vector<128x128xf32>
    %swap3A_367 = arith.constant 4224 : index
    %swap3A_368 = arith.constant 0 : index
    %swap3A_369 = vector.load %arg2[%swap3A_367, %swap3A_368] : memref<16384x128xf32, #tpu.memory_space<vmem>>, vector<128x128xf32>
    tpu.vector_store %arg2[%swap3A_367, %swap3A_368], %transpose3A_366 {strides = array<i32>} : memref<16384x128xf32, #tpu.memory_space<vmem>>, vector<128x128xf32>,
    %get3A_370 = arith.constant 0 : index
    %get3A_371 = arith.constant 8704 : index
    %get3A_372 = vector.load %arg1[%get3A_370, %get3A_371] : memref<64x32768xf32, #tpu.memory_space<vmem>>, vector<64x128xf32>
    %get3A_373 = arith.constant 0 : index
    %get3A_374 = arith.constant 8832 : index
    %get3A_375 = vector.load %arg1[%get3A_373, %get3A_374] : memref<64x32768xf32, #tpu.memory_space<vmem>>, vector<64x128xf32>
    %concatenate3A_376 = tpu.concatenate %get3A_372, %get3A_375 in 0 : vector<64x128xf32>, vector<64x128xf32> -> vector<128x128xf32>
    %transpose3A_377 = tpu.transpose %concatenate3A_376, [1, 0] : vector<128x128xf32> -> vector<128x128xf32>
    %swap3A_378 = arith.constant 4352 : index
    %swap3A_379 = arith.constant 0 : index
    %swap3A_380 = vector.load %arg2[%swap3A_378, %swap3A_379] : memref<16384x128xf32, #tpu.memory_space<vmem>>, vector<128x128xf32>
    tpu.vector_store %arg2[%swap3A_378, %swap3A_379], %transpose3A_377 {strides = array<i32>} : memref<16384x128xf32, #tpu.memory_space<vmem>>, vector<128x128xf32>,
    %get3A_381 = arith.constant 0 : index
    %get3A_382 = arith.constant 8960 : index
    %get3A_383 = vector.load %arg1[%get3A_381, %get3A_382] : memref<64x32768xf32, #tpu.memory_space<vmem>>, vector<64x128xf32>
    %get3A_384 = arith.constant 0 : index
    %get3A_385 = arith.constant 9088 : index
    %get3A_386 = vector.load %arg1[%get3A_384, %get3A_385] : memref<64x32768xf32, #tpu.memory_space<vmem>>, vector<64x128xf32>
    %concatenate3A_387 = tpu.concatenate %get3A_383, %get3A_386 in 0 : vector<64x128xf32>, vector<64x128xf32> -> vector<128x128xf32>
    %transpose3A_388 = tpu.transpose %concatenate3A_387, [1, 0] : vector<128x128xf32> -> vector<128x128xf32>
    %swap3A_389 = arith.constant 4480 : index
    %swap3A_390 = arith.constant 0 : index
    %swap3A_391 = vector.load %arg2[%swap3A_389, %swap3A_390] : memref<16384x128xf32, #tpu.memory_space<vmem>>, vector<128x128xf32>
    tpu.vector_store %arg2[%swap3A_389, %swap3A_390], %transpose3A_388 {strides = array<i32>} : memref<16384x128xf32, #tpu.memory_space<vmem>>, vector<128x128xf32>,
    %get3A_392 = arith.constant 0 : index
    %get3A_393 = arith.constant 9216 : index
    %get3A_394 = vector.load %arg1[%get3A_392, %get3A_393] : memref<64x32768xf32, #tpu.memory_space<vmem>>, vector<64x128xf32>
    %get3A_395 = arith.constant 0 : index
    %get3A_396 = arith.constant 9344 : index
    %get3A_397 = vector.load %arg1[%get3A_395, %get3A_396] : memref<64x32768xf32, #tpu.memory_space<vmem>>, vector<64x128xf32>
    %concatenate3A_398 = tpu.concatenate %get3A_394, %get3A_397 in 0 : vector<64x128xf32>, vector<64x128xf32> -> vector<128x128xf32>
    %transpose3A_399 = tpu.transpose %concatenate3A_398, [1, 0] : vector<128x128xf32> -> vector<128x128xf32>
    %swap3A_400 = arith.constant 4608 : index
    %swap3A_401 = arith.constant 0 : index
    %swap3A_402 = vector.load %arg2[%swap3A_400, %swap3A_401] : memref<16384x128xf32, #tpu.memory_space<vmem>>, vector<128x128xf32>
    tpu.vector_store %arg2[%swap3A_400, %swap3A_401], %transpose3A_399 {strides = array<i32>} : memref<16384x128xf32, #tpu.memory_space<vmem>>, vector<128x128xf32>,
    %get3A_403 = arith.constant 0 : index
    %get3A_404 = arith.constant 9472 : index
    %get3A_405 = vector.load %arg1[%get3A_403, %get3A_404] : memref<64x32768xf32, #tpu.memory_space<vmem>>, vector<64x128xf32>
    %get3A_406 = arith.constant 0 : index
    %get3A_407 = arith.constant 9600 : index
    %get3A_408 = vector.load %arg1[%get3A_406, %get3A_407] : memref<64x32768xf32, #tpu.memory_space<vmem>>, vector<64x128xf32>
    %concatenate3A_409 = tpu.concatenate %get3A_405, %get3A_408 in 0 : vector<64x128xf32>, vector<64x128xf32> -> vector<128x128xf32>
    %transpose3A_410 = tpu.transpose %concatenate3A_409, [1, 0] : vector<128x128xf32> -> vector<128x128xf32>
    %swap3A_411 = arith.constant 4736 : index
    %swap3A_412 = arith.constant 0 : index
    %swap3A_413 = vector.load %arg2[%swap3A_411, %swap3A_412] : memref<16384x128xf32, #tpu.memory_space<vmem>>, vector<128x128xf32>
    tpu.vector_store %arg2[%swap3A_411, %swap3A_412], %transpose3A_410 {strides = array<i32>} : memref<16384x128xf32, #tpu.memory_space<vmem>>, vector<128x128xf32>,
    %get3A_414 = arith.constant 0 : index
    %get3A_415 = arith.constant 9728 : index
    %get3A_416 = vector.load %arg1[%get3A_414, %get3A_415] : memref<64x32768xf32, #tpu.memory_space<vmem>>, vector<64x128xf32>
    %get3A_417 = arith.constant 0 : index
    %get3A_418 = arith.constant 9856 : index
    %get3A_419 = vector.load %arg1[%get3A_417, %get3A_418] : memref<64x32768xf32, #tpu.memory_space<vmem>>, vector<64x128xf32>
    %concatenate3A_420 = tpu.concatenate %get3A_416, %get3A_419 in 0 : vector<64x128xf32>, vector<64x128xf32> -> vector<128x128xf32>
    %transpose3A_421 = tpu.transpose %concatenate3A_420, [1, 0] : vector<128x128xf32> -> vector<128x128xf32>
    %swap3A_422 = arith.constant 4864 : index
    %swap3A_423 = arith.constant 0 : index
    %swap3A_424 = vector.load %arg2[%swap3A_422, %swap3A_423] : memref<16384x128xf32, #tpu.memory_space<vmem>>, vector<128x128xf32>
    tpu.vector_store %arg2[%swap3A_422, %swap3A_423], %transpose3A_421 {strides = array<i32>} : memref<16384x128xf32, #tpu.memory_space<vmem>>, vector<128x128xf32>,
    %get3A_425 = arith.constant 0 : index
    %get3A_426 = arith.constant 9984 : index
    %get3A_427 = vector.load %arg1[%get3A_425, %get3A_426] : memref<64x32768xf32, #tpu.memory_space<vmem>>, vector<64x128xf32>
    %get3A_428 = arith.constant 0 : index
    %get3A_429 = arith.constant 10112 : index
    %get3A_430 = vector.load %arg1[%get3A_428, %get3A_429] : memref<64x32768xf32, #tpu.memory_space<vmem>>, vector<64x128xf32>
    %concatenate3A_431 = tpu.concatenate %get3A_427, %get3A_430 in 0 : vector<64x128xf32>, vector<64x128xf32> -> vector<128x128xf32>
    %transpose3A_432 = tpu.transpose %concatenate3A_431, [1, 0] : vector<128x128xf32> -> vector<128x128xf32>
    %swap3A_433 = arith.constant 4992 : index
    %swap3A_434 = arith.constant 0 : index
    %swap3A_435 = vector.load %arg2[%swap3A_433, %swap3A_434] : memref<16384x128xf32, #tpu.memory_space<vmem>>, vector<128x128xf32>
    tpu.vector_store %arg2[%swap3A_433, %swap3A_434], %transpose3A_432 {strides = array<i32>} : memref<16384x128xf32, #tpu.memory_space<vmem>>, vector<128x128xf32>,
    %get3A_436 = arith.constant 0 : index
    %get3A_437 = arith.constant 10240 : index
    %get3A_438 = vector.load %arg1[%get3A_436, %get3A_437] : memref<64x32768xf32, #tpu.memory_space<vmem>>, vector<64x128xf32>
    %get3A_439 = arith.constant 0 : index
    %get3A_440 = arith.constant 10368 : index
    %get3A_441 = vector.load %arg1[%get3A_439, %get3A_440] : memref<64x32768xf32, #tpu.memory_space<vmem>>, vector<64x128xf32>
    %concatenate3A_442 = tpu.concatenate %get3A_438, %get3A_441 in 0 : vector<64x128xf32>, vector<64x128xf32> -> vector<128x128xf32>
    %transpose3A_443 = tpu.transpose %concatenate3A_442, [1, 0] : vector<128x128xf32> -> vector<128x128xf32>
    %swap3A_444 = arith.constant 5120 : index
    %swap3A_445 = arith.constant 0 : index
    %swap3A_446 = vector.load %arg2[%swap3A_444, %swap3A_445] : memref<16384x128xf32, #tpu.memory_space<vmem>>, vector<128x128xf32>
    tpu.vector_store %arg2[%swap3A_444, %swap3A_445], %transpose3A_443 {strides = array<i32>} : memref<16384x128xf32, #tpu.memory_space<vmem>>, vector<128x128xf32>,
    %get3A_447 = arith.constant 0 : index
    %get3A_448 = arith.constant 10496 : index
    %get3A_449 = vector.load %arg1[%get3A_447, %get3A_448] : memref<64x32768xf32, #tpu.memory_space<vmem>>, vector<64x128xf32>
    %get3A_450 = arith.constant 0 : index
    %get3A_451 = arith.constant 10624 : index
    %get3A_452 = vector.load %arg1[%get3A_450, %get3A_451] : memref<64x32768xf32, #tpu.memory_space<vmem>>, vector<64x128xf32>
    %concatenate3A_453 = tpu.concatenate %get3A_449, %get3A_452 in 0 : vector<64x128xf32>, vector<64x128xf32> -> vector<128x128xf32>
    %transpose3A_454 = tpu.transpose %concatenate3A_453, [1, 0] : vector<128x128xf32> -> vector<128x128xf32>
    %swap3A_455 = arith.constant 5248 : index
    %swap3A_456 = arith.constant 0 : index
    %swap3A_457 = vector.load %arg2[%swap3A_455, %swap3A_456] : memref<16384x128xf32, #tpu.memory_space<vmem>>, vector<128x128xf32>
    tpu.vector_store %arg2[%swap3A_455, %swap3A_456], %transpose3A_454 {strides = array<i32>} : memref<16384x128xf32, #tpu.memory_space<vmem>>, vector<128x128xf32>,
    %get3A_458 = arith.constant 0 : index
    %get3A_459 = arith.constant 10752 : index
    %get3A_460 = vector.load %arg1[%get3A_458, %get3A_459] : memref<64x32768xf32, #tpu.memory_space<vmem>>, vector<64x128xf32>
    %get3A_461 = arith.constant 0 : index
    %get3A_462 = arith.constant 10880 : index
    %get3A_463 = vector.load %arg1[%get3A_461, %get3A_462] : memref<64x32768xf32, #tpu.memory_space<vmem>>, vector<64x128xf32>
    %concatenate3A_464 = tpu.concatenate %get3A_460, %get3A_463 in 0 : vector<64x128xf32>, vector<64x128xf32> -> vector<128x128xf32>
    %transpose3A_465 = tpu.transpose %concatenate3A_464, [1, 0] : vector<128x128xf32> -> vector<128x128xf32>
    %swap3A_466 = arith.constant 5376 : index
    %swap3A_467 = arith.constant 0 : index
    %swap3A_468 = vector.load %arg2[%swap3A_466, %swap3A_467] : memref<16384x128xf32, #tpu.memory_space<vmem>>, vector<128x128xf32>
    tpu.vector_store %arg2[%swap3A_466, %swap3A_467], %transpose3A_465 {strides = array<i32>} : memref<16384x128xf32, #tpu.memory_space<vmem>>, vector<128x128xf32>,
    %get3A_469 = arith.constant 0 : index
    %get3A_470 = arith.constant 11008 : index
    %get3A_471 = vector.load %arg1[%get3A_469, %get3A_470] : memref<64x32768xf32, #tpu.memory_space<vmem>>, vector<64x128xf32>
    %get3A_472 = arith.constant 0 : index
    %get3A_473 = arith.constant 11136 : index
    %get3A_474 = vector.load %arg1[%get3A_472, %get3A_473] : memref<64x32768xf32, #tpu.memory_space<vmem>>, vector<64x128xf32>
    %concatenate3A_475 = tpu.concatenate %get3A_471, %get3A_474 in 0 : vector<64x128xf32>, vector<64x128xf32> -> vector<128x128xf32>
    %transpose3A_476 = tpu.transpose %concatenate3A_475, [1, 0] : vector<128x128xf32> -> vector<128x128xf32>
    %swap3A_477 = arith.constant 5504 : index
    %swap3A_478 = arith.constant 0 : index
    %swap3A_479 = vector.load %arg2[%swap3A_477, %swap3A_478] : memref<16384x128xf32, #tpu.memory_space<vmem>>, vector<128x128xf32>
    tpu.vector_store %arg2[%swap3A_477, %swap3A_478], %transpose3A_476 {strides = array<i32>} : memref<16384x128xf32, #tpu.memory_space<vmem>>, vector<128x128xf32>,
    %get3A_480 = arith.constant 0 : index
    %get3A_481 = arith.constant 11264 : index
    %get3A_482 = vector.load %arg1[%get3A_480, %get3A_481] : memref<64x32768xf32, #tpu.memory_space<vmem>>, vector<64x128xf32>
    %get3A_483 = arith.constant 0 : index
    %get3A_484 = arith.constant 11392 : index
    %get3A_485 = vector.load %arg1[%get3A_483, %get3A_484] : memref<64x32768xf32, #tpu.memory_space<vmem>>, vector<64x128xf32>
    %concatenate3A_486 = tpu.concatenate %get3A_482, %get3A_485 in 0 : vector<64x128xf32>, vector<64x128xf32> -> vector<128x128xf32>
    %transpose3A_487 = tpu.transpose %concatenate3A_486, [1, 0] : vector<128x128xf32> -> vector<128x128xf32>
    %swap3A_488 = arith.constant 5632 : index
    %swap3A_489 = arith.constant 0 : index
    %swap3A_490 = vector.load %arg2[%swap3A_488, %swap3A_489] : memref<16384x128xf32, #tpu.memory_space<vmem>>, vector<128x128xf32>
    tpu.vector_store %arg2[%swap3A_488, %swap3A_489], %transpose3A_487 {strides = array<i32>} : memref<16384x128xf32, #tpu.memory_space<vmem>>, vector<128x128xf32>,
    %get3A_491 = arith.constant 0 : index
    %get3A_492 = arith.constant 11520 : index
    %get3A_493 = vector.load %arg1[%get3A_491, %get3A_492] : memref<64x32768xf32, #tpu.memory_space<vmem>>, vector<64x128xf32>
    %get3A_494 = arith.constant 0 : index
    %get3A_495 = arith.constant 11648 : index
    %get3A_496 = vector.load %arg1[%get3A_494, %get3A_495] : memref<64x32768xf32, #tpu.memory_space<vmem>>, vector<64x128xf32>
    %concatenate3A_497 = tpu.concatenate %get3A_493, %get3A_496 in 0 : vector<64x128xf32>, vector<64x128xf32> -> vector<128x128xf32>
    %transpose3A_498 = tpu.transpose %concatenate3A_497, [1, 0] : vector<128x128xf32> -> vector<128x128xf32>
    %swap3A_499 = arith.constant 5760 : index
    %swap3A_500 = arith.constant 0 : index
    %swap3A_501 = vector.load %arg2[%swap3A_499, %swap3A_500] : memref<16384x128xf32, #tpu.memory_space<vmem>>, vector<128x128xf32>
    tpu.vector_store %arg2[%swap3A_499, %swap3A_500], %transpose3A_498 {strides = array<i32>} : memref<16384x128xf32, #tpu.memory_space<vmem>>, vector<128x128xf32>,
    %get3A_502 = arith.constant 0 : index
    %get3A_503 = arith.constant 11776 : index
    %get3A_504 = vector.load %arg1[%get3A_502, %get3A_503] : memref<64x32768xf32, #tpu.memory_space<vmem>>, vector<64x128xf32>
    %get3A_505 = arith.constant 0 : index
    %get3A_506 = arith.constant 11904 : index
    %get3A_507 = vector.load %arg1[%get3A_505, %get3A_506] : memref<64x32768xf32, #tpu.memory_space<vmem>>, vector<64x128xf32>
    %concatenate3A_508 = tpu.concatenate %get3A_504, %get3A_507 in 0 : vector<64x128xf32>, vector<64x128xf32> -> vector<128x128xf32>
    %transpose3A_509 = tpu.transpose %concatenate3A_508, [1, 0] : vector<128x128xf32> -> vector<128x128xf32>
    %swap3A_510 = arith.constant 5888 : index
    %swap3A_511 = arith.constant 0 : index
    %swap3A_512 = vector.load %arg2[%swap3A_510, %swap3A_511] : memref<16384x128xf32, #tpu.memory_space<vmem>>, vector<128x128xf32>
    tpu.vector_store %arg2[%swap3A_510, %swap3A_511], %transpose3A_509 {strides = array<i32>} : memref<16384x128xf32, #tpu.memory_space<vmem>>, vector<128x128xf32>,
    %get3A_513 = arith.constant 0 : index
    %get3A_514 = arith.constant 12032 : index
    %get3A_515 = vector.load %arg1[%get3A_513, %get3A_514] : memref<64x32768xf32, #tpu.memory_space<vmem>>, vector<64x128xf32>
    %get3A_516 = arith.constant 0 : index
    %get3A_517 = arith.constant 12160 : index
    %get3A_518 = vector.load %arg1[%get3A_516, %get3A_517] : memref<64x32768xf32, #tpu.memory_space<vmem>>, vector<64x128xf32>
    %concatenate3A_519 = tpu.concatenate %get3A_515, %get3A_518 in 0 : vector<64x128xf32>, vector<64x128xf32> -> vector<128x128xf32>
    %transpose3A_520 = tpu.transpose %concatenate3A_519, [1, 0] : vector<128x128xf32> -> vector<128x128xf32>
    %swap3A_521 = arith.constant 6016 : index
    %swap3A_522 = arith.constant 0 : index
    %swap3A_523 = vector.load %arg2[%swap3A_521, %swap3A_522] : memref<16384x128xf32, #tpu.memory_space<vmem>>, vector<128x128xf32>
    tpu.vector_store %arg2[%swap3A_521, %swap3A_522], %transpose3A_520 {strides = array<i32>} : memref<16384x128xf32, #tpu.memory_space<vmem>>, vector<128x128xf32>,
    %get3A_524 = arith.constant 0 : index
    %get3A_525 = arith.constant 12288 : index
    %get3A_526 = vector.load %arg1[%get3A_524, %get3A_525] : memref<64x32768xf32, #tpu.memory_space<vmem>>, vector<64x128xf32>
    %get3A_527 = arith.constant 0 : index
    %get3A_528 = arith.constant 12416 : index
    %get3A_529 = vector.load %arg1[%get3A_527, %get3A_528] : memref<64x32768xf32, #tpu.memory_space<vmem>>, vector<64x128xf32>
    %concatenate3A_530 = tpu.concatenate %get3A_526, %get3A_529 in 0 : vector<64x128xf32>, vector<64x128xf32> -> vector<128x128xf32>
    %transpose3A_531 = tpu.transpose %concatenate3A_530, [1, 0] : vector<128x128xf32> -> vector<128x128xf32>
    %swap3A_532 = arith.constant 6144 : index
    %swap3A_533 = arith.constant 0 : index
    %swap3A_534 = vector.load %arg2[%swap3A_532, %swap3A_533] : memref<16384x128xf32, #tpu.memory_space<vmem>>, vector<128x128xf32>
    tpu.vector_store %arg2[%swap3A_532, %swap3A_533], %transpose3A_531 {strides = array<i32>} : memref<16384x128xf32, #tpu.memory_space<vmem>>, vector<128x128xf32>,
    %get3A_535 = arith.constant 0 : index
    %get3A_536 = arith.constant 12544 : index
    %get3A_537 = vector.load %arg1[%get3A_535, %get3A_536] : memref<64x32768xf32, #tpu.memory_space<vmem>>, vector<64x128xf32>
    %get3A_538 = arith.constant 0 : index
    %get3A_539 = arith.constant 12672 : index
    %get3A_540 = vector.load %arg1[%get3A_538, %get3A_539] : memref<64x32768xf32, #tpu.memory_space<vmem>>, vector<64x128xf32>
    %concatenate3A_541 = tpu.concatenate %get3A_537, %get3A_540 in 0 : vector<64x128xf32>, vector<64x128xf32> -> vector<128x128xf32>
    %transpose3A_542 = tpu.transpose %concatenate3A_541, [1, 0] : vector<128x128xf32> -> vector<128x128xf32>
    %swap3A_543 = arith.constant 6272 : index
    %swap3A_544 = arith.constant 0 : index
    %swap3A_545 = vector.load %arg2[%swap3A_543, %swap3A_544] : memref<16384x128xf32, #tpu.memory_space<vmem>>, vector<128x128xf32>
    tpu.vector_store %arg2[%swap3A_543, %swap3A_544], %transpose3A_542 {strides = array<i32>} : memref<16384x128xf32, #tpu.memory_space<vmem>>, vector<128x128xf32>,
    %get3A_546 = arith.constant 0 : index
    %get3A_547 = arith.constant 12800 : index
    %get3A_548 = vector.load %arg1[%get3A_546, %get3A_547] : memref<64x32768xf32, #tpu.memory_space<vmem>>, vector<64x128xf32>
    %get3A_549 = arith.constant 0 : index
    %get3A_550 = arith.constant 12928 : index
    %get3A_551 = vector.load %arg1[%get3A_549, %get3A_550] : memref<64x32768xf32, #tpu.memory_space<vmem>>, vector<64x128xf32>
    %concatenate3A_552 = tpu.concatenate %get3A_548, %get3A_551 in 0 : vector<64x128xf32>, vector<64x128xf32> -> vector<128x128xf32>
    %transpose3A_553 = tpu.transpose %concatenate3A_552, [1, 0] : vector<128x128xf32> -> vector<128x128xf32>
    %swap3A_554 = arith.constant 6400 : index
    %swap3A_555 = arith.constant 0 : index
    %swap3A_556 = vector.load %arg2[%swap3A_554, %swap3A_555] : memref<16384x128xf32, #tpu.memory_space<vmem>>, vector<128x128xf32>
    tpu.vector_store %arg2[%swap3A_554, %swap3A_555], %transpose3A_553 {strides = array<i32>} : memref<16384x128xf32, #tpu.memory_space<vmem>>, vector<128x128xf32>,
    %get3A_557 = arith.constant 0 : index
    %get3A_558 = arith.constant 13056 : index
    %get3A_559 = vector.load %arg1[%get3A_557, %get3A_558] : memref<64x32768xf32, #tpu.memory_space<vmem>>, vector<64x128xf32>
    %get3A_560 = arith.constant 0 : index
    %get3A_561 = arith.constant 13184 : index
    %get3A_562 = vector.load %arg1[%get3A_560, %get3A_561] : memref<64x32768xf32, #tpu.memory_space<vmem>>, vector<64x128xf32>
    %concatenate3A_563 = tpu.concatenate %get3A_559, %get3A_562 in 0 : vector<64x128xf32>, vector<64x128xf32> -> vector<128x128xf32>
    %transpose3A_564 = tpu.transpose %concatenate3A_563, [1, 0] : vector<128x128xf32> -> vector<128x128xf32>
    %swap3A_565 = arith.constant 6528 : index
    %swap3A_566 = arith.constant 0 : index
    %swap3A_567 = vector.load %arg2[%swap3A_565, %swap3A_566] : memref<16384x128xf32, #tpu.memory_space<vmem>>, vector<128x128xf32>
    tpu.vector_store %arg2[%swap3A_565, %swap3A_566], %transpose3A_564 {strides = array<i32>} : memref<16384x128xf32, #tpu.memory_space<vmem>>, vector<128x128xf32>,
    %get3A_568 = arith.constant 0 : index
    %get3A_569 = arith.constant 13312 : index
    %get3A_570 = vector.load %arg1[%get3A_568, %get3A_569] : memref<64x32768xf32, #tpu.memory_space<vmem>>, vector<64x128xf32>
    %get3A_571 = arith.constant 0 : index
    %get3A_572 = arith.constant 13440 : index
    %get3A_573 = vector.load %arg1[%get3A_571, %get3A_572] : memref<64x32768xf32, #tpu.memory_space<vmem>>, vector<64x128xf32>
    %concatenate3A_574 = tpu.concatenate %get3A_570, %get3A_573 in 0 : vector<64x128xf32>, vector<64x128xf32> -> vector<128x128xf32>
    %transpose3A_575 = tpu.transpose %concatenate3A_574, [1, 0] : vector<128x128xf32> -> vector<128x128xf32>
    %swap3A_576 = arith.constant 6656 : index
    %swap3A_577 = arith.constant 0 : index
    %swap3A_578 = vector.load %arg2[%swap3A_576, %swap3A_577] : memref<16384x128xf32, #tpu.memory_space<vmem>>, vector<128x128xf32>
    tpu.vector_store %arg2[%swap3A_576, %swap3A_577], %transpose3A_575 {strides = array<i32>} : memref<16384x128xf32, #tpu.memory_space<vmem>>, vector<128x128xf32>,
    %get3A_579 = arith.constant 0 : index
    %get3A_580 = arith.constant 13568 : index
    %get3A_581 = vector.load %arg1[%get3A_579, %get3A_580] : memref<64x32768xf32, #tpu.memory_space<vmem>>, vector<64x128xf32>
    %get3A_582 = arith.constant 0 : index
    %get3A_583 = arith.constant 13696 : index
    %get3A_584 = vector.load %arg1[%get3A_582, %get3A_583] : memref<64x32768xf32, #tpu.memory_space<vmem>>, vector<64x128xf32>
    %concatenate3A_585 = tpu.concatenate %get3A_581, %get3A_584 in 0 : vector<64x128xf32>, vector<64x128xf32> -> vector<128x128xf32>
    %transpose3A_586 = tpu.transpose %concatenate3A_585, [1, 0] : vector<128x128xf32> -> vector<128x128xf32>
    %swap3A_587 = arith.constant 6784 : index
    %swap3A_588 = arith.constant 0 : index
    %swap3A_589 = vector.load %arg2[%swap3A_587, %swap3A_588] : memref<16384x128xf32, #tpu.memory_space<vmem>>, vector<128x128xf32>
    tpu.vector_store %arg2[%swap3A_587, %swap3A_588], %transpose3A_586 {strides = array<i32>} : memref<16384x128xf32, #tpu.memory_space<vmem>>, vector<128x128xf32>,
    %get3A_590 = arith.constant 0 : index
    %get3A_591 = arith.constant 13824 : index
    %get3A_592 = vector.load %arg1[%get3A_590, %get3A_591] : memref<64x32768xf32, #tpu.memory_space<vmem>>, vector<64x128xf32>
    %get3A_593 = arith.constant 0 : index
    %get3A_594 = arith.constant 13952 : index
    %get3A_595 = vector.load %arg1[%get3A_593, %get3A_594] : memref<64x32768xf32, #tpu.memory_space<vmem>>, vector<64x128xf32>
    %concatenate3A_596 = tpu.concatenate %get3A_592, %get3A_595 in 0 : vector<64x128xf32>, vector<64x128xf32> -> vector<128x128xf32>
    %transpose3A_597 = tpu.transpose %concatenate3A_596, [1, 0] : vector<128x128xf32> -> vector<128x128xf32>
    %swap3A_598 = arith.constant 6912 : index
    %swap3A_599 = arith.constant 0 : index
    %swap3A_600 = vector.load %arg2[%swap3A_598, %swap3A_599] : memref<16384x128xf32, #tpu.memory_space<vmem>>, vector<128x128xf32>
    tpu.vector_store %arg2[%swap3A_598, %swap3A_599], %transpose3A_597 {strides = array<i32>} : memref<16384x128xf32, #tpu.memory_space<vmem>>, vector<128x128xf32>,
    %get3A_601 = arith.constant 0 : index
    %get3A_602 = arith.constant 14080 : index
    %get3A_603 = vector.load %arg1[%get3A_601, %get3A_602] : memref<64x32768xf32, #tpu.memory_space<vmem>>, vector<64x128xf32>
    %get3A_604 = arith.constant 0 : index
    %get3A_605 = arith.constant 14208 : index
    %get3A_606 = vector.load %arg1[%get3A_604, %get3A_605] : memref<64x32768xf32, #tpu.memory_space<vmem>>, vector<64x128xf32>
    %concatenate3A_607 = tpu.concatenate %get3A_603, %get3A_606 in 0 : vector<64x128xf32>, vector<64x128xf32> -> vector<128x128xf32>
    %transpose3A_608 = tpu.transpose %concatenate3A_607, [1, 0] : vector<128x128xf32> -> vector<128x128xf32>
    %swap3A_609 = arith.constant 7040 : index
    %swap3A_610 = arith.constant 0 : index
    %swap3A_611 = vector.load %arg2[%swap3A_609, %swap3A_610] : memref<16384x128xf32, #tpu.memory_space<vmem>>, vector<128x128xf32>
    tpu.vector_store %arg2[%swap3A_609, %swap3A_610], %transpose3A_608 {strides = array<i32>} : memref<16384x128xf32, #tpu.memory_space<vmem>>, vector<128x128xf32>,
    %get3A_612 = arith.constant 0 : index
    %get3A_613 = arith.constant 14336 : index
    %get3A_614 = vector.load %arg1[%get3A_612, %get3A_613] : memref<64x32768xf32, #tpu.memory_space<vmem>>, vector<64x128xf32>
    %get3A_615 = arith.constant 0 : index
    %get3A_616 = arith.constant 14464 : index
    %get3A_617 = vector.load %arg1[%get3A_615, %get3A_616] : memref<64x32768xf32, #tpu.memory_space<vmem>>, vector<64x128xf32>
    %concatenate3A_618 = tpu.concatenate %get3A_614, %get3A_617 in 0 : vector<64x128xf32>, vector<64x128xf32> -> vector<128x128xf32>
    %transpose3A_619 = tpu.transpose %concatenate3A_618, [1, 0] : vector<128x128xf32> -> vector<128x128xf32>
    %swap3A_620 = arith.constant 7168 : index
    %swap3A_621 = arith.constant 0 : index
    %swap3A_622 = vector.load %arg2[%swap3A_620, %swap3A_621] : memref<16384x128xf32, #tpu.memory_space<vmem>>, vector<128x128xf32>
    tpu.vector_store %arg2[%swap3A_620, %swap3A_621], %transpose3A_619 {strides = array<i32>} : memref<16384x128xf32, #tpu.memory_space<vmem>>, vector<128x128xf32>,
    %get3A_623 = arith.constant 0 : index
    %get3A_624 = arith.constant 14592 : index
    %get3A_625 = vector.load %arg1[%get3A_623, %get3A_624] : memref<64x32768xf32, #tpu.memory_space<vmem>>, vector<64x128xf32>
    %get3A_626 = arith.constant 0 : index
    %get3A_627 = arith.constant 14720 : index
    %get3A_628 = vector.load %arg1[%get3A_626, %get3A_627] : memref<64x32768xf32, #tpu.memory_space<vmem>>, vector<64x128xf32>
    %concatenate3A_629 = tpu.concatenate %get3A_625, %get3A_628 in 0 : vector<64x128xf32>, vector<64x128xf32> -> vector<128x128xf32>
    %transpose3A_630 = tpu.transpose %concatenate3A_629, [1, 0] : vector<128x128xf32> -> vector<128x128xf32>
    %swap3A_631 = arith.constant 7296 : index
    %swap3A_632 = arith.constant 0 : index
    %swap3A_633 = vector.load %arg2[%swap3A_631, %swap3A_632] : memref<16384x128xf32, #tpu.memory_space<vmem>>, vector<128x128xf32>
    tpu.vector_store %arg2[%swap3A_631, %swap3A_632], %transpose3A_630 {strides = array<i32>} : memref<16384x128xf32, #tpu.memory_space<vmem>>, vector<128x128xf32>,
    %get3A_634 = arith.constant 0 : index
    %get3A_635 = arith.constant 14848 : index
    %get3A_636 = vector.load %arg1[%get3A_634, %get3A_635] : memref<64x32768xf32, #tpu.memory_space<vmem>>, vector<64x128xf32>
    %get3A_637 = arith.constant 0 : index
    %get3A_638 = arith.constant 14976 : index
    %get3A_639 = vector.load %arg1[%get3A_637, %get3A_638] : memref<64x32768xf32, #tpu.memory_space<vmem>>, vector<64x128xf32>
    %concatenate3A_640 = tpu.concatenate %get3A_636, %get3A_639 in 0 : vector<64x128xf32>, vector<64x128xf32> -> vector<128x128xf32>
    %transpose3A_641 = tpu.transpose %concatenate3A_640, [1, 0] : vector<128x128xf32> -> vector<128x128xf32>
    %swap3A_642 = arith.constant 7424 : index
    %swap3A_643 = arith.constant 0 : index
    %swap3A_644 = vector.load %arg2[%swap3A_642, %swap3A_643] : memref<16384x128xf32, #tpu.memory_space<vmem>>, vector<128x128xf32>
    tpu.vector_store %arg2[%swap3A_642, %swap3A_643], %transpose3A_641 {strides = array<i32>} : memref<16384x128xf32, #tpu.memory_space<vmem>>, vector<128x128xf32>,
    %get3A_645 = arith.constant 0 : index
    %get3A_646 = arith.constant 15104 : index
    %get3A_647 = vector.load %arg1[%get3A_645, %get3A_646] : memref<64x32768xf32, #tpu.memory_space<vmem>>, vector<64x128xf32>
    %get3A_648 = arith.constant 0 : index
    %get3A_649 = arith.constant 15232 : index
    %get3A_650 = vector.load %arg1[%get3A_648, %get3A_649] : memref<64x32768xf32, #tpu.memory_space<vmem>>, vector<64x128xf32>
    %concatenate3A_651 = tpu.concatenate %get3A_647, %get3A_650 in 0 : vector<64x128xf32>, vector<64x128xf32> -> vector<128x128xf32>
    %transpose3A_652 = tpu.transpose %concatenate3A_651, [1, 0] : vector<128x128xf32> -> vector<128x128xf32>
    %swap3A_653 = arith.constant 7552 : index
    %swap3A_654 = arith.constant 0 : index
    %swap3A_655 = vector.load %arg2[%swap3A_653, %swap3A_654] : memref<16384x128xf32, #tpu.memory_space<vmem>>, vector<128x128xf32>
    tpu.vector_store %arg2[%swap3A_653, %swap3A_654], %transpose3A_652 {strides = array<i32>} : memref<16384x128xf32, #tpu.memory_space<vmem>>, vector<128x128xf32>,
    %get3A_656 = arith.constant 0 : index
    %get3A_657 = arith.constant 15360 : index
    %get3A_658 = vector.load %arg1[%get3A_656, %get3A_657] : memref<64x32768xf32, #tpu.memory_space<vmem>>, vector<64x128xf32>
    %get3A_659 = arith.constant 0 : index
    %get3A_660 = arith.constant 15488 : index
    %get3A_661 = vector.load %arg1[%get3A_659, %get3A_660] : memref<64x32768xf32, #tpu.memory_space<vmem>>, vector<64x128xf32>
    %concatenate3A_662 = tpu.concatenate %get3A_658, %get3A_661 in 0 : vector<64x128xf32>, vector<64x128xf32> -> vector<128x128xf32>
    %transpose3A_663 = tpu.transpose %concatenate3A_662, [1, 0] : vector<128x128xf32> -> vector<128x128xf32>
    %swap3A_664 = arith.constant 7680 : index
    %swap3A_665 = arith.constant 0 : index
    %swap3A_666 = vector.load %arg2[%swap3A_664, %swap3A_665] : memref<16384x128xf32, #tpu.memory_space<vmem>>, vector<128x128xf32>
    tpu.vector_store %arg2[%swap3A_664, %swap3A_665], %transpose3A_663 {strides = array<i32>} : memref<16384x128xf32, #tpu.memory_space<vmem>>, vector<128x128xf32>,
    %get3A_667 = arith.constant 0 : index
    %get3A_668 = arith.constant 15616 : index
    %get3A_669 = vector.load %arg1[%get3A_667, %get3A_668] : memref<64x32768xf32, #tpu.memory_space<vmem>>, vector<64x128xf32>
    %get3A_670 = arith.constant 0 : index
    %get3A_671 = arith.constant 15744 : index
    %get3A_672 = vector.load %arg1[%get3A_670, %get3A_671] : memref<64x32768xf32, #tpu.memory_space<vmem>>, vector<64x128xf32>
    %concatenate3A_673 = tpu.concatenate %get3A_669, %get3A_672 in 0 : vector<64x128xf32>, vector<64x128xf32> -> vector<128x128xf32>
    %transpose3A_674 = tpu.transpose %concatenate3A_673, [1, 0] : vector<128x128xf32> -> vector<128x128xf32>
    %swap3A_675 = arith.constant 7808 : index
    %swap3A_676 = arith.constant 0 : index
    %swap3A_677 = vector.load %arg2[%swap3A_675, %swap3A_676] : memref<16384x128xf32, #tpu.memory_space<vmem>>, vector<128x128xf32>
    tpu.vector_store %arg2[%swap3A_675, %swap3A_676], %transpose3A_674 {strides = array<i32>} : memref<16384x128xf32, #tpu.memory_space<vmem>>, vector<128x128xf32>,
    %get3A_678 = arith.constant 0 : index
    %get3A_679 = arith.constant 15872 : index
    %get3A_680 = vector.load %arg1[%get3A_678, %get3A_679] : memref<64x32768xf32, #tpu.memory_space<vmem>>, vector<64x128xf32>
    %get3A_681 = arith.constant 0 : index
    %get3A_682 = arith.constant 16000 : index
    %get3A_683 = vector.load %arg1[%get3A_681, %get3A_682] : memref<64x32768xf32, #tpu.memory_space<vmem>>, vector<64x128xf32>
    %concatenate3A_684 = tpu.concatenate %get3A_680, %get3A_683 in 0 : vector<64x128xf32>, vector<64x128xf32> -> vector<128x128xf32>
    %transpose3A_685 = tpu.transpose %concatenate3A_684, [1, 0] : vector<128x128xf32> -> vector<128x128xf32>
    %swap3A_686 = arith.constant 7936 : index
    %swap3A_687 = arith.constant 0 : index
    %swap3A_688 = vector.load %arg2[%swap3A_686, %swap3A_687] : memref<16384x128xf32, #tpu.memory_space<vmem>>, vector<128x128xf32>
    tpu.vector_store %arg2[%swap3A_686, %swap3A_687], %transpose3A_685 {strides = array<i32>} : memref<16384x128xf32, #tpu.memory_space<vmem>>, vector<128x128xf32>,
    %get3A_689 = arith.constant 0 : index
    %get3A_690 = arith.constant 16128 : index
    %get3A_691 = vector.load %arg1[%get3A_689, %get3A_690] : memref<64x32768xf32, #tpu.memory_space<vmem>>, vector<64x128xf32>
    %get3A_692 = arith.constant 0 : index
    %get3A_693 = arith.constant 16256 : index
    %get3A_694 = vector.load %arg1[%get3A_692, %get3A_693] : memref<64x32768xf32, #tpu.memory_space<vmem>>, vector<64x128xf32>
    %concatenate3A_695 = tpu.concatenate %get3A_691, %get3A_694 in 0 : vector<64x128xf32>, vector<64x128xf32> -> vector<128x128xf32>
    %transpose3A_696 = tpu.transpose %concatenate3A_695, [1, 0] : vector<128x128xf32> -> vector<128x128xf32>
    %swap3A_697 = arith.constant 8064 : index
    %swap3A_698 = arith.constant 0 : index
    %swap3A_699 = vector.load %arg2[%swap3A_697, %swap3A_698] : memref<16384x128xf32, #tpu.memory_space<vmem>>, vector<128x128xf32>
    tpu.vector_store %arg2[%swap3A_697, %swap3A_698], %transpose3A_696 {strides = array<i32>} : memref<16384x128xf32, #tpu.memory_space<vmem>>, vector<128x128xf32>,
    %get3A_700 = arith.constant 0 : index
    %get3A_701 = arith.constant 16384 : index
    %get3A_702 = vector.load %arg1[%get3A_700, %get3A_701] : memref<64x32768xf32, #tpu.memory_space<vmem>>, vector<64x128xf32>
    %get3A_703 = arith.constant 0 : index
    %get3A_704 = arith.constant 16512 : index
    %get3A_705 = vector.load %arg1[%get3A_703, %get3A_704] : memref<64x32768xf32, #tpu.memory_space<vmem>>, vector<64x128xf32>
    %concatenate3A_706 = tpu.concatenate %get3A_702, %get3A_705 in 0 : vector<64x128xf32>, vector<64x128xf32> -> vector<128x128xf32>
    %transpose3A_707 = tpu.transpose %concatenate3A_706, [1, 0] : vector<128x128xf32> -> vector<128x128xf32>
    %swap3A_708 = arith.constant 8192 : index
    %swap3A_709 = arith.constant 0 : index
    %swap3A_710 = vector.load %arg2[%swap3A_708, %swap3A_709] : memref<16384x128xf32, #tpu.memory_space<vmem>>, vector<128x128xf32>
    tpu.vector_store %arg2[%swap3A_708, %swap3A_709], %transpose3A_707 {strides = array<i32>} : memref<16384x128xf32, #tpu.memory_space<vmem>>, vector<128x128xf32>,
    %get3A_711 = arith.constant 0 : index
    %get3A_712 = arith.constant 16640 : index
    %get3A_713 = vector.load %arg1[%get3A_711, %get3A_712] : memref<64x32768xf32, #tpu.memory_space<vmem>>, vector<64x128xf32>
    %get3A_714 = arith.constant 0 : index
    %get3A_715 = arith.constant 16768 : index
    %get3A_716 = vector.load %arg1[%get3A_714, %get3A_715] : memref<64x32768xf32, #tpu.memory_space<vmem>>, vector<64x128xf32>
    %concatenate3A_717 = tpu.concatenate %get3A_713, %get3A_716 in 0 : vector<64x128xf32>, vector<64x128xf32> -> vector<128x128xf32>
    %transpose3A_718 = tpu.transpose %concatenate3A_717, [1, 0] : vector<128x128xf32> -> vector<128x128xf32>
    %swap3A_719 = arith.constant 8320 : index
    %swap3A_720 = arith.constant 0 : index
    %swap3A_721 = vector.load %arg2[%swap3A_719, %swap3A_720] : memref<16384x128xf32, #tpu.memory_space<vmem>>, vector<128x128xf32>
    tpu.vector_store %arg2[%swap3A_719, %swap3A_720], %transpose3A_718 {strides = array<i32>} : memref<16384x128xf32, #tpu.memory_space<vmem>>, vector<128x128xf32>,
    %get3A_722 = arith.constant 0 : index
    %get3A_723 = arith.constant 16896 : index
    %get3A_724 = vector.load %arg1[%get3A_722, %get3A_723] : memref<64x32768xf32, #tpu.memory_space<vmem>>, vector<64x128xf32>
    %get3A_725 = arith.constant 0 : index
    %get3A_726 = arith.constant 17024 : index
    %get3A_727 = vector.load %arg1[%get3A_725, %get3A_726] : memref<64x32768xf32, #tpu.memory_space<vmem>>, vector<64x128xf32>
    %concatenate3A_728 = tpu.concatenate %get3A_724, %get3A_727 in 0 : vector<64x128xf32>, vector<64x128xf32> -> vector<128x128xf32>
    %transpose3A_729 = tpu.transpose %concatenate3A_728, [1, 0] : vector<128x128xf32> -> vector<128x128xf32>
    %swap3A_730 = arith.constant 8448 : index
    %swap3A_731 = arith.constant 0 : index
    %swap3A_732 = vector.load %arg2[%swap3A_730, %swap3A_731] : memref<16384x128xf32, #tpu.memory_space<vmem>>, vector<128x128xf32>
    tpu.vector_store %arg2[%swap3A_730, %swap3A_731], %transpose3A_729 {strides = array<i32>} : memref<16384x128xf32, #tpu.memory_space<vmem>>, vector<128x128xf32>,
    %get3A_733 = arith.constant 0 : index
    %get3A_734 = arith.constant 17152 : index
    %get3A_735 = vector.load %arg1[%get3A_733, %get3A_734] : memref<64x32768xf32, #tpu.memory_space<vmem>>, vector<64x128xf32>
    %get3A_736 = arith.constant 0 : index
    %get3A_737 = arith.constant 17280 : index
    %get3A_738 = vector.load %arg1[%get3A_736, %get3A_737] : memref<64x32768xf32, #tpu.memory_space<vmem>>, vector<64x128xf32>
    %concatenate3A_739 = tpu.concatenate %get3A_735, %get3A_738 in 0 : vector<64x128xf32>, vector<64x128xf32> -> vector<128x128xf32>
    %transpose3A_740 = tpu.transpose %concatenate3A_739, [1, 0] : vector<128x128xf32> -> vector<128x128xf32>
    %swap3A_741 = arith.constant 8576 : index
    %swap3A_742 = arith.constant 0 : index
    %swap3A_743 = vector.load %arg2[%swap3A_741, %swap3A_742] : memref<16384x128xf32, #tpu.memory_space<vmem>>, vector<128x128xf32>
    tpu.vector_store %arg2[%swap3A_741, %swap3A_742], %transpose3A_740 {strides = array<i32>} : memref<16384x128xf32, #tpu.memory_space<vmem>>, vector<128x128xf32>,
    %get3A_744 = arith.constant 0 : index
    %get3A_745 = arith.constant 17408 : index
    %get3A_746 = vector.load %arg1[%get3A_744, %get3A_745] : memref<64x32768xf32, #tpu.memory_space<vmem>>, vector<64x128xf32>
    %get3A_747 = arith.constant 0 : index
    %get3A_748 = arith.constant 17536 : index
    %get3A_749 = vector.load %arg1[%get3A_747, %get3A_748] : memref<64x32768xf32, #tpu.memory_space<vmem>>, vector<64x128xf32>
    %concatenate3A_750 = tpu.concatenate %get3A_746, %get3A_749 in 0 : vector<64x128xf32>, vector<64x128xf32> -> vector<128x128xf32>
    %transpose3A_751 = tpu.transpose %concatenate3A_750, [1, 0] : vector<128x128xf32> -> vector<128x128xf32>
    %swap3A_752 = arith.constant 8704 : index
    %swap3A_753 = arith.constant 0 : index
    %swap3A_754 = vector.load %arg2[%swap3A_752, %swap3A_753] : memref<16384x128xf32, #tpu.memory_space<vmem>>, vector<128x128xf32>
    tpu.vector_store %arg2[%swap3A_752, %swap3A_753], %transpose3A_751 {strides = array<i32>} : memref<16384x128xf32, #tpu.memory_space<vmem>>, vector<128x128xf32>,
    %get3A_755 = arith.constant 0 : index
    %get3A_756 = arith.constant 17664 : index
    %get3A_757 = vector.load %arg1[%get3A_755, %get3A_756] : memref<64x32768xf32, #tpu.memory_space<vmem>>, vector<64x128xf32>
    %get3A_758 = arith.constant 0 : index
    %get3A_759 = arith.constant 17792 : index
    %get3A_760 = vector.load %arg1[%get3A_758, %get3A_759] : memref<64x32768xf32, #tpu.memory_space<vmem>>, vector<64x128xf32>
    %concatenate3A_761 = tpu.concatenate %get3A_757, %get3A_760 in 0 : vector<64x128xf32>, vector<64x128xf32> -> vector<128x128xf32>
    %transpose3A_762 = tpu.transpose %concatenate3A_761, [1, 0] : vector<128x128xf32> -> vector<128x128xf32>
    %swap3A_763 = arith.constant 8832 : index
    %swap3A_764 = arith.constant 0 : index
    %swap3A_765 = vector.load %arg2[%swap3A_763, %swap3A_764] : memref<16384x128xf32, #tpu.memory_space<vmem>>, vector<128x128xf32>
    tpu.vector_store %arg2[%swap3A_763, %swap3A_764], %transpose3A_762 {strides = array<i32>} : memref<16384x128xf32, #tpu.memory_space<vmem>>, vector<128x128xf32>,
    %get3A_766 = arith.constant 0 : index
    %get3A_767 = arith.constant 17920 : index
    %get3A_768 = vector.load %arg1[%get3A_766, %get3A_767] : memref<64x32768xf32, #tpu.memory_space<vmem>>, vector<64x128xf32>
    %get3A_769 = arith.constant 0 : index
    %get3A_770 = arith.constant 18048 : index
    %get3A_771 = vector.load %arg1[%get3A_769, %get3A_770] : memref<64x32768xf32, #tpu.memory_space<vmem>>, vector<64x128xf32>
    %concatenate3A_772 = tpu.concatenate %get3A_768, %get3A_771 in 0 : vector<64x128xf32>, vector<64x128xf32> -> vector<128x128xf32>
    %transpose3A_773 = tpu.transpose %concatenate3A_772, [1, 0] : vector<128x128xf32> -> vector<128x128xf32>
    %swap3A_774 = arith.constant 8960 : index
    %swap3A_775 = arith.constant 0 : index
    %swap3A_776 = vector.load %arg2[%swap3A_774, %swap3A_775] : memref<16384x128xf32, #tpu.memory_space<vmem>>, vector<128x128xf32>
    tpu.vector_store %arg2[%swap3A_774, %swap3A_775], %transpose3A_773 {strides = array<i32>} : memref<16384x128xf32, #tpu.memory_space<vmem>>, vector<128x128xf32>,
    %get3A_777 = arith.constant 0 : index
    %get3A_778 = arith.constant 18176 : index
    %get3A_779 = vector.load %arg1[%get3A_777, %get3A_778] : memref<64x32768xf32, #tpu.memory_space<vmem>>, vector<64x128xf32>
    %get3A_780 = arith.constant 0 : index
    %get3A_781 = arith.constant 18304 : index
    %get3A_782 = vector.load %arg1[%get3A_780, %get3A_781] : memref<64x32768xf32, #tpu.memory_space<vmem>>, vector<64x128xf32>
    %concatenate3A_783 = tpu.concatenate %get3A_779, %get3A_782 in 0 : vector<64x128xf32>, vector<64x128xf32> -> vector<128x128xf32>
    %transpose3A_784 = tpu.transpose %concatenate3A_783, [1, 0] : vector<128x128xf32> -> vector<128x128xf32>
    %swap3A_785 = arith.constant 9088 : index
    %swap3A_786 = arith.constant 0 : index
    %swap3A_787 = vector.load %arg2[%swap3A_785, %swap3A_786] : memref<16384x128xf32, #tpu.memory_space<vmem>>, vector<128x128xf32>
    tpu.vector_store %arg2[%swap3A_785, %swap3A_786], %transpose3A_784 {strides = array<i32>} : memref<16384x128xf32, #tpu.memory_space<vmem>>, vector<128x128xf32>,
    %get3A_788 = arith.constant 0 : index
    %get3A_789 = arith.constant 18432 : index
    %get3A_790 = vector.load %arg1[%get3A_788, %get3A_789] : memref<64x32768xf32, #tpu.memory_space<vmem>>, vector<64x128xf32>
    %get3A_791 = arith.constant 0 : index
    %get3A_792 = arith.constant 18560 : index
    %get3A_793 = vector.load %arg1[%get3A_791, %get3A_792] : memref<64x32768xf32, #tpu.memory_space<vmem>>, vector<64x128xf32>
    %concatenate3A_794 = tpu.concatenate %get3A_790, %get3A_793 in 0 : vector<64x128xf32>, vector<64x128xf32> -> vector<128x128xf32>
    %transpose3A_795 = tpu.transpose %concatenate3A_794, [1, 0] : vector<128x128xf32> -> vector<128x128xf32>
    %swap3A_796 = arith.constant 9216 : index
    %swap3A_797 = arith.constant 0 : index
    %swap3A_798 = vector.load %arg2[%swap3A_796, %swap3A_797] : memref<16384x128xf32, #tpu.memory_space<vmem>>, vector<128x128xf32>
    tpu.vector_store %arg2[%swap3A_796, %swap3A_797], %transpose3A_795 {strides = array<i32>} : memref<16384x128xf32, #tpu.memory_space<vmem>>, vector<128x128xf32>,
    %get3A_799 = arith.constant 0 : index
    %get3A_800 = arith.constant 18688 : index
    %get3A_801 = vector.load %arg1[%get3A_799, %get3A_800] : memref<64x32768xf32, #tpu.memory_space<vmem>>, vector<64x128xf32>
    %get3A_802 = arith.constant 0 : index
    %get3A_803 = arith.constant 18816 : index
    %get3A_804 = vector.load %arg1[%get3A_802, %get3A_803] : memref<64x32768xf32, #tpu.memory_space<vmem>>, vector<64x128xf32>
    %concatenate3A_805 = tpu.concatenate %get3A_801, %get3A_804 in 0 : vector<64x128xf32>, vector<64x128xf32> -> vector<128x128xf32>
    %transpose3A_806 = tpu.transpose %concatenate3A_805, [1, 0] : vector<128x128xf32> -> vector<128x128xf32>
    %swap3A_807 = arith.constant 9344 : index
    %swap3A_808 = arith.constant 0 : index
    %swap3A_809 = vector.load %arg2[%swap3A_807, %swap3A_808] : memref<16384x128xf32, #tpu.memory_space<vmem>>, vector<128x128xf32>
    tpu.vector_store %arg2[%swap3A_807, %swap3A_808], %transpose3A_806 {strides = array<i32>} : memref<16384x128xf32, #tpu.memory_space<vmem>>, vector<128x128xf32>,
    %get3A_810 = arith.constant 0 : index
    %get3A_811 = arith.constant 18944 : index
    %get3A_812 = vector.load %arg1[%get3A_810, %get3A_811] : memref<64x32768xf32, #tpu.memory_space<vmem>>, vector<64x128xf32>
    %get3A_813 = arith.constant 0 : index
    %get3A_814 = arith.constant 19072 : index
    %get3A_815 = vector.load %arg1[%get3A_813, %get3A_814] : memref<64x32768xf32, #tpu.memory_space<vmem>>, vector<64x128xf32>
    %concatenate3A_816 = tpu.concatenate %get3A_812, %get3A_815 in 0 : vector<64x128xf32>, vector<64x128xf32> -> vector<128x128xf32>
    %transpose3A_817 = tpu.transpose %concatenate3A_816, [1, 0] : vector<128x128xf32> -> vector<128x128xf32>
    %swap3A_818 = arith.constant 9472 : index
    %swap3A_819 = arith.constant 0 : index
    %swap3A_820 = vector.load %arg2[%swap3A_818, %swap3A_819] : memref<16384x128xf32, #tpu.memory_space<vmem>>, vector<128x128xf32>
    tpu.vector_store %arg2[%swap3A_818, %swap3A_819], %transpose3A_817 {strides = array<i32>} : memref<16384x128xf32, #tpu.memory_space<vmem>>, vector<128x128xf32>,
    %get3A_821 = arith.constant 0 : index
    %get3A_822 = arith.constant 19200 : index
    %get3A_823 = vector.load %arg1[%get3A_821, %get3A_822] : memref<64x32768xf32, #tpu.memory_space<vmem>>, vector<64x128xf32>
    %get3A_824 = arith.constant 0 : index
    %get3A_825 = arith.constant 19328 : index
    %get3A_826 = vector.load %arg1[%get3A_824, %get3A_825] : memref<64x32768xf32, #tpu.memory_space<vmem>>, vector<64x128xf32>
    %concatenate3A_827 = tpu.concatenate %get3A_823, %get3A_826 in 0 : vector<64x128xf32>, vector<64x128xf32> -> vector<128x128xf32>
    %transpose3A_828 = tpu.transpose %concatenate3A_827, [1, 0] : vector<128x128xf32> -> vector<128x128xf32>
    %swap3A_829 = arith.constant 9600 : index
    %swap3A_830 = arith.constant 0 : index
    %swap3A_831 = vector.load %arg2[%swap3A_829, %swap3A_830] : memref<16384x128xf32, #tpu.memory_space<vmem>>, vector<128x128xf32>
    tpu.vector_store %arg2[%swap3A_829, %swap3A_830], %transpose3A_828 {strides = array<i32>} : memref<16384x128xf32, #tpu.memory_space<vmem>>, vector<128x128xf32>,
    %get3A_832 = arith.constant 0 : index
    %get3A_833 = arith.constant 19456 : index
    %get3A_834 = vector.load %arg1[%get3A_832, %get3A_833] : memref<64x32768xf32, #tpu.memory_space<vmem>>, vector<64x128xf32>
    %get3A_835 = arith.constant 0 : index
    %get3A_836 = arith.constant 19584 : index
    %get3A_837 = vector.load %arg1[%get3A_835, %get3A_836] : memref<64x32768xf32, #tpu.memory_space<vmem>>, vector<64x128xf32>
    %concatenate3A_838 = tpu.concatenate %get3A_834, %get3A_837 in 0 : vector<64x128xf32>, vector<64x128xf32> -> vector<128x128xf32>
    %transpose3A_839 = tpu.transpose %concatenate3A_838, [1, 0] : vector<128x128xf32> -> vector<128x128xf32>
    %swap3A_840 = arith.constant 9728 : index
    %swap3A_841 = arith.constant 0 : index
    %swap3A_842 = vector.load %arg2[%swap3A_840, %swap3A_841] : memref<16384x128xf32, #tpu.memory_space<vmem>>, vector<128x128xf32>
    tpu.vector_store %arg2[%swap3A_840, %swap3A_841], %transpose3A_839 {strides = array<i32>} : memref<16384x128xf32, #tpu.memory_space<vmem>>, vector<128x128xf32>,
    %get3A_843 = arith.constant 0 : index
    %get3A_844 = arith.constant 19712 : index
    %get3A_845 = vector.load %arg1[%get3A_843, %get3A_844] : memref<64x32768xf32, #tpu.memory_space<vmem>>, vector<64x128xf32>
    %get3A_846 = arith.constant 0 : index
    %get3A_847 = arith.constant 19840 : index
    %get3A_848 = vector.load %arg1[%get3A_846, %get3A_847] : memref<64x32768xf32, #tpu.memory_space<vmem>>, vector<64x128xf32>
    %concatenate3A_849 = tpu.concatenate %get3A_845, %get3A_848 in 0 : vector<64x128xf32>, vector<64x128xf32> -> vector<128x128xf32>
    %transpose3A_850 = tpu.transpose %concatenate3A_849, [1, 0] : vector<128x128xf32> -> vector<128x128xf32>
    %swap3A_851 = arith.constant 9856 : index
    %swap3A_852 = arith.constant 0 : index
    %swap3A_853 = vector.load %arg2[%swap3A_851, %swap3A_852] : memref<16384x128xf32, #tpu.memory_space<vmem>>, vector<128x128xf32>
    tpu.vector_store %arg2[%swap3A_851, %swap3A_852], %transpose3A_850 {strides = array<i32>} : memref<16384x128xf32, #tpu.memory_space<vmem>>, vector<128x128xf32>,
    %get3A_854 = arith.constant 0 : index
    %get3A_855 = arith.constant 19968 : index
    %get3A_856 = vector.load %arg1[%get3A_854, %get3A_855] : memref<64x32768xf32, #tpu.memory_space<vmem>>, vector<64x128xf32>
    %get3A_857 = arith.constant 0 : index
    %get3A_858 = arith.constant 20096 : index
    %get3A_859 = vector.load %arg1[%get3A_857, %get3A_858] : memref<64x32768xf32, #tpu.memory_space<vmem>>, vector<64x128xf32>
    %concatenate3A_860 = tpu.concatenate %get3A_856, %get3A_859 in 0 : vector<64x128xf32>, vector<64x128xf32> -> vector<128x128xf32>
    %transpose3A_861 = tpu.transpose %concatenate3A_860, [1, 0] : vector<128x128xf32> -> vector<128x128xf32>
    %swap3A_862 = arith.constant 9984 : index
    %swap3A_863 = arith.constant 0 : index
    %swap3A_864 = vector.load %arg2[%swap3A_862, %swap3A_863] : memref<16384x128xf32, #tpu.memory_space<vmem>>, vector<128x128xf32>
    tpu.vector_store %arg2[%swap3A_862, %swap3A_863], %transpose3A_861 {strides = array<i32>} : memref<16384x128xf32, #tpu.memory_space<vmem>>, vector<128x128xf32>,
    %get3A_865 = arith.constant 0 : index
    %get3A_866 = arith.constant 20224 : index
    %get3A_867 = vector.load %arg1[%get3A_865, %get3A_866] : memref<64x32768xf32, #tpu.memory_space<vmem>>, vector<64x128xf32>
    %get3A_868 = arith.constant 0 : index
    %get3A_869 = arith.constant 20352 : index
    %get3A_870 = vector.load %arg1[%get3A_868, %get3A_869] : memref<64x32768xf32, #tpu.memory_space<vmem>>, vector<64x128xf32>
    %concatenate3A_871 = tpu.concatenate %get3A_867, %get3A_870 in 0 : vector<64x128xf32>, vector<64x128xf32> -> vector<128x128xf32>
    %transpose3A_872 = tpu.transpose %concatenate3A_871, [1, 0] : vector<128x128xf32> -> vector<128x128xf32>
    %swap3A_873 = arith.constant 10112 : index
    %swap3A_874 = arith.constant 0 : index
    %swap3A_875 = vector.load %arg2[%swap3A_873, %swap3A_874] : memref<16384x128xf32, #tpu.memory_space<vmem>>, vector<128x128xf32>
    tpu.vector_store %arg2[%swap3A_873, %swap3A_874], %transpose3A_872 {strides = array<i32>} : memref<16384x128xf32, #tpu.memory_space<vmem>>, vector<128x128xf32>,
    %get3A_876 = arith.constant 0 : index
    %get3A_877 = arith.constant 20480 : index
    %get3A_878 = vector.load %arg1[%get3A_876, %get3A_877] : memref<64x32768xf32, #tpu.memory_space<vmem>>, vector<64x128xf32>
    %get3A_879 = arith.constant 0 : index
    %get3A_880 = arith.constant 20608 : index
    %get3A_881 = vector.load %arg1[%get3A_879, %get3A_880] : memref<64x32768xf32, #tpu.memory_space<vmem>>, vector<64x128xf32>
    %concatenate3A_882 = tpu.concatenate %get3A_878, %get3A_881 in 0 : vector<64x128xf32>, vector<64x128xf32> -> vector<128x128xf32>
    %transpose3A_883 = tpu.transpose %concatenate3A_882, [1, 0] : vector<128x128xf32> -> vector<128x128xf32>
    %swap3A_884 = arith.constant 10240 : index
    %swap3A_885 = arith.constant 0 : index
    %swap3A_886 = vector.load %arg2[%swap3A_884, %swap3A_885] : memref<16384x128xf32, #tpu.memory_space<vmem>>, vector<128x128xf32>
    tpu.vector_store %arg2[%swap3A_884, %swap3A_885], %transpose3A_883 {strides = array<i32>} : memref<16384x128xf32, #tpu.memory_space<vmem>>, vector<128x128xf32>,
    %get3A_887 = arith.constant 0 : index
    %get3A_888 = arith.constant 20736 : index
    %get3A_889 = vector.load %arg1[%get3A_887, %get3A_888] : memref<64x32768xf32, #tpu.memory_space<vmem>>, vector<64x128xf32>
    %get3A_890 = arith.constant 0 : index
    %get3A_891 = arith.constant 20864 : index
    %get3A_892 = vector.load %arg1[%get3A_890, %get3A_891] : memref<64x32768xf32, #tpu.memory_space<vmem>>, vector<64x128xf32>
    %concatenate3A_893 = tpu.concatenate %get3A_889, %get3A_892 in 0 : vector<64x128xf32>, vector<64x128xf32> -> vector<128x128xf32>
    %transpose3A_894 = tpu.transpose %concatenate3A_893, [1, 0] : vector<128x128xf32> -> vector<128x128xf32>
    %swap3A_895 = arith.constant 10368 : index
    %swap3A_896 = arith.constant 0 : index
    %swap3A_897 = vector.load %arg2[%swap3A_895, %swap3A_896] : memref<16384x128xf32, #tpu.memory_space<vmem>>, vector<128x128xf32>
    tpu.vector_store %arg2[%swap3A_895, %swap3A_896], %transpose3A_894 {strides = array<i32>} : memref<16384x128xf32, #tpu.memory_space<vmem>>, vector<128x128xf32>,
    %get3A_898 = arith.constant 0 : index
    %get3A_899 = arith.constant 20992 : index
    %get3A_900 = vector.load %arg1[%get3A_898, %get3A_899] : memref<64x32768xf32, #tpu.memory_space<vmem>>, vector<64x128xf32>
    %get3A_901 = arith.constant 0 : index
    %get3A_902 = arith.constant 21120 : index
    %get3A_903 = vector.load %arg1[%get3A_901, %get3A_902] : memref<64x32768xf32, #tpu.memory_space<vmem>>, vector<64x128xf32>
    %concatenate3A_904 = tpu.concatenate %get3A_900, %get3A_903 in 0 : vector<64x128xf32>, vector<64x128xf32> -> vector<128x128xf32>
    %transpose3A_905 = tpu.transpose %concatenate3A_904, [1, 0] : vector<128x128xf32> -> vector<128x128xf32>
    %swap3A_906 = arith.constant 10496 : index
    %swap3A_907 = arith.constant 0 : index
    %swap3A_908 = vector.load %arg2[%swap3A_906, %swap3A_907] : memref<16384x128xf32, #tpu.memory_space<vmem>>, vector<128x128xf32>
    tpu.vector_store %arg2[%swap3A_906, %swap3A_907], %transpose3A_905 {strides = array<i32>} : memref<16384x128xf32, #tpu.memory_space<vmem>>, vector<128x128xf32>,
    %get3A_909 = arith.constant 0 : index
    %get3A_910 = arith.constant 21248 : index
    %get3A_911 = vector.load %arg1[%get3A_909, %get3A_910] : memref<64x32768xf32, #tpu.memory_space<vmem>>, vector<64x128xf32>
    %get3A_912 = arith.constant 0 : index
    %get3A_913 = arith.constant 21376 : index
    %get3A_914 = vector.load %arg1[%get3A_912, %get3A_913] : memref<64x32768xf32, #tpu.memory_space<vmem>>, vector<64x128xf32>
    %concatenate3A_915 = tpu.concatenate %get3A_911, %get3A_914 in 0 : vector<64x128xf32>, vector<64x128xf32> -> vector<128x128xf32>
    %transpose3A_916 = tpu.transpose %concatenate3A_915, [1, 0] : vector<128x128xf32> -> vector<128x128xf32>
    %swap3A_917 = arith.constant 10624 : index
    %swap3A_918 = arith.constant 0 : index
    %swap3A_919 = vector.load %arg2[%swap3A_917, %swap3A_918] : memref<16384x128xf32, #tpu.memory_space<vmem>>, vector<128x128xf32>
    tpu.vector_store %arg2[%swap3A_917, %swap3A_918], %transpose3A_916 {strides = array<i32>} : memref<16384x128xf32, #tpu.memory_space<vmem>>, vector<128x128xf32>,
    %get3A_920 = arith.constant 0 : index
    %get3A_921 = arith.constant 21504 : index
    %get3A_922 = vector.load %arg1[%get3A_920, %get3A_921] : memref<64x32768xf32, #tpu.memory_space<vmem>>, vector<64x128xf32>
    %get3A_923 = arith.constant 0 : index
    %get3A_924 = arith.constant 21632 : index
    %get3A_925 = vector.load %arg1[%get3A_923, %get3A_924] : memref<64x32768xf32, #tpu.memory_space<vmem>>, vector<64x128xf32>
    %concatenate3A_926 = tpu.concatenate %get3A_922, %get3A_925 in 0 : vector<64x128xf32>, vector<64x128xf32> -> vector<128x128xf32>
    %transpose3A_927 = tpu.transpose %concatenate3A_926, [1, 0] : vector<128x128xf32> -> vector<128x128xf32>
    %swap3A_928 = arith.constant 10752 : index
    %swap3A_929 = arith.constant 0 : index
    %swap3A_930 = vector.load %arg2[%swap3A_928, %swap3A_929] : memref<16384x128xf32, #tpu.memory_space<vmem>>, vector<128x128xf32>
    tpu.vector_store %arg2[%swap3A_928, %swap3A_929], %transpose3A_927 {strides = array<i32>} : memref<16384x128xf32, #tpu.memory_space<vmem>>, vector<128x128xf32>,
    %get3A_931 = arith.constant 0 : index
    %get3A_932 = arith.constant 21760 : index
    %get3A_933 = vector.load %arg1[%get3A_931, %get3A_932] : memref<64x32768xf32, #tpu.memory_space<vmem>>, vector<64x128xf32>
    %get3A_934 = arith.constant 0 : index
    %get3A_935 = arith.constant 21888 : index
    %get3A_936 = vector.load %arg1[%get3A_934, %get3A_935] : memref<64x32768xf32, #tpu.memory_space<vmem>>, vector<64x128xf32>
    %concatenate3A_937 = tpu.concatenate %get3A_933, %get3A_936 in 0 : vector<64x128xf32>, vector<64x128xf32> -> vector<128x128xf32>
    %transpose3A_938 = tpu.transpose %concatenate3A_937, [1, 0] : vector<128x128xf32> -> vector<128x128xf32>
    %swap3A_939 = arith.constant 10880 : index
    %swap3A_940 = arith.constant 0 : index
    %swap3A_941 = vector.load %arg2[%swap3A_939, %swap3A_940] : memref<16384x128xf32, #tpu.memory_space<vmem>>, vector<128x128xf32>
    tpu.vector_store %arg2[%swap3A_939, %swap3A_940], %transpose3A_938 {strides = array<i32>} : memref<16384x128xf32, #tpu.memory_space<vmem>>, vector<128x128xf32>,
    %get3A_942 = arith.constant 0 : index
    %get3A_943 = arith.constant 22016 : index
    %get3A_944 = vector.load %arg1[%get3A_942, %get3A_943] : memref<64x32768xf32, #tpu.memory_space<vmem>>, vector<64x128xf32>
    %get3A_945 = arith.constant 0 : index
    %get3A_946 = arith.constant 22144 : index
    %get3A_947 = vector.load %arg1[%get3A_945, %get3A_946] : memref<64x32768xf32, #tpu.memory_space<vmem>>, vector<64x128xf32>
    %concatenate3A_948 = tpu.concatenate %get3A_944, %get3A_947 in 0 : vector<64x128xf32>, vector<64x128xf32> -> vector<128x128xf32>
    %transpose3A_949 = tpu.transpose %concatenate3A_948, [1, 0] : vector<128x128xf32> -> vector<128x128xf32>
    %swap3A_950 = arith.constant 11008 : index
    %swap3A_951 = arith.constant 0 : index
    %swap3A_952 = vector.load %arg2[%swap3A_950, %swap3A_951] : memref<16384x128xf32, #tpu.memory_space<vmem>>, vector<128x128xf32>
    tpu.vector_store %arg2[%swap3A_950, %swap3A_951], %transpose3A_949 {strides = array<i32>} : memref<16384x128xf32, #tpu.memory_space<vmem>>, vector<128x128xf32>,
    %get3A_953 = arith.constant 0 : index
    %get3A_954 = arith.constant 22272 : index
    %get3A_955 = vector.load %arg1[%get3A_953, %get3A_954] : memref<64x32768xf32, #tpu.memory_space<vmem>>, vector<64x128xf32>
    %get3A_956 = arith.constant 0 : index
    %get3A_957 = arith.constant 22400 : index
    %get3A_958 = vector.load %arg1[%get3A_956, %get3A_957] : memref<64x32768xf32, #tpu.memory_space<vmem>>, vector<64x128xf32>
    %concatenate3A_959 = tpu.concatenate %get3A_955, %get3A_958 in 0 : vector<64x128xf32>, vector<64x128xf32> -> vector<128x128xf32>
    %transpose3A_960 = tpu.transpose %concatenate3A_959, [1, 0] : vector<128x128xf32> -> vector<128x128xf32>
    %swap3A_961 = arith.constant 11136 : index
    %swap3A_962 = arith.constant 0 : index
    %swap3A_963 = vector.load %arg2[%swap3A_961, %swap3A_962] : memref<16384x128xf32, #tpu.memory_space<vmem>>, vector<128x128xf32>
    tpu.vector_store %arg2[%swap3A_961, %swap3A_962], %transpose3A_960 {strides = array<i32>} : memref<16384x128xf32, #tpu.memory_space<vmem>>, vector<128x128xf32>,
    %get3A_964 = arith.constant 0 : index
    %get3A_965 = arith.constant 22528 : index
    %get3A_966 = vector.load %arg1[%get3A_964, %get3A_965] : memref<64x32768xf32, #tpu.memory_space<vmem>>, vector<64x128xf32>
    %get3A_967 = arith.constant 0 : index
    %get3A_968 = arith.constant 22656 : index
    %get3A_969 = vector.load %arg1[%get3A_967, %get3A_968] : memref<64x32768xf32, #tpu.memory_space<vmem>>, vector<64x128xf32>
    %concatenate3A_970 = tpu.concatenate %get3A_966, %get3A_969 in 0 : vector<64x128xf32>, vector<64x128xf32> -> vector<128x128xf32>
    %transpose3A_971 = tpu.transpose %concatenate3A_970, [1, 0] : vector<128x128xf32> -> vector<128x128xf32>
    %swap3A_972 = arith.constant 11264 : index
    %swap3A_973 = arith.constant 0 : index
    %swap3A_974 = vector.load %arg2[%swap3A_972, %swap3A_973] : memref<16384x128xf32, #tpu.memory_space<vmem>>, vector<128x128xf32>
    tpu.vector_store %arg2[%swap3A_972, %swap3A_973], %transpose3A_971 {strides = array<i32>} : memref<16384x128xf32, #tpu.memory_space<vmem>>, vector<128x128xf32>,
    %get3A_975 = arith.constant 0 : index
    %get3A_976 = arith.constant 22784 : index
    %get3A_977 = vector.load %arg1[%get3A_975, %get3A_976] : memref<64x32768xf32, #tpu.memory_space<vmem>>, vector<64x128xf32>
    %get3A_978 = arith.constant 0 : index
    %get3A_979 = arith.constant 22912 : index
    %get3A_980 = vector.load %arg1[%get3A_978, %get3A_979] : memref<64x32768xf32, #tpu.memory_space<vmem>>, vector<64x128xf32>
    %concatenate3A_981 = tpu.concatenate %get3A_977, %get3A_980 in 0 : vector<64x128xf32>, vector<64x128xf32> -> vector<128x128xf32>
    %transpose3A_982 = tpu.transpose %concatenate3A_981, [1, 0] : vector<128x128xf32> -> vector<128x128xf32>
    %swap3A_983 = arith.constant 11392 : index
    %swap3A_984 = arith.constant 0 : index
    %swap3A_985 = vector.load %arg2[%swap3A_983, %swap3A_984] : memref<16384x128xf32, #tpu.memory_space<vmem>>, vector<128x128xf32>
    tpu.vector_store %arg2[%swap3A_983, %swap3A_984], %transpose3A_982 {strides = array<i32>} : memref<16384x128xf32, #tpu.memory_space<vmem>>, vector<128x128xf32>,
    %get3A_986 = arith.constant 0 : index
    %get3A_987 = arith.constant 23040 : index
    %get3A_988 = vector.load %arg1[%get3A_986, %get3A_987] : memref<64x32768xf32, #tpu.memory_space<vmem>>, vector<64x128xf32>
    %get3A_989 = arith.constant 0 : index
    %get3A_990 = arith.constant 23168 : index
    %get3A_991 = vector.load %arg1[%get3A_989, %get3A_990] : memref<64x32768xf32, #tpu.memory_space<vmem>>, vector<64x128xf32>
    %concatenate3A_992 = tpu.concatenate %get3A_988, %get3A_991 in 0 : vector<64x128xf32>, vector<64x128xf32> -> vector<128x128xf32>
    %transpose3A_993 = tpu.transpose %concatenate3A_992, [1, 0] : vector<128x128xf32> -> vector<128x128xf32>
    %swap3A_994 = arith.constant 11520 : index
    %swap3A_995 = arith.constant 0 : index
    %swap3A_996 = vector.load %arg2[%swap3A_994, %swap3A_995] : memref<16384x128xf32, #tpu.memory_space<vmem>>, vector<128x128xf32>
    tpu.vector_store %arg2[%swap3A_994, %swap3A_995], %transpose3A_993 {strides = array<i32>} : memref<16384x128xf32, #tpu.memory_space<vmem>>, vector<128x128xf32>,
    %get3A_997 = arith.constant 0 : index
    %get3A_998 = arith.constant 23296 : index
    %get3A_999 = vector.load %arg1[%get3A_997, %get3A_998] : memref<64x32768xf32, #tpu.memory_space<vmem>>, vector<64x128xf32>
    %get3A_1000 = arith.constant 0 : index
    %get3A_1001 = arith.constant 23424 : index
    %get3A_1002 = vector.load %arg1[%get3A_1000, %get3A_1001] : memref<64x32768xf32, #tpu.memory_space<vmem>>, vector<64x128xf32>
    %concatenate3A_1003 = tpu.concatenate %get3A_999, %get3A_1002 in 0 : vector<64x128xf32>, vector<64x128xf32> -> vector<128x128xf32>
    %transpose3A_1004 = tpu.transpose %concatenate3A_1003, [1, 0] : vector<128x128xf32> -> vector<128x128xf32>
    %swap3A_1005 = arith.constant 11648 : index
    %swap3A_1006 = arith.constant 0 : index
    %swap3A_1007 = vector.load %arg2[%swap3A_1005, %swap3A_1006] : memref<16384x128xf32, #tpu.memory_space<vmem>>, vector<128x128xf32>
    tpu.vector_store %arg2[%swap3A_1005, %swap3A_1006], %transpose3A_1004 {strides = array<i32>} : memref<16384x128xf32, #tpu.memory_space<vmem>>, vector<128x128xf32>,
    %get3A_1008 = arith.constant 0 : index
    %get3A_1009 = arith.constant 23552 : index
    %get3A_1010 = vector.load %arg1[%get3A_1008, %get3A_1009] : memref<64x32768xf32, #tpu.memory_space<vmem>>, vector<64x128xf32>
    %get3A_1011 = arith.constant 0 : index
    %get3A_1012 = arith.constant 23680 : index
    %get3A_1013 = vector.load %arg1[%get3A_1011, %get3A_1012] : memref<64x32768xf32, #tpu.memory_space<vmem>>, vector<64x128xf32>
    %concatenate3A_1014 = tpu.concatenate %get3A_1010, %get3A_1013 in 0 : vector<64x128xf32>, vector<64x128xf32> -> vector<128x128xf32>
    %transpose3A_1015 = tpu.transpose %concatenate3A_1014, [1, 0] : vector<128x128xf32> -> vector<128x128xf32>
    %swap3A_1016 = arith.constant 11776 : index
    %swap3A_1017 = arith.constant 0 : index
    %swap3A_1018 = vector.load %arg2[%swap3A_1016, %swap3A_1017] : memref<16384x128xf32, #tpu.memory_space<vmem>>, vector<128x128xf32>
    tpu.vector_store %arg2[%swap3A_1016, %swap3A_1017], %transpose3A_1015 {strides = array<i32>} : memref<16384x128xf32, #tpu.memory_space<vmem>>, vector<128x128xf32>,
    %get3A_1019 = arith.constant 0 : index
    %get3A_1020 = arith.constant 23808 : index
    %get3A_1021 = vector.load %arg1[%get3A_1019, %get3A_1020] : memref<64x32768xf32, #tpu.memory_space<vmem>>, vector<64x128xf32>
    %get3A_1022 = arith.constant 0 : index
    %get3A_1023 = arith.constant 23936 : index
    %get3A_1024 = vector.load %arg1[%get3A_1022, %get3A_1023] : memref<64x32768xf32, #tpu.memory_space<vmem>>, vector<64x128xf32>
    %concatenate3A_1025 = tpu.concatenate %get3A_1021, %get3A_1024 in 0 : vector<64x128xf32>, vector<64x128xf32> -> vector<128x128xf32>
    %transpose3A_1026 = tpu.transpose %concatenate3A_1025, [1, 0] : vector<128x128xf32> -> vector<128x128xf32>
    %swap3A_1027 = arith.constant 11904 : index
    %swap3A_1028 = arith.constant 0 : index
    %swap3A_1029 = vector.load %arg2[%swap3A_1027, %swap3A_1028] : memref<16384x128xf32, #tpu.memory_space<vmem>>, vector<128x128xf32>
    tpu.vector_store %arg2[%swap3A_1027, %swap3A_1028], %transpose3A_1026 {strides = array<i32>} : memref<16384x128xf32, #tpu.memory_space<vmem>>, vector<128x128xf32>,
    %get3A_1030 = arith.constant 0 : index
    %get3A_1031 = arith.constant 24064 : index
    %get3A_1032 = vector.load %arg1[%get3A_1030, %get3A_1031] : memref<64x32768xf32, #tpu.memory_space<vmem>>, vector<64x128xf32>
    %get3A_1033 = arith.constant 0 : index
    %get3A_1034 = arith.constant 24192 : index
    %get3A_1035 = vector.load %arg1[%get3A_1033, %get3A_1034] : memref<64x32768xf32, #tpu.memory_space<vmem>>, vector<64x128xf32>
    %concatenate3A_1036 = tpu.concatenate %get3A_1032, %get3A_1035 in 0 : vector<64x128xf32>, vector<64x128xf32> -> vector<128x128xf32>
    %transpose3A_1037 = tpu.transpose %concatenate3A_1036, [1, 0] : vector<128x128xf32> -> vector<128x128xf32>
    %swap3A_1038 = arith.constant 12032 : index
    %swap3A_1039 = arith.constant 0 : index
    %swap3A_1040 = vector.load %arg2[%swap3A_1038, %swap3A_1039] : memref<16384x128xf32, #tpu.memory_space<vmem>>, vector<128x128xf32>
    tpu.vector_store %arg2[%swap3A_1038, %swap3A_1039], %transpose3A_1037 {strides = array<i32>} : memref<16384x128xf32, #tpu.memory_space<vmem>>, vector<128x128xf32>,
    %get3A_1041 = arith.constant 0 : index
    %get3A_1042 = arith.constant 24320 : index
    %get3A_1043 = vector.load %arg1[%get3A_1041, %get3A_1042] : memref<64x32768xf32, #tpu.memory_space<vmem>>, vector<64x128xf32>
    %get3A_1044 = arith.constant 0 : index
    %get3A_1045 = arith.constant 24448 : index
    %get3A_1046 = vector.load %arg1[%get3A_1044, %get3A_1045] : memref<64x32768xf32, #tpu.memory_space<vmem>>, vector<64x128xf32>
    %concatenate3A_1047 = tpu.concatenate %get3A_1043, %get3A_1046 in 0 : vector<64x128xf32>, vector<64x128xf32> -> vector<128x128xf32>
    %transpose3A_1048 = tpu.transpose %concatenate3A_1047, [1, 0] : vector<128x128xf32> -> vector<128x128xf32>
    %swap3A_1049 = arith.constant 12160 : index
    %swap3A_1050 = arith.constant 0 : index
    %swap3A_1051 = vector.load %arg2[%swap3A_1049, %swap3A_1050] : memref<16384x128xf32, #tpu.memory_space<vmem>>, vector<128x128xf32>
    tpu.vector_store %arg2[%swap3A_1049, %swap3A_1050], %transpose3A_1048 {strides = array<i32>} : memref<16384x128xf32, #tpu.memory_space<vmem>>, vector<128x128xf32>,
    %get3A_1052 = arith.constant 0 : index
    %get3A_1053 = arith.constant 24576 : index
    %get3A_1054 = vector.load %arg1[%get3A_1052, %get3A_1053] : memref<64x32768xf32, #tpu.memory_space<vmem>>, vector<64x128xf32>
    %get3A_1055 = arith.constant 0 : index
    %get3A_1056 = arith.constant 24704 : index
    %get3A_1057 = vector.load %arg1[%get3A_1055, %get3A_1056] : memref<64x32768xf32, #tpu.memory_space<vmem>>, vector<64x128xf32>
    %concatenate3A_1058 = tpu.concatenate %get3A_1054, %get3A_1057 in 0 : vector<64x128xf32>, vector<64x128xf32> -> vector<128x128xf32>
    %transpose3A_1059 = tpu.transpose %concatenate3A_1058, [1, 0] : vector<128x128xf32> -> vector<128x128xf32>
    %swap3A_1060 = arith.constant 12288 : index
    %swap3A_1061 = arith.constant 0 : index
    %swap3A_1062 = vector.load %arg2[%swap3A_1060, %swap3A_1061] : memref<16384x128xf32, #tpu.memory_space<vmem>>, vector<128x128xf32>
    tpu.vector_store %arg2[%swap3A_1060, %swap3A_1061], %transpose3A_1059 {strides = array<i32>} : memref<16384x128xf32, #tpu.memory_space<vmem>>, vector<128x128xf32>,
    %get3A_1063 = arith.constant 0 : index
    %get3A_1064 = arith.constant 24832 : index
    %get3A_1065 = vector.load %arg1[%get3A_1063, %get3A_1064] : memref<64x32768xf32, #tpu.memory_space<vmem>>, vector<64x128xf32>
    %get3A_1066 = arith.constant 0 : index
    %get3A_1067 = arith.constant 24960 : index
    %get3A_1068 = vector.load %arg1[%get3A_1066, %get3A_1067] : memref<64x32768xf32, #tpu.memory_space<vmem>>, vector<64x128xf32>
    %concatenate3A_1069 = tpu.concatenate %get3A_1065, %get3A_1068 in 0 : vector<64x128xf32>, vector<64x128xf32> -> vector<128x128xf32>
    %transpose3A_1070 = tpu.transpose %concatenate3A_1069, [1, 0] : vector<128x128xf32> -> vector<128x128xf32>
    %swap3A_1071 = arith.constant 12416 : index
    %swap3A_1072 = arith.constant 0 : index
    %swap3A_1073 = vector.load %arg2[%swap3A_1071, %swap3A_1072] : memref<16384x128xf32, #tpu.memory_space<vmem>>, vector<128x128xf32>
    tpu.vector_store %arg2[%swap3A_1071, %swap3A_1072], %transpose3A_1070 {strides = array<i32>} : memref<16384x128xf32, #tpu.memory_space<vmem>>, vector<128x128xf32>,
    %get3A_1074 = arith.constant 0 : index
    %get3A_1075 = arith.constant 25088 : index
    %get3A_1076 = vector.load %arg1[%get3A_1074, %get3A_1075] : memref<64x32768xf32, #tpu.memory_space<vmem>>, vector<64x128xf32>
    %get3A_1077 = arith.constant 0 : index
    %get3A_1078 = arith.constant 25216 : index
    %get3A_1079 = vector.load %arg1[%get3A_1077, %get3A_1078] : memref<64x32768xf32, #tpu.memory_space<vmem>>, vector<64x128xf32>
    %concatenate3A_1080 = tpu.concatenate %get3A_1076, %get3A_1079 in 0 : vector<64x128xf32>, vector<64x128xf32> -> vector<128x128xf32>
    %transpose3A_1081 = tpu.transpose %concatenate3A_1080, [1, 0] : vector<128x128xf32> -> vector<128x128xf32>
    %swap3A_1082 = arith.constant 12544 : index
    %swap3A_1083 = arith.constant 0 : index
    %swap3A_1084 = vector.load %arg2[%swap3A_1082, %swap3A_1083] : memref<16384x128xf32, #tpu.memory_space<vmem>>, vector<128x128xf32>
    tpu.vector_store %arg2[%swap3A_1082, %swap3A_1083], %transpose3A_1081 {strides = array<i32>} : memref<16384x128xf32, #tpu.memory_space<vmem>>, vector<128x128xf32>,
    %get3A_1085 = arith.constant 0 : index
    %get3A_1086 = arith.constant 25344 : index
    %get3A_1087 = vector.load %arg1[%get3A_1085, %get3A_1086] : memref<64x32768xf32, #tpu.memory_space<vmem>>, vector<64x128xf32>
    %get3A_1088 = arith.constant 0 : index
    %get3A_1089 = arith.constant 25472 : index
    %get3A_1090 = vector.load %arg1[%get3A_1088, %get3A_1089] : memref<64x32768xf32, #tpu.memory_space<vmem>>, vector<64x128xf32>
    %concatenate3A_1091 = tpu.concatenate %get3A_1087, %get3A_1090 in 0 : vector<64x128xf32>, vector<64x128xf32> -> vector<128x128xf32>
    %transpose3A_1092 = tpu.transpose %concatenate3A_1091, [1, 0] : vector<128x128xf32> -> vector<128x128xf32>
    %swap3A_1093 = arith.constant 12672 : index
    %swap3A_1094 = arith.constant 0 : index
    %swap3A_1095 = vector.load %arg2[%swap3A_1093, %swap3A_1094] : memref<16384x128xf32, #tpu.memory_space<vmem>>, vector<128x128xf32>
    tpu.vector_store %arg2[%swap3A_1093, %swap3A_1094], %transpose3A_1092 {strides = array<i32>} : memref<16384x128xf32, #tpu.memory_space<vmem>>, vector<128x128xf32>,
    %get3A_1096 = arith.constant 0 : index
    %get3A_1097 = arith.constant 25600 : index
    %get3A_1098 = vector.load %arg1[%get3A_1096, %get3A_1097] : memref<64x32768xf32, #tpu.memory_space<vmem>>, vector<64x128xf32>
    %get3A_1099 = arith.constant 0 : index
    %get3A_1100 = arith.constant 25728 : index
    %get3A_1101 = vector.load %arg1[%get3A_1099, %get3A_1100] : memref<64x32768xf32, #tpu.memory_space<vmem>>, vector<64x128xf32>
    %concatenate3A_1102 = tpu.concatenate %get3A_1098, %get3A_1101 in 0 : vector<64x128xf32>, vector<64x128xf32> -> vector<128x128xf32>
    %transpose3A_1103 = tpu.transpose %concatenate3A_1102, [1, 0] : vector<128x128xf32> -> vector<128x128xf32>
    %swap3A_1104 = arith.constant 12800 : index
    %swap3A_1105 = arith.constant 0 : index
    %swap3A_1106 = vector.load %arg2[%swap3A_1104, %swap3A_1105] : memref<16384x128xf32, #tpu.memory_space<vmem>>, vector<128x128xf32>
    tpu.vector_store %arg2[%swap3A_1104, %swap3A_1105], %transpose3A_1103 {strides = array<i32>} : memref<16384x128xf32, #tpu.memory_space<vmem>>, vector<128x128xf32>,
    %get3A_1107 = arith.constant 0 : index
    %get3A_1108 = arith.constant 25856 : index
    %get3A_1109 = vector.load %arg1[%get3A_1107, %get3A_1108] : memref<64x32768xf32, #tpu.memory_space<vmem>>, vector<64x128xf32>
    %get3A_1110 = arith.constant 0 : index
    %get3A_1111 = arith.constant 25984 : index
    %get3A_1112 = vector.load %arg1[%get3A_1110, %get3A_1111] : memref<64x32768xf32, #tpu.memory_space<vmem>>, vector<64x128xf32>
    %concatenate3A_1113 = tpu.concatenate %get3A_1109, %get3A_1112 in 0 : vector<64x128xf32>, vector<64x128xf32> -> vector<128x128xf32>
    %transpose3A_1114 = tpu.transpose %concatenate3A_1113, [1, 0] : vector<128x128xf32> -> vector<128x128xf32>
    %swap3A_1115 = arith.constant 12928 : index
    %swap3A_1116 = arith.constant 0 : index
    %swap3A_1117 = vector.load %arg2[%swap3A_1115, %swap3A_1116] : memref<16384x128xf32, #tpu.memory_space<vmem>>, vector<128x128xf32>
    tpu.vector_store %arg2[%swap3A_1115, %swap3A_1116], %transpose3A_1114 {strides = array<i32>} : memref<16384x128xf32, #tpu.memory_space<vmem>>, vector<128x128xf32>,
    %get3A_1118 = arith.constant 0 : index
    %get3A_1119 = arith.constant 26112 : index
    %get3A_1120 = vector.load %arg1[%get3A_1118, %get3A_1119] : memref<64x32768xf32, #tpu.memory_space<vmem>>, vector<64x128xf32>
    %get3A_1121 = arith.constant 0 : index
    %get3A_1122 = arith.constant 26240 : index
    %get3A_1123 = vector.load %arg1[%get3A_1121, %get3A_1122] : memref<64x32768xf32, #tpu.memory_space<vmem>>, vector<64x128xf32>
    %concatenate3A_1124 = tpu.concatenate %get3A_1120, %get3A_1123 in 0 : vector<64x128xf32>, vector<64x128xf32> -> vector<128x128xf32>
    %transpose3A_1125 = tpu.transpose %concatenate3A_1124, [1, 0] : vector<128x128xf32> -> vector<128x128xf32>
    %swap3A_1126 = arith.constant 13056 : index
    %swap3A_1127 = arith.constant 0 : index
    %swap3A_1128 = vector.load %arg2[%swap3A_1126, %swap3A_1127] : memref<16384x128xf32, #tpu.memory_space<vmem>>, vector<128x128xf32>
    tpu.vector_store %arg2[%swap3A_1126, %swap3A_1127], %transpose3A_1125 {strides = array<i32>} : memref<16384x128xf32, #tpu.memory_space<vmem>>, vector<128x128xf32>,
    %get3A_1129 = arith.constant 0 : index
    %get3A_1130 = arith.constant 26368 : index
    %get3A_1131 = vector.load %arg1[%get3A_1129, %get3A_1130] : memref<64x32768xf32, #tpu.memory_space<vmem>>, vector<64x128xf32>
    %get3A_1132 = arith.constant 0 : index
    %get3A_1133 = arith.constant 26496 : index
    %get3A_1134 = vector.load %arg1[%get3A_1132, %get3A_1133] : memref<64x32768xf32, #tpu.memory_space<vmem>>, vector<64x128xf32>
    %concatenate3A_1135 = tpu.concatenate %get3A_1131, %get3A_1134 in 0 : vector<64x128xf32>, vector<64x128xf32> -> vector<128x128xf32>
    %transpose3A_1136 = tpu.transpose %concatenate3A_1135, [1, 0] : vector<128x128xf32> -> vector<128x128xf32>
    %swap3A_1137 = arith.constant 13184 : index
    %swap3A_1138 = arith.constant 0 : index
    %swap3A_1139 = vector.load %arg2[%swap3A_1137, %swap3A_1138] : memref<16384x128xf32, #tpu.memory_space<vmem>>, vector<128x128xf32>
    tpu.vector_store %arg2[%swap3A_1137, %swap3A_1138], %transpose3A_1136 {strides = array<i32>} : memref<16384x128xf32, #tpu.memory_space<vmem>>, vector<128x128xf32>,
    %get3A_1140 = arith.constant 0 : index
    %get3A_1141 = arith.constant 26624 : index
    %get3A_1142 = vector.load %arg1[%get3A_1140, %get3A_1141] : memref<64x32768xf32, #tpu.memory_space<vmem>>, vector<64x128xf32>
    %get3A_1143 = arith.constant 0 : index
    %get3A_1144 = arith.constant 26752 : index
    %get3A_1145 = vector.load %arg1[%get3A_1143, %get3A_1144] : memref<64x32768xf32, #tpu.memory_space<vmem>>, vector<64x128xf32>
    %concatenate3A_1146 = tpu.concatenate %get3A_1142, %get3A_1145 in 0 : vector<64x128xf32>, vector<64x128xf32> -> vector<128x128xf32>
    %transpose3A_1147 = tpu.transpose %concatenate3A_1146, [1, 0] : vector<128x128xf32> -> vector<128x128xf32>
    %swap3A_1148 = arith.constant 13312 : index
    %swap3A_1149 = arith.constant 0 : index
    %swap3A_1150 = vector.load %arg2[%swap3A_1148, %swap3A_1149] : memref<16384x128xf32, #tpu.memory_space<vmem>>, vector<128x128xf32>
    tpu.vector_store %arg2[%swap3A_1148, %swap3A_1149], %transpose3A_1147 {strides = array<i32>} : memref<16384x128xf32, #tpu.memory_space<vmem>>, vector<128x128xf32>,
    %get3A_1151 = arith.constant 0 : index
    %get3A_1152 = arith.constant 26880 : index
    %get3A_1153 = vector.load %arg1[%get3A_1151, %get3A_1152] : memref<64x32768xf32, #tpu.memory_space<vmem>>, vector<64x128xf32>
    %get3A_1154 = arith.constant 0 : index
    %get3A_1155 = arith.constant 27008 : index
    %get3A_1156 = vector.load %arg1[%get3A_1154, %get3A_1155] : memref<64x32768xf32, #tpu.memory_space<vmem>>, vector<64x128xf32>
    %concatenate3A_1157 = tpu.concatenate %get3A_1153, %get3A_1156 in 0 : vector<64x128xf32>, vector<64x128xf32> -> vector<128x128xf32>
    %transpose3A_1158 = tpu.transpose %concatenate3A_1157, [1, 0] : vector<128x128xf32> -> vector<128x128xf32>
    %swap3A_1159 = arith.constant 13440 : index
    %swap3A_1160 = arith.constant 0 : index
    %swap3A_1161 = vector.load %arg2[%swap3A_1159, %swap3A_1160] : memref<16384x128xf32, #tpu.memory_space<vmem>>, vector<128x128xf32>
    tpu.vector_store %arg2[%swap3A_1159, %swap3A_1160], %transpose3A_1158 {strides = array<i32>} : memref<16384x128xf32, #tpu.memory_space<vmem>>, vector<128x128xf32>,
    %get3A_1162 = arith.constant 0 : index
    %get3A_1163 = arith.constant 27136 : index
    %get3A_1164 = vector.load %arg1[%get3A_1162, %get3A_1163] : memref<64x32768xf32, #tpu.memory_space<vmem>>, vector<64x128xf32>
    %get3A_1165 = arith.constant 0 : index
    %get3A_1166 = arith.constant 27264 : index
    %get3A_1167 = vector.load %arg1[%get3A_1165, %get3A_1166] : memref<64x32768xf32, #tpu.memory_space<vmem>>, vector<64x128xf32>
    %concatenate3A_1168 = tpu.concatenate %get3A_1164, %get3A_1167 in 0 : vector<64x128xf32>, vector<64x128xf32> -> vector<128x128xf32>
    %transpose3A_1169 = tpu.transpose %concatenate3A_1168, [1, 0] : vector<128x128xf32> -> vector<128x128xf32>
    %swap3A_1170 = arith.constant 13568 : index
    %swap3A_1171 = arith.constant 0 : index
    %swap3A_1172 = vector.load %arg2[%swap3A_1170, %swap3A_1171] : memref<16384x128xf32, #tpu.memory_space<vmem>>, vector<128x128xf32>
    tpu.vector_store %arg2[%swap3A_1170, %swap3A_1171], %transpose3A_1169 {strides = array<i32>} : memref<16384x128xf32, #tpu.memory_space<vmem>>, vector<128x128xf32>,
    %get3A_1173 = arith.constant 0 : index
    %get3A_1174 = arith.constant 27392 : index
    %get3A_1175 = vector.load %arg1[%get3A_1173, %get3A_1174] : memref<64x32768xf32, #tpu.memory_space<vmem>>, vector<64x128xf32>
    %get3A_1176 = arith.constant 0 : index
    %get3A_1177 = arith.constant 27520 : index
    %get3A_1178 = vector.load %arg1[%get3A_1176, %get3A_1177] : memref<64x32768xf32, #tpu.memory_space<vmem>>, vector<64x128xf32>
    %concatenate3A_1179 = tpu.concatenate %get3A_1175, %get3A_1178 in 0 : vector<64x128xf32>, vector<64x128xf32> -> vector<128x128xf32>
    %transpose3A_1180 = tpu.transpose %concatenate3A_1179, [1, 0] : vector<128x128xf32> -> vector<128x128xf32>
    %swap3A_1181 = arith.constant 13696 : index
    %swap3A_1182 = arith.constant 0 : index
    %swap3A_1183 = vector.load %arg2[%swap3A_1181, %swap3A_1182] : memref<16384x128xf32, #tpu.memory_space<vmem>>, vector<128x128xf32>
    tpu.vector_store %arg2[%swap3A_1181, %swap3A_1182], %transpose3A_1180 {strides = array<i32>} : memref<16384x128xf32, #tpu.memory_space<vmem>>, vector<128x128xf32>,
    %get3A_1184 = arith.constant 0 : index
    %get3A_1185 = arith.constant 27648 : index
    %get3A_1186 = vector.load %arg1[%get3A_1184, %get3A_1185] : memref<64x32768xf32, #tpu.memory_space<vmem>>, vector<64x128xf32>
    %get3A_1187 = arith.constant 0 : index
    %get3A_1188 = arith.constant 27776 : index
    %get3A_1189 = vector.load %arg1[%get3A_1187, %get3A_1188] : memref<64x32768xf32, #tpu.memory_space<vmem>>, vector<64x128xf32>
    %concatenate3A_1190 = tpu.concatenate %get3A_1186, %get3A_1189 in 0 : vector<64x128xf32>, vector<64x128xf32> -> vector<128x128xf32>
    %transpose3A_1191 = tpu.transpose %concatenate3A_1190, [1, 0] : vector<128x128xf32> -> vector<128x128xf32>
    %swap3A_1192 = arith.constant 13824 : index
    %swap3A_1193 = arith.constant 0 : index
    %swap3A_1194 = vector.load %arg2[%swap3A_1192, %swap3A_1193] : memref<16384x128xf32, #tpu.memory_space<vmem>>, vector<128x128xf32>
    tpu.vector_store %arg2[%swap3A_1192, %swap3A_1193], %transpose3A_1191 {strides = array<i32>} : memref<16384x128xf32, #tpu.memory_space<vmem>>, vector<128x128xf32>,
    %get3A_1195 = arith.constant 0 : index
    %get3A_1196 = arith.constant 27904 : index
    %get3A_1197 = vector.load %arg1[%get3A_1195, %get3A_1196] : memref<64x32768xf32, #tpu.memory_space<vmem>>, vector<64x128xf32>
    %get3A_1198 = arith.constant 0 : index
    %get3A_1199 = arith.constant 28032 : index
    %get3A_1200 = vector.load %arg1[%get3A_1198, %get3A_1199] : memref<64x32768xf32, #tpu.memory_space<vmem>>, vector<64x128xf32>
    %concatenate3A_1201 = tpu.concatenate %get3A_1197, %get3A_1200 in 0 : vector<64x128xf32>, vector<64x128xf32> -> vector<128x128xf32>
    %transpose3A_1202 = tpu.transpose %concatenate3A_1201, [1, 0] : vector<128x128xf32> -> vector<128x128xf32>
    %swap3A_1203 = arith.constant 13952 : index
    %swap3A_1204 = arith.constant 0 : index
    %swap3A_1205 = vector.load %arg2[%swap3A_1203, %swap3A_1204] : memref<16384x128xf32, #tpu.memory_space<vmem>>, vector<128x128xf32>
    tpu.vector_store %arg2[%swap3A_1203, %swap3A_1204], %transpose3A_1202 {strides = array<i32>} : memref<16384x128xf32, #tpu.memory_space<vmem>>, vector<128x128xf32>,
    %get3A_1206 = arith.constant 0 : index
    %get3A_1207 = arith.constant 28160 : index
    %get3A_1208 = vector.load %arg1[%get3A_1206, %get3A_1207] : memref<64x32768xf32, #tpu.memory_space<vmem>>, vector<64x128xf32>
    %get3A_1209 = arith.constant 0 : index
    %get3A_1210 = arith.constant 28288 : index
    %get3A_1211 = vector.load %arg1[%get3A_1209, %get3A_1210] : memref<64x32768xf32, #tpu.memory_space<vmem>>, vector<64x128xf32>
    %concatenate3A_1212 = tpu.concatenate %get3A_1208, %get3A_1211 in 0 : vector<64x128xf32>, vector<64x128xf32> -> vector<128x128xf32>
    %transpose3A_1213 = tpu.transpose %concatenate3A_1212, [1, 0] : vector<128x128xf32> -> vector<128x128xf32>
    %swap3A_1214 = arith.constant 14080 : index
    %swap3A_1215 = arith.constant 0 : index
    %swap3A_1216 = vector.load %arg2[%swap3A_1214, %swap3A_1215] : memref<16384x128xf32, #tpu.memory_space<vmem>>, vector<128x128xf32>
    tpu.vector_store %arg2[%swap3A_1214, %swap3A_1215], %transpose3A_1213 {strides = array<i32>} : memref<16384x128xf32, #tpu.memory_space<vmem>>, vector<128x128xf32>,
    %get3A_1217 = arith.constant 0 : index
    %get3A_1218 = arith.constant 28416 : index
    %get3A_1219 = vector.load %arg1[%get3A_1217, %get3A_1218] : memref<64x32768xf32, #tpu.memory_space<vmem>>, vector<64x128xf32>
    %get3A_1220 = arith.constant 0 : index
    %get3A_1221 = arith.constant 28544 : index
    %get3A_1222 = vector.load %arg1[%get3A_1220, %get3A_1221] : memref<64x32768xf32, #tpu.memory_space<vmem>>, vector<64x128xf32>
    %concatenate3A_1223 = tpu.concatenate %get3A_1219, %get3A_1222 in 0 : vector<64x128xf32>, vector<64x128xf32> -> vector<128x128xf32>
    %transpose3A_1224 = tpu.transpose %concatenate3A_1223, [1, 0] : vector<128x128xf32> -> vector<128x128xf32>
    %swap3A_1225 = arith.constant 14208 : index
    %swap3A_1226 = arith.constant 0 : index
    %swap3A_1227 = vector.load %arg2[%swap3A_1225, %swap3A_1226] : memref<16384x128xf32, #tpu.memory_space<vmem>>, vector<128x128xf32>
    tpu.vector_store %arg2[%swap3A_1225, %swap3A_1226], %transpose3A_1224 {strides = array<i32>} : memref<16384x128xf32, #tpu.memory_space<vmem>>, vector<128x128xf32>,
    %get3A_1228 = arith.constant 0 : index
    %get3A_1229 = arith.constant 28672 : index
    %get3A_1230 = vector.load %arg1[%get3A_1228, %get3A_1229] : memref<64x32768xf32, #tpu.memory_space<vmem>>, vector<64x128xf32>
    %get3A_1231 = arith.constant 0 : index
    %get3A_1232 = arith.constant 28800 : index
    %get3A_1233 = vector.load %arg1[%get3A_1231, %get3A_1232] : memref<64x32768xf32, #tpu.memory_space<vmem>>, vector<64x128xf32>
    %concatenate3A_1234 = tpu.concatenate %get3A_1230, %get3A_1233 in 0 : vector<64x128xf32>, vector<64x128xf32> -> vector<128x128xf32>
    %transpose3A_1235 = tpu.transpose %concatenate3A_1234, [1, 0] : vector<128x128xf32> -> vector<128x128xf32>
    %swap3A_1236 = arith.constant 14336 : index
    %swap3A_1237 = arith.constant 0 : index
    %swap3A_1238 = vector.load %arg2[%swap3A_1236, %swap3A_1237] : memref<16384x128xf32, #tpu.memory_space<vmem>>, vector<128x128xf32>
    tpu.vector_store %arg2[%swap3A_1236, %swap3A_1237], %transpose3A_1235 {strides = array<i32>} : memref<16384x128xf32, #tpu.memory_space<vmem>>, vector<128x128xf32>,
    %get3A_1239 = arith.constant 0 : index
    %get3A_1240 = arith.constant 28928 : index
    %get3A_1241 = vector.load %arg1[%get3A_1239, %get3A_1240] : memref<64x32768xf32, #tpu.memory_space<vmem>>, vector<64x128xf32>
    %get3A_1242 = arith.constant 0 : index
    %get3A_1243 = arith.constant 29056 : index
    %get3A_1244 = vector.load %arg1[%get3A_1242, %get3A_1243] : memref<64x32768xf32, #tpu.memory_space<vmem>>, vector<64x128xf32>
    %concatenate3A_1245 = tpu.concatenate %get3A_1241, %get3A_1244 in 0 : vector<64x128xf32>, vector<64x128xf32> -> vector<128x128xf32>
    %transpose3A_1246 = tpu.transpose %concatenate3A_1245, [1, 0] : vector<128x128xf32> -> vector<128x128xf32>
    %swap3A_1247 = arith.constant 14464 : index
    %swap3A_1248 = arith.constant 0 : index
    %swap3A_1249 = vector.load %arg2[%swap3A_1247, %swap3A_1248] : memref<16384x128xf32, #tpu.memory_space<vmem>>, vector<128x128xf32>
    tpu.vector_store %arg2[%swap3A_1247, %swap3A_1248], %transpose3A_1246 {strides = array<i32>} : memref<16384x128xf32, #tpu.memory_space<vmem>>, vector<128x128xf32>,
    %get3A_1250 = arith.constant 0 : index
    %get3A_1251 = arith.constant 29184 : index
    %get3A_1252 = vector.load %arg1[%get3A_1250, %get3A_1251] : memref<64x32768xf32, #tpu.memory_space<vmem>>, vector<64x128xf32>
    %get3A_1253 = arith.constant 0 : index
    %get3A_1254 = arith.constant 29312 : index
    %get3A_1255 = vector.load %arg1[%get3A_1253, %get3A_1254] : memref<64x32768xf32, #tpu.memory_space<vmem>>, vector<64x128xf32>
    %concatenate3A_1256 = tpu.concatenate %get3A_1252, %get3A_1255 in 0 : vector<64x128xf32>, vector<64x128xf32> -> vector<128x128xf32>
    %transpose3A_1257 = tpu.transpose %concatenate3A_1256, [1, 0] : vector<128x128xf32> -> vector<128x128xf32>
    %swap3A_1258 = arith.constant 14592 : index
    %swap3A_1259 = arith.constant 0 : index
    %swap3A_1260 = vector.load %arg2[%swap3A_1258, %swap3A_1259] : memref<16384x128xf32, #tpu.memory_space<vmem>>, vector<128x128xf32>
    tpu.vector_store %arg2[%swap3A_1258, %swap3A_1259], %transpose3A_1257 {strides = array<i32>} : memref<16384x128xf32, #tpu.memory_space<vmem>>, vector<128x128xf32>,
    %get3A_1261 = arith.constant 0 : index
    %get3A_1262 = arith.constant 29440 : index
    %get3A_1263 = vector.load %arg1[%get3A_1261, %get3A_1262] : memref<64x32768xf32, #tpu.memory_space<vmem>>, vector<64x128xf32>
    %get3A_1264 = arith.constant 0 : index
    %get3A_1265 = arith.constant 29568 : index
    %get3A_1266 = vector.load %arg1[%get3A_1264, %get3A_1265] : memref<64x32768xf32, #tpu.memory_space<vmem>>, vector<64x128xf32>
    %concatenate3A_1267 = tpu.concatenate %get3A_1263, %get3A_1266 in 0 : vector<64x128xf32>, vector<64x128xf32> -> vector<128x128xf32>
    %transpose3A_1268 = tpu.transpose %concatenate3A_1267, [1, 0] : vector<128x128xf32> -> vector<128x128xf32>
    %swap3A_1269 = arith.constant 14720 : index
    %swap3A_1270 = arith.constant 0 : index
    %swap3A_1271 = vector.load %arg2[%swap3A_1269, %swap3A_1270] : memref<16384x128xf32, #tpu.memory_space<vmem>>, vector<128x128xf32>
    tpu.vector_store %arg2[%swap3A_1269, %swap3A_1270], %transpose3A_1268 {strides = array<i32>} : memref<16384x128xf32, #tpu.memory_space<vmem>>, vector<128x128xf32>,
    %get3A_1272 = arith.constant 0 : index
    %get3A_1273 = arith.constant 29696 : index
    %get3A_1274 = vector.load %arg1[%get3A_1272, %get3A_1273] : memref<64x32768xf32, #tpu.memory_space<vmem>>, vector<64x128xf32>
    %get3A_1275 = arith.constant 0 : index
    %get3A_1276 = arith.constant 29824 : index
    %get3A_1277 = vector.load %arg1[%get3A_1275, %get3A_1276] : memref<64x32768xf32, #tpu.memory_space<vmem>>, vector<64x128xf32>
    %concatenate3A_1278 = tpu.concatenate %get3A_1274, %get3A_1277 in 0 : vector<64x128xf32>, vector<64x128xf32> -> vector<128x128xf32>
    %transpose3A_1279 = tpu.transpose %concatenate3A_1278, [1, 0] : vector<128x128xf32> -> vector<128x128xf32>
    %swap3A_1280 = arith.constant 14848 : index
    %swap3A_1281 = arith.constant 0 : index
    %swap3A_1282 = vector.load %arg2[%swap3A_1280, %swap3A_1281] : memref<16384x128xf32, #tpu.memory_space<vmem>>, vector<128x128xf32>
    tpu.vector_store %arg2[%swap3A_1280, %swap3A_1281], %transpose3A_1279 {strides = array<i32>} : memref<16384x128xf32, #tpu.memory_space<vmem>>, vector<128x128xf32>,
    %get3A_1283 = arith.constant 0 : index
    %get3A_1284 = arith.constant 29952 : index
    %get3A_1285 = vector.load %arg1[%get3A_1283, %get3A_1284] : memref<64x32768xf32, #tpu.memory_space<vmem>>, vector<64x128xf32>
    %get3A_1286 = arith.constant 0 : index
    %get3A_1287 = arith.constant 30080 : index
    %get3A_1288 = vector.load %arg1[%get3A_1286, %get3A_1287] : memref<64x32768xf32, #tpu.memory_space<vmem>>, vector<64x128xf32>
    %concatenate3A_1289 = tpu.concatenate %get3A_1285, %get3A_1288 in 0 : vector<64x128xf32>, vector<64x128xf32> -> vector<128x128xf32>
    %transpose3A_1290 = tpu.transpose %concatenate3A_1289, [1, 0] : vector<128x128xf32> -> vector<128x128xf32>
    %swap3A_1291 = arith.constant 14976 : index
    %swap3A_1292 = arith.constant 0 : index
    %swap3A_1293 = vector.load %arg2[%swap3A_1291, %swap3A_1292] : memref<16384x128xf32, #tpu.memory_space<vmem>>, vector<128x128xf32>
    tpu.vector_store %arg2[%swap3A_1291, %swap3A_1292], %transpose3A_1290 {strides = array<i32>} : memref<16384x128xf32, #tpu.memory_space<vmem>>, vector<128x128xf32>,
    %get3A_1294 = arith.constant 0 : index
    %get3A_1295 = arith.constant 30208 : index
    %get3A_1296 = vector.load %arg1[%get3A_1294, %get3A_1295] : memref<64x32768xf32, #tpu.memory_space<vmem>>, vector<64x128xf32>
    %get3A_1297 = arith.constant 0 : index
    %get3A_1298 = arith.constant 30336 : index
    %get3A_1299 = vector.load %arg1[%get3A_1297, %get3A_1298] : memref<64x32768xf32, #tpu.memory_space<vmem>>, vector<64x128xf32>
    %concatenate3A_1300 = tpu.concatenate %get3A_1296, %get3A_1299 in 0 : vector<64x128xf32>, vector<64x128xf32> -> vector<128x128xf32>
    %transpose3A_1301 = tpu.transpose %concatenate3A_1300, [1, 0] : vector<128x128xf32> -> vector<128x128xf32>
    %swap3A_1302 = arith.constant 15104 : index
    %swap3A_1303 = arith.constant 0 : index
    %swap3A_1304 = vector.load %arg2[%swap3A_1302, %swap3A_1303] : memref<16384x128xf32, #tpu.memory_space<vmem>>, vector<128x128xf32>
    tpu.vector_store %arg2[%swap3A_1302, %swap3A_1303], %transpose3A_1301 {strides = array<i32>} : memref<16384x128xf32, #tpu.memory_space<vmem>>, vector<128x128xf32>,
    %get3A_1305 = arith.constant 0 : index
    %get3A_1306 = arith.constant 30464 : index
    %get3A_1307 = vector.load %arg1[%get3A_1305, %get3A_1306] : memref<64x32768xf32, #tpu.memory_space<vmem>>, vector<64x128xf32>
    %get3A_1308 = arith.constant 0 : index
    %get3A_1309 = arith.constant 30592 : index
    %get3A_1310 = vector.load %arg1[%get3A_1308, %get3A_1309] : memref<64x32768xf32, #tpu.memory_space<vmem>>, vector<64x128xf32>
    %concatenate3A_1311 = tpu.concatenate %get3A_1307, %get3A_1310 in 0 : vector<64x128xf32>, vector<64x128xf32> -> vector<128x128xf32>
    %transpose3A_1312 = tpu.transpose %concatenate3A_1311, [1, 0] : vector<128x128xf32> -> vector<128x128xf32>
    %swap3A_1313 = arith.constant 15232 : index
    %swap3A_1314 = arith.constant 0 : index
    %swap3A_1315 = vector.load %arg2[%swap3A_1313, %swap3A_1314] : memref<16384x128xf32, #tpu.memory_space<vmem>>, vector<128x128xf32>
    tpu.vector_store %arg2[%swap3A_1313, %swap3A_1314], %transpose3A_1312 {strides = array<i32>} : memref<16384x128xf32, #tpu.memory_space<vmem>>, vector<128x128xf32>,
    %get3A_1316 = arith.constant 0 : index
    %get3A_1317 = arith.constant 30720 : index
    %get3A_1318 = vector.load %arg1[%get3A_1316, %get3A_1317] : memref<64x32768xf32, #tpu.memory_space<vmem>>, vector<64x128xf32>
    %get3A_1319 = arith.constant 0 : index
    %get3A_1320 = arith.constant 30848 : index
    %get3A_1321 = vector.load %arg1[%get3A_1319, %get3A_1320] : memref<64x32768xf32, #tpu.memory_space<vmem>>, vector<64x128xf32>
    %concatenate3A_1322 = tpu.concatenate %get3A_1318, %get3A_1321 in 0 : vector<64x128xf32>, vector<64x128xf32> -> vector<128x128xf32>
    %transpose3A_1323 = tpu.transpose %concatenate3A_1322, [1, 0] : vector<128x128xf32> -> vector<128x128xf32>
    %swap3A_1324 = arith.constant 15360 : index
    %swap3A_1325 = arith.constant 0 : index
    %swap3A_1326 = vector.load %arg2[%swap3A_1324, %swap3A_1325] : memref<16384x128xf32, #tpu.memory_space<vmem>>, vector<128x128xf32>
    tpu.vector_store %arg2[%swap3A_1324, %swap3A_1325], %transpose3A_1323 {strides = array<i32>} : memref<16384x128xf32, #tpu.memory_space<vmem>>, vector<128x128xf32>,
    %get3A_1327 = arith.constant 0 : index
    %get3A_1328 = arith.constant 30976 : index
    %get3A_1329 = vector.load %arg1[%get3A_1327, %get3A_1328] : memref<64x32768xf32, #tpu.memory_space<vmem>>, vector<64x128xf32>
    %get3A_1330 = arith.constant 0 : index
    %get3A_1331 = arith.constant 31104 : index
    %get3A_1332 = vector.load %arg1[%get3A_1330, %get3A_1331] : memref<64x32768xf32, #tpu.memory_space<vmem>>, vector<64x128xf32>
    %concatenate3A_1333 = tpu.concatenate %get3A_1329, %get3A_1332 in 0 : vector<64x128xf32>, vector<64x128xf32> -> vector<128x128xf32>
    %transpose3A_1334 = tpu.transpose %concatenate3A_1333, [1, 0] : vector<128x128xf32> -> vector<128x128xf32>
    %swap3A_1335 = arith.constant 15488 : index
    %swap3A_1336 = arith.constant 0 : index
    %swap3A_1337 = vector.load %arg2[%swap3A_1335, %swap3A_1336] : memref<16384x128xf32, #tpu.memory_space<vmem>>, vector<128x128xf32>
    tpu.vector_store %arg2[%swap3A_1335, %swap3A_1336], %transpose3A_1334 {strides = array<i32>} : memref<16384x128xf32, #tpu.memory_space<vmem>>, vector<128x128xf32>,
    %get3A_1338 = arith.constant 0 : index
    %get3A_1339 = arith.constant 31232 : index
    %get3A_1340 = vector.load %arg1[%get3A_1338, %get3A_1339] : memref<64x32768xf32, #tpu.memory_space<vmem>>, vector<64x128xf32>
    %get3A_1341 = arith.constant 0 : index
    %get3A_1342 = arith.constant 31360 : index
    %get3A_1343 = vector.load %arg1[%get3A_1341, %get3A_1342] : memref<64x32768xf32, #tpu.memory_space<vmem>>, vector<64x128xf32>
    %concatenate3A_1344 = tpu.concatenate %get3A_1340, %get3A_1343 in 0 : vector<64x128xf32>, vector<64x128xf32> -> vector<128x128xf32>
    %transpose3A_1345 = tpu.transpose %concatenate3A_1344, [1, 0] : vector<128x128xf32> -> vector<128x128xf32>
    %swap3A_1346 = arith.constant 15616 : index
    %swap3A_1347 = arith.constant 0 : index
    %swap3A_1348 = vector.load %arg2[%swap3A_1346, %swap3A_1347] : memref<16384x128xf32, #tpu.memory_space<vmem>>, vector<128x128xf32>
    tpu.vector_store %arg2[%swap3A_1346, %swap3A_1347], %transpose3A_1345 {strides = array<i32>} : memref<16384x128xf32, #tpu.memory_space<vmem>>, vector<128x128xf32>,
    %get3A_1349 = arith.constant 0 : index
    %get3A_1350 = arith.constant 31488 : index
    %get3A_1351 = vector.load %arg1[%get3A_1349, %get3A_1350] : memref<64x32768xf32, #tpu.memory_space<vmem>>, vector<64x128xf32>
    %get3A_1352 = arith.constant 0 : index
    %get3A_1353 = arith.constant 31616 : index
    %get3A_1354 = vector.load %arg1[%get3A_1352, %get3A_1353] : memref<64x32768xf32, #tpu.memory_space<vmem>>, vector<64x128xf32>
    %concatenate3A_1355 = tpu.concatenate %get3A_1351, %get3A_1354 in 0 : vector<64x128xf32>, vector<64x128xf32> -> vector<128x128xf32>
    %transpose3A_1356 = tpu.transpose %concatenate3A_1355, [1, 0] : vector<128x128xf32> -> vector<128x128xf32>
    %swap3A_1357 = arith.constant 15744 : index
    %swap3A_1358 = arith.constant 0 : index
    %swap3A_1359 = vector.load %arg2[%swap3A_1357, %swap3A_1358] : memref<16384x128xf32, #tpu.memory_space<vmem>>, vector<128x128xf32>
    tpu.vector_store %arg2[%swap3A_1357, %swap3A_1358], %transpose3A_1356 {strides = array<i32>} : memref<16384x128xf32, #tpu.memory_space<vmem>>, vector<128x128xf32>,
    %get3A_1360 = arith.constant 0 : index
    %get3A_1361 = arith.constant 31744 : index
    %get3A_1362 = vector.load %arg1[%get3A_1360, %get3A_1361] : memref<64x32768xf32, #tpu.memory_space<vmem>>, vector<64x128xf32>
    %get3A_1363 = arith.constant 0 : index
    %get3A_1364 = arith.constant 31872 : index
    %get3A_1365 = vector.load %arg1[%get3A_1363, %get3A_1364] : memref<64x32768xf32, #tpu.memory_space<vmem>>, vector<64x128xf32>
    %concatenate3A_1366 = tpu.concatenate %get3A_1362, %get3A_1365 in 0 : vector<64x128xf32>, vector<64x128xf32> -> vector<128x128xf32>
    %transpose3A_1367 = tpu.transpose %concatenate3A_1366, [1, 0] : vector<128x128xf32> -> vector<128x128xf32>
    %swap3A_1368 = arith.constant 15872 : index
    %swap3A_1369 = arith.constant 0 : index
    %swap3A_1370 = vector.load %arg2[%swap3A_1368, %swap3A_1369] : memref<16384x128xf32, #tpu.memory_space<vmem>>, vector<128x128xf32>
    tpu.vector_store %arg2[%swap3A_1368, %swap3A_1369], %transpose3A_1367 {strides = array<i32>} : memref<16384x128xf32, #tpu.memory_space<vmem>>, vector<128x128xf32>,
    %get3A_1371 = arith.constant 0 : index
    %get3A_1372 = arith.constant 32000 : index
    %get3A_1373 = vector.load %arg1[%get3A_1371, %get3A_1372] : memref<64x32768xf32, #tpu.memory_space<vmem>>, vector<64x128xf32>
    %get3A_1374 = arith.constant 0 : index
    %get3A_1375 = arith.constant 32128 : index
    %get3A_1376 = vector.load %arg1[%get3A_1374, %get3A_1375] : memref<64x32768xf32, #tpu.memory_space<vmem>>, vector<64x128xf32>
    %concatenate3A_1377 = tpu.concatenate %get3A_1373, %get3A_1376 in 0 : vector<64x128xf32>, vector<64x128xf32> -> vector<128x128xf32>
    %transpose3A_1378 = tpu.transpose %concatenate3A_1377, [1, 0] : vector<128x128xf32> -> vector<128x128xf32>
    %swap3A_1379 = arith.constant 16000 : index
    %swap3A_1380 = arith.constant 0 : index
    %swap3A_1381 = vector.load %arg2[%swap3A_1379, %swap3A_1380] : memref<16384x128xf32, #tpu.memory_space<vmem>>, vector<128x128xf32>
    tpu.vector_store %arg2[%swap3A_1379, %swap3A_1380], %transpose3A_1378 {strides = array<i32>} : memref<16384x128xf32, #tpu.memory_space<vmem>>, vector<128x128xf32>,
    %get3A_1382 = arith.constant 0 : index
    %get3A_1383 = arith.constant 32256 : index
    %get3A_1384 = vector.load %arg1[%get3A_1382, %get3A_1383] : memref<64x32768xf32, #tpu.memory_space<vmem>>, vector<64x128xf32>
    %get3A_1385 = arith.constant 0 : index
    %get3A_1386 = arith.constant 32384 : index
    %get3A_1387 = vector.load %arg1[%get3A_1385, %get3A_1386] : memref<64x32768xf32, #tpu.memory_space<vmem>>, vector<64x128xf32>
    %concatenate3A_1388 = tpu.concatenate %get3A_1384, %get3A_1387 in 0 : vector<64x128xf32>, vector<64x128xf32> -> vector<128x128xf32>
    %transpose3A_1389 = tpu.transpose %concatenate3A_1388, [1, 0] : vector<128x128xf32> -> vector<128x128xf32>
    %swap3A_1390 = arith.constant 16128 : index
    %swap3A_1391 = arith.constant 0 : index
    %swap3A_1392 = vector.load %arg2[%swap3A_1390, %swap3A_1391] : memref<16384x128xf32, #tpu.memory_space<vmem>>, vector<128x128xf32>
    tpu.vector_store %arg2[%swap3A_1390, %swap3A_1391], %transpose3A_1389 {strides = array<i32>} : memref<16384x128xf32, #tpu.memory_space<vmem>>, vector<128x128xf32>,
    %get3A_1393 = arith.constant 0 : index
    %get3A_1394 = arith.constant 32512 : index
    %get3A_1395 = vector.load %arg1[%get3A_1393, %get3A_1394] : memref<64x32768xf32, #tpu.memory_space<vmem>>, vector<64x128xf32>
    %get3A_1396 = arith.constant 0 : index
    %get3A_1397 = arith.constant 32640 : index
    %get3A_1398 = vector.load %arg1[%get3A_1396, %get3A_1397] : memref<64x32768xf32, #tpu.memory_space<vmem>>, vector<64x128xf32>
    %concatenate3A_1399 = tpu.concatenate %get3A_1395, %get3A_1398 in 0 : vector<64x128xf32>, vector<64x128xf32> -> vector<128x128xf32>
    %transpose3A_1400 = tpu.transpose %concatenate3A_1399, [1, 0] : vector<128x128xf32> -> vector<128x128xf32>
    %swap3A_1401 = arith.constant 16256 : index
    %swap3A_1402 = arith.constant 0 : index
    %swap3A_1403 = vector.load %arg2[%swap3A_1401, %swap3A_1402] : memref<16384x128xf32, #tpu.memory_space<vmem>>, vector<128x128xf32>
    tpu.vector_store %arg2[%swap3A_1401, %swap3A_1402], %transpose3A_1400 {strides = array<i32>} : memref<16384x128xf32, #tpu.memory_space<vmem>>, vector<128x128xf32>,
    return
  }
  func.func @transform_0(%arg0: i32) -> (i32, i32) {
    %c0_i32 = arith.constant 0 : i32
    %c0_i32_0 = arith.constant 0 : i32
    return %c0_i32, %arg0 : i32, i32
  }
  func.func @transform_1(%arg0: i32) -> (i32, i32) {
    %c0_i32 = arith.constant 0 : i32
    %c0_i32_0 = arith.constant 0 : i32
    return %arg0, %c0_i32 : i32, i32
  }
}

</mosaic_0001>

<sc_bundles>
// kernel: kernel.4.cloned.1.call-start
scs
__scs_entry_jumppad:
0x0: {  	(pc) =	sbr.rel $0x88, $3  }
0x1: {  	(tag) =	ssettag $0x0;
	lr =	simm.s32 $0x1  }
0x2: {  	[smem:$0x3F9F] =	sst lr;
	_ =	strace $0xD0000000  }
0x3: {  	_ = 	snop  }
0x4: {  	_ = 	snop  }
0x5: {  	_ = 	snop  }
0x6: {  	_ = 	snop  }
0x7: {  	_ = 	snop  }
__scs_overlays_trampoline_lowered:
0x8: {  	[smem:$0x3FAE] =	sst s0  }
0x9: {  	[smem:$0x3FAF] =	sst s1  }
0xa: {  	[smem:$0x3FB0] =	sst s2  }
0xb: {  	[smem:$0x3FB1] =	sst s3  }
0xc: {  	[smem:$0x3FB2] =	sst s4  }
0xd: {  	[smem:$0x3FB3] =	sst s5  }
0xe: {  	[smem:$0x3FB4] =	sst s6  }
0xf: {  	[smem:$0x3FB5] =	sst s7  }
0x10: {  	[smem:$0x3FB6] =	sst s8  }
0x11: {  	[smem:$0x3FB7] =	sst s9;
	s0 =	simm.s32 @!p0 $0x0  }
0x12: {  	s1 =	sld [smem:$0x3F9D];
	s0 =	simm.s32 @p0 $0x1  }
0x13: {  	[smem:$0x3FB8] =	sst s0;
	s0 =	simm.s32 @!p1 $0x0  }
0x14: {  	s2 =	sld [smem:$0x3F9C];
	s0 =	simm.s32 @p1 $0x1  }
0x15: {  	[smem:$0x3FB9] =	sst s0;
	s0 =	simm.s32 @!p2 $0x0  }
0x16: {  	s3 =	sld [smem:$0x3FDB];
	s0 =	simm.s32 @p2 $0x1  }
0x17: {  	s4 =	simm.s32 $0x1BF5;
	[smem:$0x3FBB] =	sst s0  }
0x18: {  	s0 =	sld [smem:$0x3F9E];
	_ =	swait.ge [sflag:s4], $0x0  }
0x19: {  	s7 =	sld [smem:$0x3F9F]  }
0x1a: {  	s8 =	sadd.s32 $0xFFFFE003, lr  }
0x1b: {  	s9 =	sadd.s32 $0xFFFFFEF7, lr;
	s5 =	simm.s32 $0xFFFFFFFF;
	p2 =	slt.u32 s8, $0xFFFFF086  }
0x1c: {  	p1 =	slt.u32 s9, $0xF7A;
	s5 =	simm.s32 @!p2 $0x0  }
0x1d: {  	s5 =	simm.s32 @p1 $0x1;
	p0 =	seq.s32 s7, s2  }
0x1e: {  	s7 =	smul.u32 @!p0 $0xF7A, s2;
	p2 =	seq.s32 @!p0 s5, $0x0  }
0x1f: {  	s9 =	smul.u32 $0xF7A, s1;
	s8 =	simm.s32 @!p0 $0x1BF5;
	p2 =	por !p2, p0  }
0x20: {  	[sflag:s8] =	ssyncset.s32 @!p0 $0xFFFFF086;
	s6 =	sadd.s32 @!p0 s3, s7;
	s7 =	simm.s32 @!p0 $0x108  }
0x21: {  	s3 =	sadd.s32 s3, s9;
	s6 =	sadd.s32 @!p0 $0x88, s6;
	s7 =	simm.s32 @p2 $0x1082  }
0x22: {  	[simem:s7], [sflag:s8] =	dma.local @!p0 [hbm:s6], $0xF7A  }
0x23: {  	s9 =	sor.u32 $0xD0000000, s2;
	s6 =	simm.s32 $0x108;
	_ =	swait.ge @!p0 [sflag:s8], $0x0  }
0x24: {  	s3 =	sadd.s32 $0x88, s3;
	s6 =	simm.s32 @!p1 $0x1082;
	[sflag:s4] =	ssyncset.s32 $0xFFFFF086  }
0x25: {  	[simem:s6], [sflag:s4] =	dma.local [hbm:s3], $0xF7A  }
0x26: {  	[smem:$0x3F9F] =	sst s1;
	(tag) =	ssettag s2;
	_ =	strace s9  }
0x27: {  	s1 =	sld [smem:$0x3FAF]  }
0x28: {  	s2 =	sld [smem:$0x3FB0]  }
0x29: {  	s4 =	sld [smem:$0x3FB2]  }
0x2a: {  	p0 =	seq.s32 s5, $0x0;
	s5 =	sld [smem:$0x3FB3]  }
0x2b: {  	s6 =	sld [smem:$0x3FB4]  }
0x2c: {  	s7 =	sld [smem:$0x3FB5]  }
0x2d: {  	s3 =	simm.s32 $0x108;
	s8 =	sld [smem:$0x3FB6]  }
0x2e: {  	s3 =	simm.s32 @!p0 $0x1082;
	s9 =	sld [smem:$0x3FB7]  }
0x2f: {  	lr =	sadd.s32 s0, s3;
	s0 =	sld [smem:$0x3FAE]  }
0x30: {  	s3 =	sld [smem:$0x3FB1]  }
0x31: {  	[smem:$0x3FBA] =	sst s10  }
0x32: {  	s10 =	sld [smem:$0x3FB8];
	_ =	sdelay $0x3  }
0x33: {  	p0 =	seq.s32 s10, $0x1;
	s10 =	sld [smem:$0x3FBA];
	_ =	sdelay $0x3  }
0x34: {  	[smem:$0x3FBA] =	sst s10  }
0x35: {  	s10 =	sld [smem:$0x3FB9];
	_ =	sdelay $0x3  }
0x36: {  	p1 =	seq.s32 s10, $0x1;
	s10 =	sld [smem:$0x3FBA];
	_ =	sdelay $0x3  }
0x37: {  	[smem:$0x3FBA] =	sst s10  }
0x38: {  	s10 =	sld [smem:$0x3FBB]  }
0x39: {  	_ = 	snop;
	(pc) =	sbr.ind lr, $3  }
0x3a: {  	_ = 	snop  }
0x3b: {  	_ = 	snop  }
0x3c: {  	p2 =	seq.s32 s10, $0x1;
	s10 =	sld [smem:$0x3FBA]  }
0x3d: {  	_ =	shalt  }
0x3e: {  	_ =	shalt  }
0x3f: {  	_ =	shalt  }
0x40: {  	_ =	shalt  }
0x41: {  	_ =	shalt  }
0x42: {  	_ =	shalt  }
0x43: {  	_ =	shalt  }
0x44: {  	_ =	shalt  }
0x45: {  	_ =	shalt  }
0x46: {  	_ =	shalt  }
0x47: {  	_ =	shalt  }
0x48: {  	_ =	shalt  }
0x49: {  	_ =	shalt  }
0x4a: {  	_ =	shalt  }
0x4b: {  	_ =	shalt  }
0x4c: {  	_ =	shalt  }
0x4d: {  	_ =	shalt  }
0x4e: {  	_ =	shalt  }
0x4f: {  	_ =	shalt  }
0x50: {  	_ =	shalt  }
0x51: {  	_ =	shalt  }
0x52: {  	_ =	shalt  }
0x53: {  	_ =	shalt  }
0x54: {  	_ =	shalt  }
0x55: {  	_ =	shalt  }
0x56: {  	_ =	shalt  }
0x57: {  	_ =	shalt  }
0x58: {  	_ =	shalt  }
0x59: {  	_ =	shalt  }
0x5a: {  	_ =	shalt  }
0x5b: {  	_ =	shalt  }
0x5c: {  	_ =	shalt  }
0x5d: {  	_ =	shalt  }
0x5e: {  	_ =	shalt  }
0x5f: {  	_ =	shalt  }
0x60: {  	_ =	shalt  }
0x61: {  	_ =	shalt  }
0x62: {  	_ =	shalt  }
0x63: {  	_ =	shalt  }
0x64: {  	_ =	shalt  }
0x65: {  	_ =	shalt  }
0x66: {  	_ =	shalt  }
0x67: {  	_ =	shalt  }
0x68: {  	_ =	shalt  }
0x69: {  	_ =	shalt  }
0x6a: {  	_ =	shalt  }
0x6b: {  	_ =	shalt  }
0x6c: {  	_ =	shalt  }
0x6d: {  	_ =	shalt  }
0x6e: {  	_ =	shalt  }
0x6f: {  	_ =	shalt  }
0x70: {  	_ =	shalt  }
0x71: {  	_ =	shalt  }
0x72: {  	_ =	shalt  }
0x73: {  	_ =	shalt  }
0x74: {  	_ =	shalt  }
0x75: {  	_ =	shalt  }
0x76: {  	_ =	shalt  }
0x77: {  	_ =	shalt  }
0x78: {  	_ =	shalt  }
0x79: {  	_ =	shalt  }
0x7a: {  	_ =	shalt  }
0x7b: {  	_ =	shalt  }
0x7c: {  	_ =	shalt  }
0x7d: {  	_ =	shalt  }
0x7e: {  	_ =	shalt  }
0x7f: {  	_ =	shalt  }
0x80: {  	_ =	shalt  }
0x81: {  	_ =	shalt  }
0x82: {  	_ =	shalt  }
0x83: {  	_ =	shalt  }
0x84: {  	_ =	shalt  }
0x85: {  	_ =	shalt  }
0x86: {  	_ =	shalt  }
0x87: {  	_ =	shalt  }
.Lfunc_end0:
.L_simem_size_0:
called_computation_lowered:
.L_overlay_start_0:
0x88: {  	s2 =	sld [smem:$0x3FD9]  }
0x89: {  	s3 =	sld [smem:$0x3FFE];
	_ =	sdelay $0x1  }
0x8a: {  	s1 =	srdreg.scid  }
0x8b: {  	s0 =	sand.u32 $0x1, s1  }
0x8c: {  	s17 =	sshll.u32 s0, $0xA;
	s2 =	sadd.s32 s3, s2  }
0x8d: {  	s2 =	sadd.s32 s2, s17  }
0x8e: {  	[smem:$0x3FC6] =	sst s2  }
0x8f: {  	_ = 	snop  }
0x90: {  	s2 =	sld [smem:$0x3FC9]  }
0x91: {  	s18 =	sld [smem:$0x3FD0];
	(tm) =	ssettm $0x1  }
0x92: {  	s4 =	sld [smem:$0x3FFB];
	_ =	sdelay $0x3  }
0x93: {  	_ =	strace s4  }
0x94: {  	s4 =	sld [smem:$0x3FFC];
	_ =	sdelay $0x3  }
0x95: {  	_ =	strace s4  }
0x96: {  	s4 =	sld [smem:$0x3FFD];
	_ =	sdelay $0x3  }
0x97: {  	_ =	strace s4  }
0x98: {  	_ =	strace $0x8FFFFFFF  }
0x99: {  	s19 =	sld [smem:$0x3FDB];
	_ =	sdelay $0x1  }
0x9a: {  	s5 =	simm.s32 $_scs_section_size  }
0x9b: {  	s6 =	simm.s32 $_size__tile_overlayer_lowered;
	s7 =	simm.s32 $_tile_overlayer_lowered  }
0x9c: {  	s22 =	simm.s32 $0x1BFF;
	s21 =	sshll.u32 s7, $0x1;
	s4 =	sadd.s32 s5, s19  }
0x9d: {  	s8 =	simm.s32 $0x0;
	s20 =	sshll.u32 s6, $0x1;
	s6 =	sadd.s32 s21, s4  }
0x9e: {  	[timem:s8], [sflag:s22] =	dma.local [hbm:s6], s20  }
0x9f: {  	_ =	swait.ge [sflag:s22], s20  }
0xa0: {  	s5 =	ssub.s32 $0x0, s20;
	[sflag:s22] =	ssyncset.done $0x0  }
0xa1: {  	[sflag:s22] =	ssyncadd.s32 s5;
	_ =	sdelay $0x1  }
0xa2: {  	s23 =	simm.s32 $0x1B8B  }
0xa3: {  	_ =	swait.ge [sflag:s23], $0x1  }
0xa4: {  	[sflag:s23] =	ssyncset.done $0x0  }
0xa5: {  	s25 =	simm.s32 $0x1B8E;
	s24 =	sld [smem:$0x3FFE];
	[sflag:s23] =	ssyncadd.s32 $0xFFFFFFFF  }
0xa6: {  	s26 =	simm.s32 $execute0_lowered;
	[smem:$0x3FD2] =	sst s25  }
0xa7: {  	s6 =	sshll.u32 s26, $0x1;
	_ =	strace $0x80000046;
	[dreg:$0x1] =	wrdreg $0xFFFFFFFF  }
0xa8: {  	s28 =	simm.s32 $_size_execute0_lowered;
	s4 =	sadd.s32 s4, s6;
	[dreg:$0x0] =	wrdreg $0x0  }
0xa9: {  	s6 =	sshll.u32 s28, $0x1;
	[dreg:$0x2] =	wrdreg s4  }
0xaa: {  	[dreg:$0x3] =	wrdreg s6  }
0xab: {  	[dreg:$0x4] =	wrdreg $0xC0  }
0xac: {  	_ =	task [dreg:s8], $0x5FFFF  }
0xad: {  	[dreg:$0x1] =	wrdreg $0xFFFFFFFF  }
0xae: {  	[dreg:$0x0] =	wrdreg $0x60  }
0xaf: {  	[dreg:$0x2] =	wrdreg s2  }
0xb0: {  	[dreg:$0x3] =	wrdreg s24  }
0xb1: {  	[dreg:$0x4] =	wrdreg s18  }
0xb2: {  	[dreg:$0x5] =	wrdreg $0x9  }
0xb3: {  	_ =	task.clear_ibuf [dreg:s8], $0x6FFFF;
	_ =	strace $0x90000046  }
0xb4: {  	s29 =	simm.s32 $0x9;
	_ =	strace $0x80000048  }
0xb5: {  	_ =	swait.ge [sflag:s29], $0x1  }
0xb6: {  	[sflag:s29] =	ssyncadd.s32 $0xFFFFFFFF  }
0xb7: {  	_ =	strace $0x90000048  }
0xb8: {  	_ =	sfence  }
0xb9: {  	s30 =	sld [smem:$0x0];
	_ =	sdelay $0x2  }
0xba: {  	s31 =	sshll.u32 s1, $0xD;
	s1 =	sshrl.u32 s1, $0x2  }
0xbb: {  	s3 =	sand.u32 $0x4000, s31;
	s1 =	sadd.s32 s1, s30  }
0xbc: {  	s0 =	sor.u32 s3, s0;
	s1 =	sshll.u32 s1, $0x11  }
0xbd: {  	s0 =	sor.u32 s1, s0  }
0xbe: {  	s0 =	sadd.s32 $0x8F2B, s0  }
0xbf: {  	[sflag:s0] =	ssyncadd.remote.s32 $0x1  }
0xc0: {  	_ =	sfence.sel $0xFFFF  }
0xc1: {  	[dreg:$0x0] =	wrdreg $0xFFFFFFFF;
	(pc) =	sbr.abs _section_cstart, $3  }
0xc2: {  	[dreg:$0x1] =	wrdreg $0xFFFFFFFF  }
0xc3: {  	_ =	task.clear_ibuf [dreg:s8], $0x2FFFF;
	_ =	strace $0x9FFFFFFF  }
0xc4: {  	(tm) =	ssettm $0x7FFFFFFF  }
0xc5: {  	_ =	shalt  }
tec
execute0_lowered:
.L_overlay_start_1:
0x0: {  	(tag) =	ssettag $0x1  }
0x1: {  	s0 =	rddreg [dreg:$0x0]  }
0x2: {  	s1 =	rddreg [dreg:$0x1]  }
0x3: {  	s2 =	rddreg [dreg:$0x2]  }
0x4: {  	s3 =	srdreg.scid;
	s4 =	stileid.u32  }
0x5: {  	s6 =	simm.s32 $0x0;
	s8 =	simm.s32 $0x5;
	s9 =	simm.s32 $0x80  }
0x6: {  	s10 =	simm.s32 $0x6400;
	s11 =	simm.s32 $0x8400;
	s13 =	simm.s32 $0xA400  }
0x7: {  	s15 =	simm.s32 $0xC400;
	s16 =	simm.s32 $0xE400;
	s17 =	simm.s32 $0x10400  }
0x8: {  	s18 =	simm.s32 $0x12400;
	s19 =	simm.s32 $0x14400;
	s20 =	simm.s32 $0x1  }
0x9: {  	s21 =	simm.s32 $0x16400;
	s22 =	simm.s32 $0x400;
	s23 =	simm.s32 $0x2000  }
0xa: {  	s24 =	simm.s32 $0x2;
	s3 =	sand.u32 $0x1, s3;
	s4 =	sshll.u32 s4, $0x1  }
0xb: {  	s28 =	simm.s32 $0x3;
	s5 =	ssub.s32 $0x2, s3;
	s3 =	sor.u32 s3, s4  }
0xc: {  	s29 =	simm.s32 $0x0;
	[smem:$0x7FF] =	sst s6;
	s7 =	smul.u32 $0xC80, s3  }
0xd: {  	v0 =	vlaneseq.u32;
	s30 =	simm.s32 $0x0;
	_ =	strace $0x80000047;
	s25 =	sshrl.u32 s5, $0x1  }
0xe: {  	v0 =	vmul.u32 $0x80, v0;
	s4 =	sadd.s32 $0x400, s1;
	s26 =	ssub.s32 s5, s25;
	s0 =	sadd.s32 s0, s7  }
0xf: {  	s5 =	smul.u32 $0x32, s3;
	s31 =	smax.u32 s26, $0x1;
	[dreg:$0x4] =	wrdreg s0  }
0x10: {  	v1 =	vor.u32 $0x800, v0;
	v2 =	vor.u32 $0x1000, v0;
	v3 =	vor.u32 $0x1800, v0;
	s25 =	simm.s32 $0x4;
	s26 =	simm.s32 $0x18400;
	[dreg:$0x5] =	wrdreg s31  }
.LBB2_1:
0x11: {  	s0 =	simm.s32 $0x0;
	s1 =	rddreg [dreg:$0x4]  }
0x12: {  	[tilespmem:s0], [sflag:$0x5] =	stream.linear.gather [hbm4b:s1+s0], $0x6400, $0x38;
	[tilespmem:$0x1A400] =	vst v63  }
0x13: {  	_ =	swait.ge [sflag:s8], $0x6400  }
0x14: {  	[sflag:s8] =	ssyncset.done $0x0  }
0x15: {  	[sflag:s8] =	ssyncadd.s32 $0xFFFF9C00  }
0x16: {  	v4 =	vld [tilespmem:s9+$0x70]  }
0x17: {  	v5 =	vld [tilespmem:s9+$0xFFFFFF90]  }
0x18: {  	v6 =	vld [tilespmem:s9+$0xFFFFFFA0]  }
0x19: {  	v7 =	vld [tilespmem:s9+$0xFFFFFFB0]  }
0x1a: {  	v8 =	vld [tilespmem:s9+$0xFFFFFFC0]  }
0x1b: {  	v9 =	vld [tilespmem:s9+$0xFFFFFFD0]  }
0x1c: {  	v11 =	vld [tilespmem:s9+$0xFFFFFFE0]  }
0x1d: {  	v14 =	vld [tilespmem:s9+$0xFFFFFFF0]  }
0x1e: {  	v16 =	vld [tilespmem:s9+$0x0]  }
0x1f: {  	v30 =	vld [tilespmem:s9+$0xFFFFFF80];
	v10 =	vshll.u32 v4, $0x1  }
0x20: {  	v18 =	vld [tilespmem:s9+$0x20];
	v12 =	vand.u32 $0xFFFFFF00, v4;
	v4 =	vshrl.u32 v4, $0x7;
	v13 =	vshll.u32 v5, $0x1  }
0x21: {  	v22 =	vld [tilespmem:s9+$0x30];
	v15 =	vshll.u32 v7, $0x1;
	v17 =	vshll.u32 v9, $0x1;
	v20 =	vand.u32 $0xFFFFFF00, v5  }
0x22: {  	v24 =	vld [tilespmem:s9+$0x40];
	v23 =	vshrl.u32 v5, $0x7;
	v25 =	vand.u32 $0xFFFFFF00, v6;
	v28 =	vshrl.u32 v6, $0x7  }
0x23: {  	v27 =	vld [tilespmem:s9+$0x50];
	v31 =	vand.u32 $0xFFFFFF00, v7;
	v34 =	vshrl.u32 v7, $0x7;
	v33 =	vand.u32 $0xFFFFFF00, v8  }
0x24: {  	v29 =	vld [tilespmem:s9+$0x60];
	v36 =	vshrl.u32 v8, $0x7;
	v38 =	vand.u32 $0xFFFFFF00, v9;
	v40 =	vshll.u32 v30, $0x1  }
0x25: {  	v63 =	vshrl.u32 v9, $0x7;
	v9 =	vand.u32 $0xFFFFFF00, v11;
	v42 =	vshrl.u32 v11, $0x7  }
0x26: {  	v43 =	vshrl.u32 v14, $0x7;
	v44 =	vand.u32 $0xFFFFFF00, v16;
	v45 =	vshrl.u32 v16, $0x7  }
0x27: {  	v48 =	vand.u32 $0xFFFFFF00, v18;
	v49 =	vshrl.u32 v18, $0x7;
	v50 =	vand.u32 $0xFFFFFF00, v22  }
0x28: {  	v51 =	vand.u32 $0xFFFFFF00, v24;
	v52 =	vshrl.u32 v24, $0x7;
	v53 =	vshrl.u32 v27, $0x7  }
0x29: {  	v54 =	vshrl.u32 v29, $0x7;
	v10 =	vand.u32 $0xFE, v10;
	v4 =	vand.u32 $0x1, v4  }
0x2a: {  	v15 =	vand.u32 $0xFE, v15;
	v21 =	vand.u32 $0xFE, v17;
	v17 =	vshll.u32 v11, $0x1  }
0x2b: {  	v11 =	vand.u32 $0xFFFFFF00, v14;
	v10 =	vor.u32 v12, v10;
	v12 =	vshll.u32 v6, $0x1  }
0x2c: {  	v5 =	vand.u32 $0xFE, v17;
	v17 =	vshll.u32 v14, $0x1;
	v15 =	vor.u32 v31, v15  }
0x2d: {  	v31 =	vand.u32 $0x1, v28;
	v28 =	vand.u32 $0x1, v63;
	v19 =	vor.u32 v4, v10  }
0x2e: {  	v4 =	vand.u32 $0xFE, v13;
	v10 =	vand.u32 $0xFE, v12;
	v12 =	vshll.u32 v8, $0x1  }
0x2f: {  	v13 =	vld [tilespmem:s9+$0x10];
	v26 =	vand.u32 $0xFE, v17;
	v17 =	vshll.u32 v16, $0x1;
	v8 =	vshll.u32 v27, $0x1  }
0x30: {  	v12 =	vand.u32 $0xFE, v12;
	v6 =	vand.u32 $0xFE, v17;
	v39 =	vand.u32 $0xFE, v8  }
0x31: {  	v8 =	vshll.u32 v29, $0x1;
	v11 =	vor.u32 v11, v26;
	v26 =	vand.u32 $0x1, v43  }
0x32: {  	[tilespmem:s9+$0x70] =	vst v19;
	v19 =	vand.u32 $0x1, v54;
	v41 =	vand.u32 $0xFE, v8;
	v8 =	vand.u32 $0xFE, v40  }
0x33: {  	v14 =	vor.u32 v33, v12;
	v12 =	vor.u32 v9, v5;
	v33 =	vand.u32 $0x1, v23  }
0x34: {  	v23 =	vand.u32 $0x1, v49;
	v17 =	vshll.u32 v13, $0x1;
	v46 =	vand.u32 $0xFFFFFF00, v13  }
0x35: {  	v47 =	vshrl.u32 v13, $0x7;
	v13 =	vor.u32 v38, v21;
	v21 =	vand.u32 $0x1, v52  }
0x36: {  	v32 =	vand.u32 $0xFE, v17;
	v17 =	vshll.u32 v18, $0x1;
	v18 =	vor.u32 v20, v4  }
0x37: {  	v20 =	vand.u32 $0x1, v53;
	v7 =	vand.u32 $0xFE, v17;
	v17 =	vshll.u32 v22, $0x1  }
0x38: {  	v22 =	vshrl.u32 v22, $0x7;
	v9 =	vor.u32 v46, v32;
	v35 =	vand.u32 $0xFE, v17  }
0x39: {  	v17 =	vshll.u32 v24, $0x1;
	v24 =	vand.u32 $0xFFFFFF00, v27;
	v27 =	vand.u32 $0xFFFFFF00, v29  }
0x3a: {  	v29 =	vand.u32 $0x1, v36;
	v22 =	vand.u32 $0x1, v22;
	v37 =	vand.u32 $0xFE, v17  }
0x3b: {  	v17 =	vand.u32 $0xFFFFFF00, v30;
	v30 =	vshrl.u32 v30, $0x7;
	v5 =	vor.u32 v24, v39  }
0x3c: {  	v4 =	vor.u32 v27, v41;
	v27 =	vand.u32 $0x1, v42;
	v24 =	vand.u32 $0x1, v47  }
0x3d: {  	v16 =	vor.u32 v17, v8;
	v17 =	vor.u32 v25, v10;
	v10 =	vor.u32 v44, v6  }
0x3e: {  	v8 =	vor.u32 v48, v7;
	v7 =	vor.u32 v50, v35;
	v6 =	vor.u32 v51, v37  }
0x3f: {  	s3 =	simm.s32 $0x180;
	s1 =	simm.s32 $0x0;
	s0 =	simm.s32 $0x80;
	v32 =	vand.u32 $0x1, v30;
	v30 =	vand.u32 $0x1, v34;
	v25 =	vand.u32 $0x1, v45  }
.LBB2_2:
0x40: {  	v34 =	vld [tilespmem:s3+$0x70];
	s1 =	sadd.s32 $0x2, s1;
	v16 =	vor.u32 v32, v16;
	v18 =	vor.u32 v33, v18;
	v17 =	vor.u32 v31, v17  }
0x41: {  	v15 =	vor.u32 v30, v15;
	v14 =	vor.u32 v29, v14;
	v13 =	vor.u32 v28, v13;
	v31 =	vld [tilespmem:s3+$0xFFFFFF90];
	p0 =	slt.u32 s1, $0xC6;
	[tilespmem:s0+$0xFFFFFF80] =	vst v16  }
0x42: {  	v12 =	vor.u32 v27, v12;
	v11 =	vor.u32 v26, v11;
	v10 =	vor.u32 v25, v10;
	v16 =	vld [tilespmem:s3+$0xFFFFFFA0];
	[tilespmem:s0+$0xFFFFFF90] =	vst v18  }
0x43: {  	v9 =	vor.u32 v24, v9;
	v8 =	vor.u32 v23, v8;
	v7 =	vor.u32 v22, v7;
	v18 =	vld [tilespmem:s3+$0xFFFFFFB0];
	[tilespmem:s0+$0xFFFFFFA0] =	vst v17  }
0x44: {  	v6 =	vor.u32 v21, v6;
	v5 =	vor.u32 v20, v5;
	v4 =	vor.u32 v19, v4;
	v17 =	vld [tilespmem:s3+$0xFFFFFFC0];
	[tilespmem:s0+$0xFFFFFFB0] =	vst v15  }
0x45: {  	v15 =	vld [tilespmem:s3+$0xFFFFFFD0];
	v19 =	vshll.u32 v34, $0x1;
	[tilespmem:s0+$0xFFFFFFC0] =	vst v14  }
0x46: {  	v20 =	vand.u32 $0xFFFFFF00, v34;
	v21 =	vshrl.u32 v34, $0x7;
	v14 =	vld [tilespmem:s3+$0xFFFFFFE0];
	v19 =	vand.u32 $0xFE, v19;
	[tilespmem:s0+$0xFFFFFFD0] =	vst v13  }
0x47: {  	v13 =	vshll.u32 v31, $0x1;
	v22 =	vld [tilespmem:s3+$0xFFFFFFF0];
	v19 =	vor.u32 v20, v19;
	v20 =	vand.u32 $0x1, v21;
	[tilespmem:s0+$0xFFFFFFE0] =	vst v12  }
0x48: {  	v12 =	vshll.u32 v16, $0x1;
	v21 =	vshll.u32 v18, $0x1;
	v23 =	vld [tilespmem:s3+$0x0];
	v19 =	vor.u32 v20, v19;
	[tilespmem:s0+$0xFFFFFFF0] =	vst v11  }
0x49: {  	v11 =	vand.u32 $0xFE, v13;
	v12 =	vand.u32 $0xFE, v12;
	v13 =	vshll.u32 v17, $0x1;
	v20 =	vld [tilespmem:s3+$0x10];
	[tilespmem:s3+$0x70] =	vst v19  }
0x4a: {  	v19 =	vand.u32 $0xFE, v21;
	v13 =	vand.u32 $0xFE, v13;
	v21 =	vshll.u32 v15, $0x1;
	v24 =	vld [tilespmem:s3+$0x20];
	[tilespmem:s0+$0x0] =	vst v10  }
0x4b: {  	v10 =	vand.u32 $0xFFFFFF00, v31;
	v21 =	vand.u32 $0xFE, v21;
	v25 =	vshll.u32 v14, $0x1;
	v26 =	vld [tilespmem:s3+$0x30];
	[tilespmem:s0+$0x10] =	vst v9  }
0x4c: {  	v27 =	vshrl.u32 v31, $0x7;
	v9 =	vand.u32 $0xFE, v25;
	v25 =	vshll.u32 v22, $0x1;
	v28 =	vld [tilespmem:s3+$0x40];
	[tilespmem:s0+$0x20] =	vst v8  }
0x4d: {  	v8 =	vand.u32 $0xFFFFFF00, v16;
	v25 =	vand.u32 $0xFE, v25;
	v29 =	vshll.u32 v23, $0x1;
	v30 =	vld [tilespmem:s3+$0x50];
	[tilespmem:s0+$0x30] =	vst v7  }
0x4e: {  	v31 =	vshrl.u32 v16, $0x7;
	v7 =	vand.u32 $0xFE, v29;
	v16 =	vshll.u32 v20, $0x1;
	v29 =	vld [tilespmem:s3+$0x60];
	[tilespmem:s0+$0x40] =	vst v6  }
0x4f: {  	v32 =	vand.u32 $0xFFFFFF00, v18;
	v6 =	vld [tilespmem:s3+$0xFFFFFF80];
	v33 =	vand.u32 $0xFE, v16;
	v16 =	vshll.u32 v24, $0x1;
	[tilespmem:s0+$0x50] =	vst v5  }
0x50: {  	v34 =	vshrl.u32 v18, $0x7;
	v5 =	vand.u32 $0xFE, v16;
	v16 =	vshll.u32 v26, $0x1;
	[tilespmem:s0+$0x60] =	vst v4;
	s0 =	smov.u32 s3  }
0x51: {  	v4 =	vand.u32 $0xFFFFFF00, v17;
	v35 =	vand.u32 $0xFE, v16;
	v16 =	vshll.u32 v28, $0x1  }
0x52: {  	v36 =	vshrl.u32 v17, $0x7;
	v37 =	vand.u32 $0xFE, v16;
	v16 =	vshll.u32 v30, $0x1  }
0x53: {  	v38 =	vand.u32 $0xFFFFFF00, v15;
	v39 =	vand.u32 $0xFE, v16;
	v16 =	vshll.u32 v29, $0x1  }
0x54: {  	v17 =	vand.u32 $0xFFFFFF00, v6;
	v18 =	vshll.u32 v6, $0x1;
	v40 =	vand.u32 $0xFE, v16  }
0x55: {  	v42 =	vshrl.u32 v15, $0x7;
	v41 =	vshrl.u32 v6, $0x7;
	v16 =	vand.u32 $0xFE, v18  }
0x56: {  	v43 =	vshrl.u32 v14, $0x7;
	v44 =	vand.u32 $0xFFFFFF00, v22;
	v6 =	vand.u32 $0xFFFFFF00, v14  }
0x57: {  	v22 =	vshrl.u32 v22, $0x7;
	v45 =	vand.u32 $0xFFFFFF00, v23;
	v23 =	vshrl.u32 v23, $0x7  }
0x58: {  	v46 =	vand.u32 $0xFFFFFF00, v20;
	v20 =	vshrl.u32 v20, $0x7;
	v47 =	vand.u32 $0xFFFFFF00, v24  }
0x59: {  	v48 =	vshrl.u32 v24, $0x7;
	v24 =	vand.u32 $0xFFFFFF00, v26;
	v49 =	vshrl.u32 v26, $0x7  }
0x5a: {  	v26 =	vand.u32 $0xFFFFFF00, v28;
	v50 =	vshrl.u32 v28, $0x7;
	v28 =	vand.u32 $0xFFFFFF00, v30  }
0x5b: {  	v51 =	vshrl.u32 v30, $0x7;
	v30 =	vand.u32 $0xFFFFFF00, v29;
	v52 =	vshrl.u32 v29, $0x7  }
0x5c: {  	v18 =	vor.u32 v10, v11;
	v16 =	vor.u32 v17, v16;
	v17 =	vor.u32 v8, v12  }
0x5d: {  	v15 =	vor.u32 v32, v19;
	v14 =	vor.u32 v4, v13;
	v13 =	vor.u32 v38, v21  }
0x5e: {  	v11 =	vor.u32 v44, v25;
	v10 =	vor.u32 v45, v7;
	v12 =	vor.u32 v6, v9  }
0x5f: {  	v7 =	vor.u32 v24, v35;
	v9 =	vor.u32 v46, v33;
	v8 =	vor.u32 v47, v5  }
0x60: {  	v4 =	vor.u32 v30, v40;
	v6 =	vor.u32 v26, v37;
	v5 =	vor.u32 v28, v39  }
.Ltmp0:
0x61: {  	v31 =	vand.u32 $0x1, v31;
	v32 =	vand.u32 $0x1, v41;
	v33 =	vand.u32 $0x1, v27;
	(pc) =	sbr.rel @p0 .LBB2_2-.Ltmp0, $4  }
0x62: {  	v29 =	vand.u32 $0x1, v36;
	v30 =	vand.u32 $0x1, v34;
	v28 =	vand.u32 $0x1, v42  }
0x63: {  	v25 =	vand.u32 $0x1, v23;
	v27 =	vand.u32 $0x1, v43;
	v26 =	vand.u32 $0x1, v22  }
0x64: {  	v24 =	vand.u32 $0x1, v20;
	v23 =	vand.u32 $0x1, v48;
	v22 =	vand.u32 $0x1, v49  }
0x65: {  	s3 =	sadd.s32 $0x100, s3;
	v21 =	vand.u32 $0x1, v50;
	v19 =	vand.u32 $0x1, v52;
	v20 =	vand.u32 $0x1, v51  }
0x66: {  	v16 =	vor.u32 v32, v16  }
0x67: {  	v18 =	vor.u32 v33, v18;
	[tilespmem:s0+$0xFFFFFF80] =	vst v16  }
0x68: {  	v63 =	vor.u32 v31, v17;
	[tilespmem:s0+$0xFFFFFF90] =	vst v18  }
0x69: {  	v15 =	vor.u32 v30, v15;
	[tilespmem:s0+$0xFFFFFFA0] =	vst v63  }
0x6a: {  	v14 =	vor.u32 v29, v14;
	[tilespmem:s0+$0xFFFFFFB0] =	vst v15  }
0x6b: {  	v13 =	vor.u32 v28, v13;
	[tilespmem:s0+$0xFFFFFFC0] =	vst v14  }
0x6c: {  	v12 =	vor.u32 v27, v12;
	[tilespmem:s0+$0xFFFFFFD0] =	vst v13  }
0x6d: {  	v11 =	vor.u32 v26, v11;
	[tilespmem:s0+$0xFFFFFFE0] =	vst v12  }
0x6e: {  	v10 =	vor.u32 v25, v10;
	[tilespmem:s0+$0xFFFFFFF0] =	vst v11  }
0x6f: {  	v9 =	vor.u32 v24, v9;
	[tilespmem:s0+$0x0] =	vst v10  }
0x70: {  	v8 =	vor.u32 v23, v8;
	[tilespmem:s0+$0x10] =	vst v9  }
0x71: {  	v7 =	vor.u32 v22, v7;
	[tilespmem:s0+$0x20] =	vst v8  }
0x72: {  	v6 =	vor.u32 v21, v6;
	[tilespmem:s0+$0x30] =	vst v7  }
0x73: {  	v5 =	vor.u32 v20, v5;
	[tilespmem:s0+$0x40] =	vst v6  }
0x74: {  	v4 =	vor.u32 v19, v4;
	[tilespmem:s0+$0x50] =	vst v5  }
0x75: {  	[tilespmem:s0+$0x60] =	vst v4  }
0x76: {  	[tilespmem:s10], [sflag:$0x1] =	stream.indirect.gather [hbm4b:s4+s9], $0x40, s30, s9, $0xb8;
	[tilespmem:$0x1A400] =	vst v63  }
0x77: {  	_ = 	snop  }
0x78: {  	[tilespmem:s11], [sflag:$0x1] =	stream.indirect.gather [hbm4b:s4+s9], $0x40, s9, s9, $0xb8;
	[tilespmem:$0x1A400] =	vst v63  }
0x79: {  	s12 =	simm.s32 $0x100  }
0x7a: {  	[tilespmem:s13], [sflag:$0x1] =	stream.indirect.gather [hbm4b:s4+s9], $0x40, s12, s9, $0xb8;
	[tilespmem:$0x1A400] =	vst v63  }
0x7b: {  	s14 =	simm.s32 $0x180;
	s31 =	simm.s32 $0x0  }
0x7c: {  	[tilespmem:s15], [sflag:$0x1] =	stream.indirect.gather [hbm4b:s4+s9], $0x40, s14, s9, $0xb8;
	[tilespmem:$0x1A400] =	vst v63  }
.LBB2_4:
0x7d: {  	s0 =	sshllo.u32 s31, $0x1  }
0x7e: {  	s1 =	sshll.u32 s0, $0x9  }
0x7f: {  	s1 =	sand.u32 $0x3FFFFE00, s1  }
0x80: {  	[tilespmem:s16], [sflag:$0x2] =	stream.indirect.gather [hbm4b:s4+s9], $0x40, s1, s9, $0xb8;
	[tilespmem:$0x1A400] =	vst v63  }
0x81: {  	s3 =	sor.u32 $0x80, s1  }
0x82: {  	[tilespmem:s17], [sflag:$0x2] =	stream.indirect.gather [hbm4b:s4+s9], $0x40, s3, s9, $0xb8;
	[tilespmem:$0x1A400] =	vst v63  }
0x83: {  	s14 =	sor.u32 $0x100, s1  }
0x84: {  	[tilespmem:s18], [sflag:$0x2] =	stream.indirect.gather [hbm4b:s4+s9], $0x40, s14, s9, $0xb8;
	[tilespmem:$0x1A400] =	vst v63  }
0x85: {  	s1 =	sor.u32 $0x180, s1  }
0x86: {  	[tilespmem:s19], [sflag:$0x2] =	stream.indirect.gather [hbm4b:s4+s9], $0x40, s1, s9, $0xb8;
	[tilespmem:$0x1A400] =	vst v63  }
0x87: {  	_ =	swait.ge [sflag:s20], $0x8000  }
0x88: {  	p0 =	seq.s32 s31, $0x0;
	[sflag:s20] =	ssyncset.done $0x0  }
0x89: {  	s1 =	simm.s32 @!p0 $0x3;
	[sflag:s20] =	ssyncadd.s32 $0xFFFF8000  }
0x8a: {  	_ =	swait.ge @!p0 [sflag:s1], $0x2000  }
0x8b: {  	[sflag:s1] =	ssyncset.done @!p0 $0x0  }
0x8c: {  	[sflag:s1] =	ssyncadd.s32 @!p0 $0xFFFFE000;
	s1 =	simm.s32 $0x6400  }
0x8d: {  	v4 =	vld [tilespmem:s1+$0xC0]  }
0x8e: {  	v5 =	vld [tilespmem:s1+$0x20C0]  }
0x8f: {  	s6 =	simm.s32 $0x3  }
0x90: {  	v6 =	vmov s6;
	v7 =	vld [tilespmem:s1+$0x40C0]  }
0x91: {  	v6 =	vand.u32 $0x7F, v6;
	v8 =	vld [tilespmem:s1+$0x0]  }
0x92: {  	v10 =	vbroadcast v6, $0x0;
	v9 =	vld [tilespmem:s1+$0x60C0]  }
0x93: {  	v6 =	vld [tilespmem:s1+$0x2000];
	v4 =	vadd.f32 v5, v4  }
0x94: {  	v11 =	vld [tilespmem:s1+$0x40];
	v5 =	vor.u32 v0, v10  }
0x95: {  	v12 =	vld [tilespmem:s1+$0x2040];
	v4 =	vadd.f32 v7, v4  }
0x96: {  	v13 =	vld [tilespmem:s1+$0x2080]  }
0x97: {  	v14 =	vld [tilespmem:s1+$0x4040];
	v4 =	vadd.f32 v9, v4  }
0x98: {  	v17 =	vld [tilespmem:s1+$0x6000]  }
0x99: {  	v9 =	vld [tilespmem:s1+$0x4000];
	[tilespmem:v5+s21+$0x0] =	vst.idx.msk $0xffff, v4  }
0x9a: {  	v4 =	vmov s30;
	v15 =	vld [tilespmem:s1+$0xD0]  }
0x9b: {  	s7 =	simm.s32 $0x1;
	v4 =	vand.u32 $0x7C, v4;
	v16 =	vld [tilespmem:s1+$0x20D0]  }
0x9c: {  	v18 =	vld [tilespmem:s1+$0x6040];
	v5 =	vbroadcast v4, $0x0;
	v4 =	vmov s7  }
0x9d: {  	v6 =	vadd.f32 v6, v8;
	v8 =	vld [tilespmem:s1+$0x40D0];
	v4 =	vand.u32 $0x7D, v4  }
0x9e: {  	v11 =	vadd.f32 v12, v11;
	v7 =	vld [tilespmem:s1+$0x80];
	v12 =	vor.u32 v0, v5;
	v4 =	vbroadcast v4, $0x0  }
0x9f: {  	v6 =	vadd.f32 v9, v6;
	v9 =	vld [tilespmem:s1+$0x60D0]  }
0xa0: {  	s12 =	simm.s32 $0x2;
	v11 =	vadd.f32 v14, v11;
	v14 =	vor.u32 v0, v4;
	v15 =	vadd.f32 v16, v15  }
0xa1: {  	v19 =	vmov s12;
	v20 =	vor.u32 v1, v10;
	v52 =	vld [tilespmem:s1+$0x4080];
	v17 =	vadd.f32 v17, v6  }
0xa2: {  	v6 =	vand.u32 $0x7E, v19;
	v8 =	vadd.f32 v8, v15  }
0xa3: {  	v11 =	vadd.f32 v18, v11;
	v6 =	vbroadcast v6, $0x0;
	v15 =	vld [tilespmem:s1+$0x6080];
	[tilespmem:v12+s21+$0x0] =	vst.idx.msk $0xffff, v17  }
0xa4: {  	v7 =	vadd.f32 v13, v7;
	v12 =	vld [tilespmem:s1+$0x10];
	v8 =	vadd.f32 v9, v8  }
0xa5: {  	v9 =	vor.u32 v0, v6;
	v13 =	vld [tilespmem:s1+$0x2010];
	[tilespmem:v14+s21+$0x0] =	vst.idx.msk $0xffff, v11  }
0xa6: {  	v7 =	vadd.f32 v52, v7;
	v11 =	vld [tilespmem:s1+$0x50];
	[tilespmem:v20+s21+$0x0] =	vst.idx.msk $0xffff, v8  }
0xa7: {  	v8 =	vld [tilespmem:s1+$0xE0]  }
0xa8: {  	v7 =	vadd.f32 v15, v7;
	v14 =	vld [tilespmem:s1+$0x20E0]  }
0xa9: {  	v15 =	vld [tilespmem:s1+$0x2050]  }
0xaa: {  	[tilespmem:v9+s21+$0x0] =	vst.idx.msk $0xffff, v7;
	v7 =	vld [tilespmem:s1+$0x40E0]  }
0xab: {  	v53 =	vld [tilespmem:s1+$0x60E0]  }
0xac: {  	v12 =	vadd.f32 v13, v12;
	v13 =	vld [tilespmem:s1+$0x4050]  }
0xad: {  	v8 =	vadd.f32 v14, v8;
	v14 =	vld [tilespmem:s1+$0x4010]  }
0xae: {  	v55 =	vor.u32 v2, v10;
	v9 =	vld [tilespmem:s1+$0x90]  }
0xaf: {  	v7 =	vadd.f32 v7, v8;
	v8 =	vld [tilespmem:s1+$0x6010]  }
0xb0: {  	v54 =	vld [tilespmem:s1+$0x2090]  }
0xb1: {  	v57 =	vor.u32 v1, v5;
	v56 =	vld [tilespmem:s1+$0x4090];
	v7 =	vadd.f32 v53, v7  }
0xb2: {  	v12 =	vadd.f32 v14, v12;
	v14 =	vld [tilespmem:s1+$0x6050]  }
0xb3: {  	[tilespmem:v55+s21+$0x0] =	vst.idx.msk $0xffff, v7;
	v7 =	vld [tilespmem:s1+$0x6090]  }
0xb4: {  	v11 =	vadd.f32 v15, v11;
	v15 =	vld [tilespmem:s1+$0xF0];
	v8 =	vadd.f32 v8, v12  }
0xb5: {  	v12 =	vor.u32 v1, v4;
	v18 =	vld [tilespmem:s1+$0x20F0]  }
0xb6: {  	v11 =	vadd.f32 v13, v11;
	v13 =	vld [tilespmem:s1+$0x40F0];
	[tilespmem:v57+s21+$0x0] =	vst.idx.msk $0xffff, v8  }
0xb7: {  	v8 =	vadd.f32 v54, v9;
	v9 =	vld [tilespmem:s1+$0x20]  }
0xb8: {  	v58 =	vor.u32 v1, v6;
	v11 =	vadd.f32 v14, v11;
	v14 =	vld [tilespmem:s1+$0x2020]  }
0xb9: {  	v59 =	vld [tilespmem:s1+$0x60F0];
	v8 =	vadd.f32 v56, v8  }
0xba: {  	[tilespmem:v12+s21+$0x0] =	vst.idx.msk $0xffff, v11;
	v11 =	vld [tilespmem:s1+$0x4020]  }
0xbb: {  	v12 =	vld [tilespmem:s1+$0x6020];
	v7 =	vadd.f32 v7, v8  }
0xbc: {  	v8 =	vld [tilespmem:s1+$0x60]  }
0xbd: {  	[tilespmem:v58+s21+$0x0] =	vst.idx.msk $0xffff, v7;
	v7 =	vld [tilespmem:s1+$0x2060];
	v9 =	vadd.f32 v14, v9  }
0xbe: {  	v60 =	vor.u32 v2, v5;
	v14 =	vld [tilespmem:s1+$0xA0]  }
0xbf: {  	v61 =	vld [tilespmem:s1+$0x20A0];
	v9 =	vadd.f32 v11, v9  }
0xc0: {  	v11 =	vld [tilespmem:s1+$0x4060]  }
0xc1: {  	v9 =	vadd.f32 v12, v9;
	v12 =	vld [tilespmem:s1+$0x40A0]  }
0xc2: {  	v15 =	vadd.f32 v18, v15;
	v62 =	vld [tilespmem:s1+$0x6060]  }
0xc3: {  	v10 =	vor.u32 v3, v10;
	v63 =	vld [tilespmem:s1+$0x60A0];
	v7 =	vadd.f32 v7, v8;
	[tilespmem:v60+s21+$0x0] =	vst.idx.msk $0xffff, v9  }
0xc4: {  	v8 =	vadd.f32 v13, v15;
	v9 =	vadd.f32 v61, v14;
	v14 =	vor.u32 v2, v4;
	v15 =	vld [tilespmem:s1+$0x30]  }
0xc5: {  	s12 =	simm.s32 $0x6500;
	v7 =	vadd.f32 v11, v7;
	v11 =	vor.u32 v2, v6;
	v16 =	vld [tilespmem:s1+$0x2030]  }
0xc6: {  	v13 =	vld [tilespmem:s12+$0x20C0];
	v17 =	vadd.f32 v59, v8;
	v9 =	vadd.f32 v12, v9  }
0xc7: {  	v8 =	vld [tilespmem:s12+$0xC0];
	v7 =	vadd.f32 v62, v7  }
0xc8: {  	s14 =	simm.s32 $0x7;
	[tilespmem:v10+s21+$0x0] =	vst.idx.msk $0xffff, v17;
	v12 =	vld [tilespmem:s12+$0x2000];
	v10 =	vadd.f32 v63, v9  }
0xc9: {  	[tilespmem:v14+s21+$0x0] =	vst.idx.msk $0xffff, v7;
	v7 =	vmov s14;
	v14 =	vld [tilespmem:s12+$0x40C0]  }
0xca: {  	s6 =	simm.s32 $0x8;
	s3 =	simm.s32 $0x4;
	v9 =	vld [tilespmem:s12+$0x0];
	s14 =	sshll.u32 s31, $0x1;
	[tilespmem:v11+s21+$0x0] =	vst.idx.msk $0xffff, v10;
	v10 =	vand.u32 $0x7F, v7;
	v7 =	vadd.f32 v16, v15  }
.LBB2_5:
0xcb: {  	p1 =	slt.u32 s6, $0x7C;
	v15 =	vld [tilespmem:s12+$0x60C0];
	v11 =	vbroadcast v10, $0x0  }
0xcc: {  	v10 =	vld [tilespmem:s12+$0x40];
	v8 =	vadd.f32 v13, v8  }
0xcd: {  	v13 =	vld [tilespmem:s12+$0x2040];
	v16 =	vor.u32 v0, v11  }
0xce: {  	v17 =	vld [tilespmem:s12+$0x80];
	v8 =	vadd.f32 v14, v8  }
0xcf: {  	v9 =	vadd.f32 v12, v9;
	v12 =	vld [tilespmem:s12+$0x2080]  }
0xd0: {  	v14 =	vld [tilespmem:s12+$0x4000];
	v8 =	vadd.f32 v15, v8  }
0xd1: {  	v15 =	vld [tilespmem:s12+$0x4040]  }
0xd2: {  	v10 =	vadd.f32 v13, v10;
	v13 =	vld [tilespmem:s12+$0x4080];
	[tilespmem:v16+s21+$0x0] =	vst.idx.msk $0xffff, v8  }
0xd3: {  	v8 =	vmov s3;
	v16 =	vld [tilespmem:s12+$0xD0]  }
0xd4: {  	s7 =	sadd.s32 $0x1, s3;
	v8 =	vand.u32 $0x7C, v8;
	v12 =	vadd.f32 v12, v17;
	v17 =	vld [tilespmem:s12+$0x20D0]  }
0xd5: {  	v8 =	vbroadcast v8, $0x0;
	v14 =	vadd.f32 v14, v9;
	v18 =	vld [tilespmem:s12+$0x6000];
	v9 =	vmov s7;
	s7 =	sadd.s32 $0x2, s3;
	s3 =	smov.u32 s6  }
0xd6: {  	v15 =	vadd.f32 v15, v10;
	v9 =	vand.u32 $0x7D, v9;
	v10 =	vmov s7;
	v19 =	vld [tilespmem:s12+$0x40D0]  }
0xd7: {  	v20 =	vor.u32 v0, v8;
	v21 =	vld [tilespmem:s12+$0x6040];
	v9 =	vbroadcast v9, $0x0;
	v12 =	vadd.f32 v13, v12  }
0xd8: {  	v10 =	vand.u32 $0x7E, v10;
	v13 =	vld [tilespmem:s12+$0x60D0]  }
0xd9: {  	v10 =	vbroadcast v10, $0x0;
	v22 =	vor.u32 v0, v9;
	v23 =	vld [tilespmem:s12+$0x6080];
	v16 =	vadd.f32 v17, v16  }
0xda: {  	v17 =	vor.u32 v1, v11;
	v14 =	vadd.f32 v18, v14;
	v18 =	vld [tilespmem:s1+$0x70]  }
0xdb: {  	v24 =	vor.u32 v0, v10;
	v16 =	vadd.f32 v19, v16;
	v19 =	vld [tilespmem:s1+$0x2070]  }
0xdc: {  	[tilespmem:v20+s21+$0x0] =	vst.idx.msk $0xffff, v14;
	v14 =	vadd.f32 v21, v15;
	v15 =	vld [tilespmem:s1+$0xB0]  }
0xdd: {  	v20 =	vld [tilespmem:s12+$0x10];
	v13 =	vadd.f32 v13, v16  }
0xde: {  	v16 =	vld [tilespmem:s12+$0x2010];
	[tilespmem:v22+s21+$0x0] =	vst.idx.msk $0xffff, v14;
	v12 =	vadd.f32 v23, v12  }
0xdf: {  	v14 =	vld [tilespmem:s12+$0x50];
	[tilespmem:v17+s21+$0x0] =	vst.idx.msk $0xffff, v13  }
0xe0: {  	[tilespmem:v24+s21+$0x0] =	vst.idx.msk $0xffff, v12;
	v12 =	vld [tilespmem:s12+$0xE0];
	v13 =	vadd.f32 v19, v18  }
0xe1: {  	v17 =	vld [tilespmem:s12+$0x20E0]  }
0xe2: {  	v18 =	vld [tilespmem:s12+$0x2050]  }
0xe3: {  	v16 =	vadd.f32 v16, v20;
	v19 =	vld [tilespmem:s12+$0x40E0]  }
0xe4: {  	v20 =	vld [tilespmem:s12+$0x90]  }
0xe5: {  	v21 =	vld [tilespmem:s12+$0x60E0]  }
0xe6: {  	v22 =	vld [tilespmem:s12+$0x2090];
	v12 =	vadd.f32 v17, v12  }
0xe7: {  	v17 =	vld [tilespmem:s12+$0x4010];
	v14 =	vadd.f32 v18, v14;
	v18 =	vor.u32 v2, v11  }
0xe8: {  	v23 =	vld [tilespmem:s12+$0x4050];
	v12 =	vadd.f32 v19, v12  }
0xe9: {  	v19 =	vld [tilespmem:s12+$0x4090]  }
0xea: {  	v24 =	vld [tilespmem:s12+$0x6010];
	v12 =	vadd.f32 v21, v12  }
0xeb: {  	v21 =	vld [tilespmem:s12+$0x6050];
	v20 =	vadd.f32 v22, v20  }
0xec: {  	v16 =	vadd.f32 v17, v16;
	v17 =	vor.u32 v1, v8;
	v22 =	vld [tilespmem:s12+$0x6090];
	[tilespmem:v18+s21+$0x0] =	vst.idx.msk $0xffff, v12  }
0xed: {  	v12 =	vadd.f32 v23, v14;
	v14 =	vor.u32 v1, v9;
	v18 =	vld [tilespmem:s12+$0xF0]  }
0xee: {  	v19 =	vadd.f32 v19, v20;
	v20 =	vor.u32 v1, v10;
	v23 =	vld [tilespmem:s12+$0x20F0]  }
0xef: {  	v16 =	vadd.f32 v24, v16;
	v24 =	vld [tilespmem:s1+$0x20B0]  }
0xf0: {  	v12 =	vadd.f32 v21, v12;
	v21 =	vld [tilespmem:s12+$0x40F0]  }
0xf1: {  	[tilespmem:v17+s21+$0x0] =	vst.idx.msk $0xffff, v16;
	v16 =	vadd.f32 v22, v19;
	v17 =	vld [tilespmem:s1+$0x4030]  }
0xf2: {  	[tilespmem:v14+s21+$0x0] =	vst.idx.msk $0xffff, v12;
	v12 =	vld [tilespmem:s12+$0x60F0]  }
0xf3: {  	v14 =	vld [tilespmem:s12+$0x20];
	[tilespmem:v20+s21+$0x0] =	vst.idx.msk $0xffff, v16;
	v16 =	vadd.f32 v23, v18  }
0xf4: {  	v11 =	vor.u32 v3, v11;
	v18 =	vld [tilespmem:s12+$0x2020];
	v15 =	vadd.f32 v24, v15  }
0xf5: {  	v19 =	vld [tilespmem:s12+$0x60];
	v16 =	vadd.f32 v21, v16  }
0xf6: {  	v20 =	vld [tilespmem:s12+$0x2060];
	v7 =	vadd.f32 v17, v7  }
0xf7: {  	v17 =	vld [tilespmem:s12+$0xA0];
	v12 =	vadd.f32 v12, v16  }
0xf8: {  	v16 =	vld [tilespmem:s12+$0x20A0]  }
0xf9: {  	v14 =	vadd.f32 v18, v14;
	v18 =	vld [tilespmem:s12+$0x4020];
	[tilespmem:v11+s21+$0x0] =	vst.idx.msk $0xffff, v12  }
0xfa: {  	v11 =	vld [tilespmem:s12+$0x4060]  }
0xfb: {  	v12 =	vadd.f32 v20, v19;
	v19 =	vld [tilespmem:s12+$0x40A0]  }
0xfc: {  	v20 =	vld [tilespmem:s12+$0x6020]  }
0xfd: {  	v21 =	vld [tilespmem:s12+$0x6060];
	v16 =	vadd.f32 v16, v17  }
0xfe: {  	v17 =	vor.u32 v2, v8;
	v14 =	vadd.f32 v18, v14;
	v18 =	vld [tilespmem:s12+$0x60A0]  }
0xff: {  	v11 =	vadd.f32 v11, v12;
	v12 =	vor.u32 v2, v9;
	v22 =	vld [tilespmem:s1+$0x4070]  }
0x100: {  	v16 =	vadd.f32 v19, v16;
	v19 =	vor.u32 v2, v10;
	v23 =	vld [tilespmem:s1+$0x40B0]  }
0x101: {  	v14 =	vadd.f32 v20, v14;
	v20 =	vld [tilespmem:s1+$0x6030]  }
0x102: {  	v11 =	vadd.f32 v21, v11;
	v21 =	vld [tilespmem:s1+$0x6070]  }
0x103: {  	[tilespmem:v17+s21+$0x0] =	vst.idx.msk $0xffff, v14;
	v14 =	vadd.f32 v18, v16;
	v16 =	vor.u32 v3, v5;
	v17 =	vld [tilespmem:s1+$0x60B0];
	v5 =	vmov v8;
	s1 =	smov.u32 s12  }
0x104: {  	v18 =	vld [tilespmem:s12+$0x30];
	[tilespmem:v12+s21+$0x0] =	vst.idx.msk $0xffff, v11;
	v11 =	vadd.f32 v22, v13;
	v12 =	vor.u32 v3, v4;
	v4 =	vmov v9  }
0x105: {  	s12 =	sadd.s32 $0x100, s12;
	v22 =	vld [tilespmem:s1+$0x2030];
	[tilespmem:v19+s21+$0x0] =	vst.idx.msk $0xffff, v14;
	v14 =	vadd.f32 v23, v15;
	v15 =	vor.u32 v3, v6;
	v6 =	vmov v10  }
.Ltmp1:
0x106: {  	v8 =	vld [tilespmem:s12+$0xC0];
	v7 =	vadd.f32 v20, v7;
	(pc) =	sbr.rel @p1 .LBB2_5-.Ltmp1, $4  }
0x107: {  	v13 =	vld [tilespmem:s12+$0x20C0];
	v10 =	vadd.f32 v21, v11  }
0x108: {  	s7 =	sadd.s32 $0x3, s6;
	v9 =	vld [tilespmem:s12+$0x0];
	[tilespmem:v16+s21+$0x0] =	vst.idx.msk $0xffff, v7;
	v11 =	vadd.f32 v17, v14  }
0x109: {  	v7 =	vmov s7;
	v14 =	vld [tilespmem:s12+$0x40C0];
	[tilespmem:v12+s21+$0x0] =	vst.idx.msk $0xffff, v10  }
0x10a: {  	s6 =	sadd.s32 $0x4, s6;
	v10 =	vand.u32 $0x7F, v7;
	v12 =	vld [tilespmem:s12+$0x2000];
	v7 =	vadd.f32 v22, v18;
	[tilespmem:v15+s21+$0x0] =	vst.idx.msk $0xffff, v11  }
0x10b: {  	v11 =	vld [tilespmem:s12+$0x60C0]  }
0x10c: {  	v15 =	vld [tilespmem:s12+$0x40]  }
0x10d: {  	v31 =	vld [tilespmem:s12+$0x2040]  }
0x10e: {  	v17 =	vld [tilespmem:s12+$0x80]  }
0x10f: {  	v32 =	vld [tilespmem:s12+$0x2080]  }
0x110: {  	v18 =	vld [tilespmem:s12+$0x4000]  }
0x111: {  	v33 =	vld [tilespmem:s12+$0x4040]  }
0x112: {  	v19 =	vld [tilespmem:s12+$0x4080]  }
0x113: {  	v10 =	vbroadcast v10, $0x0;
	v21 =	vld [tilespmem:s12+$0x6000]  }
0x114: {  	v23 =	vld [tilespmem:s12+$0x6040];
	v8 =	vadd.f32 v13, v8  }
0x115: {  	s6 =	sadd.s32 $0x1, s3;
	v24 =	vld [tilespmem:s12+$0x6080];
	v16 =	vor.u32 v0, v10  }
0x116: {  	v25 =	vld [tilespmem:s1+$0x70];
	v22 =	vmov s6;
	v8 =	vadd.f32 v14, v8  }
0x117: {  	v57 =	vld [tilespmem:s1+$0x20B0];
	v35 =	vand.u32 $0x7D, v22;
	v12 =	vadd.f32 v12, v9  }
0x118: {  	v28 =	vld [tilespmem:s1+$0x4030];
	v9 =	vbroadcast v35, $0x0;
	v8 =	vadd.f32 v11, v8;
	v13 =	vadd.f32 v31, v15  }
0x119: {  	v22 =	vld [tilespmem:s1+$0x2070]  }
0x11a: {  	v39 =	vor.u32 v0, v9;
	[tilespmem:v16+s21+$0x0] =	vst.idx.msk $0xffff, v8;
	v11 =	vadd.f32 v33, v13;
	v33 =	vld [tilespmem:s1+$0x6070]  }
0x11b: {  	v34 =	vmov s3;
	v14 =	vadd.f32 v32, v17;
	v16 =	vld [tilespmem:s12+$0xD0]  }
0x11c: {  	v8 =	vand.u32 $0x7C, v34;
	v20 =	vld [tilespmem:s12+$0x20D0]  }
0x11d: {  	v44 =	vadd.f32 v19, v14;
	v8 =	vbroadcast v8, $0x0;
	v36 =	vld [tilespmem:s12+$0x40D0];
	v11 =	vadd.f32 v23, v11  }
0x11e: {  	v38 =	vld [tilespmem:s12+$0x60D0]  }
0x11f: {  	v37 =	vor.u32 v0, v8;
	[tilespmem:v39+s21+$0x0] =	vst.idx.msk $0xffff, v11;
	v11 =	vadd.f32 v24, v44;
	v44 =	vld [tilespmem:s1+$0x6030]  }
0x120: {  	v12 =	vadd.f32 v18, v12;
	v13 =	vld [tilespmem:s12+$0x50]  }
0x121: {  	v46 =	vld [tilespmem:s12+$0x2050]  }
0x122: {  	v12 =	vadd.f32 v21, v12;
	v26 =	vld [tilespmem:s12+$0x4050]  }
0x123: {  	v52 =	vld [tilespmem:s12+$0x6050]  }
0x124: {  	v16 =	vadd.f32 v20, v16;
	[tilespmem:v37+s21+$0x0] =	vst.idx.msk $0xffff, v12;
	v12 =	vld [tilespmem:s1+$0xB0]  }
0x125: {  	s7 =	sadd.s32 $0x2, s3;
	v41 =	vor.u32 v1, v10;
	v15 =	vld [tilespmem:s12+$0x10]  }
0x126: {  	v40 =	vmov s7;
	v16 =	vadd.f32 v36, v16;
	v43 =	vld [tilespmem:s12+$0x2010]  }
0x127: {  	v20 =	vand.u32 $0x7E, v40;
	v49 =	vld [tilespmem:s12+$0x4010]  }
0x128: {  	v20 =	vbroadcast v20, $0x0;
	v27 =	vld [tilespmem:s12+$0x6010];
	v16 =	vadd.f32 v38, v16  }
0x129: {  	v13 =	vadd.f32 v46, v13;
	v46 =	vld [tilespmem:s1+$0x60B0]  }
0x12a: {  	v42 =	vor.u32 v0, v20;
	[tilespmem:v41+s21+$0x0] =	vst.idx.msk $0xffff, v16;
	v41 =	vld [tilespmem:s1+$0x4070]  }
0x12b: {  	v45 =	vld [tilespmem:s12+$0xE0]  }
0x12c: {  	v16 =	vld [tilespmem:s12+$0x20E0]  }
0x12d: {  	v47 =	vld [tilespmem:s12+$0x40E0]  }
0x12e: {  	v56 =	vor.u32 v1, v9;
	v21 =	vld [tilespmem:s12+$0x60E0]  }
0x12f: {  	v13 =	vadd.f32 v26, v13;
	[tilespmem:v42+s21+$0x0] =	vst.idx.msk $0xffff, v11;
	v15 =	vadd.f32 v43, v15;
	v43 =	vld [tilespmem:s1+$0x40B0]  }
0x130: {  	v17 =	vld [tilespmem:s12+$0x90]  }
0x131: {  	v54 =	vor.u32 v1, v8;
	v13 =	vadd.f32 v52, v13;
	v48 =	vld [tilespmem:s12+$0x2090]  }
0x132: {  	v51 =	vld [tilespmem:s12+$0x4090];
	v15 =	vadd.f32 v49, v15  }
0x133: {  	v53 =	vld [tilespmem:s12+$0x6090];
	[tilespmem:v56+s21+$0x0] =	vst.idx.msk $0xffff, v13  }
0x134: {  	v62 =	vld [tilespmem:s12+$0x60];
	v15 =	vadd.f32 v27, v15  }
0x135: {  	v63 =	vld [tilespmem:s12+$0x2060];
	v14 =	vadd.f32 v16, v45  }
0x136: {  	v50 =	vor.u32 v2, v10;
	v39 =	vld [tilespmem:s12+$0x4060];
	v17 =	vadd.f32 v48, v17;
	[tilespmem:v54+s21+$0x0] =	vst.idx.msk $0xffff, v15  }
0x137: {  	v59 =	vor.u32 v1, v20;
	v11 =	vadd.f32 v47, v14;
	v15 =	vld [tilespmem:s12+$0x20]  }
0x138: {  	v61 =	vld [tilespmem:s12+$0x2020];
	v14 =	vadd.f32 v51, v17  }
0x139: {  	v40 =	vld [tilespmem:s12+$0x6060];
	v11 =	vadd.f32 v21, v11  }
0x13a: {  	v38 =	vld [tilespmem:s12+$0x4020];
	v14 =	vadd.f32 v53, v14  }
0x13b: {  	v30 =	vld [tilespmem:s12+$0x6020];
	[tilespmem:v50+s21+$0x0] =	vst.idx.msk $0xffff, v11  }
0x13c: {  	v24 =	vld [tilespmem:s12+$0xF0];
	[tilespmem:v59+s21+$0x0] =	vst.idx.msk $0xffff, v14  }
0x13d: {  	v13 =	vadd.f32 v61, v15;
	v36 =	vld [tilespmem:s12+$0xA0]  }
0x13e: {  	v31 =	vor.u32 v2, v8;
	v37 =	vld [tilespmem:s12+$0x20A0]  }
0x13f: {  	v55 =	vld [tilespmem:s12+$0x20F0];
	v14 =	vadd.f32 v63, v62;
	v13 =	vadd.f32 v38, v13  }
0x140: {  	v42 =	vor.u32 v2, v9;
	v29 =	vld [tilespmem:s12+$0x40A0]  }
0x141: {  	v58 =	vld [tilespmem:s12+$0x40F0];
	v14 =	vadd.f32 v39, v14;
	v13 =	vadd.f32 v30, v13  }
0x142: {  	v32 =	vld [tilespmem:s12+$0x60A0]  }
0x143: {  	v60 =	vld [tilespmem:s12+$0x60F0];
	v14 =	vadd.f32 v40, v14;
	v18 =	vadd.f32 v37, v36;
	[tilespmem:v31+s21+$0x0] =	vst.idx.msk $0xffff, v13  }
0x144: {  	v45 =	vor.u32 v2, v20;
	v47 =	vld [tilespmem:s12+$0x30]  }
0x145: {  	[tilespmem:v42+s21+$0x0] =	vst.idx.msk $0xffff, v14;
	v49 =	vld [tilespmem:s12+$0x2030];
	v18 =	vadd.f32 v29, v18  }
0x146: {  	v19 =	vld [tilespmem:s12+$0x70]  }
0x147: {  	v50 =	vld [tilespmem:s12+$0x2070];
	v48 =	vadd.f32 v32, v18  }
0x148: {  	v5 =	vor.u32 v3, v5;
	v53 =	vld [tilespmem:s12+$0x4030]  }
0x149: {  	v7 =	vadd.f32 v28, v7;
	v16 =	vadd.f32 v55, v24;
	v54 =	vld [tilespmem:s12+$0x4070];
	[tilespmem:v45+s21+$0x0] =	vst.idx.msk $0xffff, v48  }
0x14a: {  	v10 =	vor.u32 v3, v10;
	v22 =	vadd.f32 v22, v25;
	v51 =	vld [tilespmem:s12+$0xB0]  }
0x14b: {  	v7 =	vadd.f32 v44, v7;
	v16 =	vadd.f32 v58, v16;
	v52 =	vld [tilespmem:s12+$0x20B0]  }
0x14c: {  	v4 =	vor.u32 v3, v4;
	v6 =	vor.u32 v3, v6;
	v12 =	vadd.f32 v57, v12;
	v57 =	vld [tilespmem:s12+$0x6030]  }
0x14d: {  	[tilespmem:v5+s21+$0x0] =	vst.idx.msk $0xffff, v7;
	v55 =	vadd.f32 v41, v22;
	v11 =	vadd.f32 v60, v16;
	v56 =	vld [tilespmem:s12+$0x40B0]  }
0x14e: {  	v12 =	vadd.f32 v43, v12;
	v59 =	vor.u32 v3, v8;
	v58 =	vld [tilespmem:s12+$0x6070];
	v15 =	vadd.f32 v49, v47  }
0x14f: {  	[tilespmem:v10+s21+$0x0] =	vst.idx.msk $0xffff, v11;
	v10 =	vadd.f32 v33, v55;
	v5 =	vadd.f32 v50, v19;
	v60 =	vld [tilespmem:s12+$0x60B0]  }
0x150: {  	v9 =	vor.u32 v3, v9;
	v15 =	vadd.f32 v53, v15;
	v61 =	vadd.f32 v52, v51  }
0x151: {  	v12 =	vadd.f32 v46, v12;
	v62 =	vor.u32 v3, v20;
	v5 =	vadd.f32 v54, v5  }
0x152: {  	p1 =	sne.s32 s31, $0x18;
	[tilespmem:v4+s21+$0x0] =	vst.idx.msk $0xffff, v10;
	s12 =	sadd.s32 s5, s14;
	v63 =	vadd.f32 v57, v15;
	v4 =	vadd.f32 v56, v61  }
.Ltmp2:
0x153: {  	[tilespmem:v6+s21+$0x0] =	vst.idx.msk $0xffff, v12;
	s14 =	sshll.u32 s12, $0x7;
	v5 =	vadd.f32 v58, v5;
	(pc) =	sbr.rel @p1 .LBB2_8-.Ltmp2, $4  }
0x154: {  	s1 =	sshll.u32 s12, $0xA;
	s3 =	sand.u32 $0x300, s14;
	[tilespmem:v59+s21+$0x0] =	vst.idx.msk $0xffff, v63;
	v4 =	vadd.f32 v60, v4  }
0x155: {  	s1 =	sand.u32 $0xFFFE000, s1;
	s3 =	sadd.s32 s2, s3;
	[tilespmem:v9+s21+$0x0] =	vst.idx.msk $0xffff, v5  }
0x156: {  	s1 =	sadd.s32 s1, s3;
	[tilespmem:v62+s21+$0x0] =	vst.idx.msk $0xffff, v4  }
0x157: {  	[hbm4b:s1+s22] =	stream.strided.scatter [tilespmem:s21], [sflag:$0x3], $0x2000, s23, s22, $0x38;
	[tilespmem:$0x1A400] =	vst v63  }
.Ltmp3:
0x158: {  	(pc) =	sbr.rel .LBB2_9-.Ltmp3, $4  }
0x159: {  	_ = 	snop  }
0x15a: {  	_ =	swait.ge [sflag:s24], $0x8000  }
0x15b: {  	[sflag:s24] =	ssyncset.done $0x0  }
0x15c: {  	[sflag:s24] =	ssyncadd.s32 $0xFFFF8000  }
.LBB2_8:
0x15d: {  	s1 =	sshll.u32 s31, $0xA  }
0x15e: {  	s1 =	sand.u32 $0x3FFFFC00, s1  }
0x15f: {  	s3 =	sadd.s32 $0x400, s1  }
0x160: {  	[tilespmem:s10], [sflag:$0x1] =	stream.indirect.gather [hbm4b:s4+s9], $0x40, s3, s9, $0xb8;
	[tilespmem:$0x1A400] =	vst v63  }
0x161: {  	s12 =	sadd.s32 $0x480, s1  }
0x162: {  	[tilespmem:s11], [sflag:$0x1] =	stream.indirect.gather [hbm4b:s4+s9], $0x40, s12, s9, $0xb8;
	[tilespmem:$0x1A400] =	vst v63  }
0x163: {  	s14 =	sadd.s32 $0x500, s1  }
0x164: {  	[tilespmem:s13], [sflag:$0x1] =	stream.indirect.gather [hbm4b:s4+s9], $0x40, s14, s9, $0xb8;
	[tilespmem:$0x1A400] =	vst v63  }
.Ltmp4:
0x165: {  	s1 =	sadd.s32 $0x580, s1;
	(pc) =	sbr.rel @p0 .LBB2_10-.Ltmp4, $4  }
0x166: {  	[tilespmem:s15], [sflag:$0x1] =	stream.indirect.gather [hbm4b:s4+s9], $0x40, s1, s9, $0xb8;
	[tilespmem:$0x1A400] =	vst v63  }
0x167: {  	_ =	swait.ge [sflag:s24], $0x8000  }
0x168: {  	[sflag:s24] =	ssyncset.done $0x0  }
0x169: {  	[sflag:s24] =	ssyncadd.s32 $0xFFFF8000  }
.LBB2_9:
0x16a: {  	_ =	swait.ge [sflag:s25], $0x2000  }
0x16b: {  	[sflag:s25] =	ssyncset.done $0x0  }
0x16c: {  	[sflag:s25] =	ssyncadd.s32 $0xFFFFE000  }
.LBB2_10:
0x16d: {  	s1 =	simm.s32 $0xE400  }
0x16e: {  	v4 =	vld [tilespmem:s1+$0xC0]  }
0x16f: {  	v5 =	vld [tilespmem:s1+$0x20C0]  }
0x170: {  	s3 =	simm.s32 $0x3  }
0x171: {  	v6 =	vmov s3;
	v7 =	vld [tilespmem:s1+$0x40C0]  }
0x172: {  	v8 =	vld [tilespmem:s1+$0x0];
	v6 =	vand.u32 $0x7F, v6  }
0x173: {  	v9 =	vld [tilespmem:s1+$0x60C0];
	v10 =	vbroadcast v6, $0x0  }
0x174: {  	v11 =	vld [tilespmem:s1+$0x40];
	v4 =	vadd.f32 v5, v4  }
0x175: {  	v12 =	vld [tilespmem:s1+$0x2040];
	v5 =	vor.u32 v0, v10  }
0x176: {  	v13 =	vld [tilespmem:s1+$0x2080];
	v4 =	vadd.f32 v7, v4  }
0x177: {  	v14 =	vld [tilespmem:s1+$0x4040]  }
0x178: {  	v17 =	vld [tilespmem:s1+$0x6000];
	v4 =	vadd.f32 v9, v4  }
0x179: {  	v6 =	vld [tilespmem:s1+$0x2000]  }
0x17a: {  	s6 =	simm.s32 $0x0;
	v9 =	vld [tilespmem:s1+$0x4000];
	[tilespmem:v5+s26+$0x0] =	vst.idx.msk $0xffff, v4  }
0x17b: {  	v4 =	vmov s6;
	v15 =	vld [tilespmem:s1+$0xD0]  }
0x17c: {  	s7 =	simm.s32 $0x1;
	v4 =	vand.u32 $0x7C, v4;
	v16 =	vld [tilespmem:s1+$0x20D0]  }
0x17d: {  	v18 =	vld [tilespmem:s1+$0x6040];
	v5 =	vbroadcast v4, $0x0;
	v4 =	vmov s7  }
0x17e: {  	v6 =	vadd.f32 v6, v8;
	v8 =	vld [tilespmem:s1+$0x40D0];
	v4 =	vand.u32 $0x7D, v4  }
0x17f: {  	v11 =	vadd.f32 v12, v11;
	v7 =	vld [tilespmem:s1+$0x80];
	v12 =	vor.u32 v0, v5;
	v4 =	vbroadcast v4, $0x0  }
0x180: {  	v6 =	vadd.f32 v9, v6;
	v9 =	vld [tilespmem:s1+$0x60D0]  }
0x181: {  	s12 =	simm.s32 $0x2;
	v11 =	vadd.f32 v14, v11;
	v14 =	vor.u32 v0, v4;
	v15 =	vadd.f32 v16, v15  }
0x182: {  	v52 =	vld [tilespmem:s1+$0x4080];
	v19 =	vmov s12;
	v20 =	vor.u32 v1, v10;
	v17 =	vadd.f32 v17, v6  }
0x183: {  	v6 =	vand.u32 $0x7E, v19;
	v8 =	vadd.f32 v8, v15  }
0x184: {  	v11 =	vadd.f32 v18, v11;
	v6 =	vbroadcast v6, $0x0;
	v15 =	vld [tilespmem:s1+$0x6080];
	[tilespmem:v12+s26+$0x0] =	vst.idx.msk $0xffff, v17  }
0x185: {  	v7 =	vadd.f32 v13, v7;
	v12 =	vld [tilespmem:s1+$0x10];
	v8 =	vadd.f32 v9, v8  }
0x186: {  	v9 =	vor.u32 v0, v6;
	v13 =	vld [tilespmem:s1+$0x2010];
	[tilespmem:v14+s26+$0x0] =	vst.idx.msk $0xffff, v11  }
0x187: {  	v7 =	vadd.f32 v52, v7;
	v11 =	vld [tilespmem:s1+$0x50];
	[tilespmem:v20+s26+$0x0] =	vst.idx.msk $0xffff, v8  }
0x188: {  	v8 =	vld [tilespmem:s1+$0xE0]  }
0x189: {  	v7 =	vadd.f32 v15, v7;
	v14 =	vld [tilespmem:s1+$0x20E0]  }
0x18a: {  	v15 =	vld [tilespmem:s1+$0x2050]  }
0x18b: {  	[tilespmem:v9+s26+$0x0] =	vst.idx.msk $0xffff, v7;
	v7 =	vld [tilespmem:s1+$0x40E0]  }
0x18c: {  	v53 =	vld [tilespmem:s1+$0x60E0]  }
0x18d: {  	v12 =	vadd.f32 v13, v12;
	v13 =	vld [tilespmem:s1+$0x4050]  }
0x18e: {  	v8 =	vadd.f32 v14, v8;
	v14 =	vld [tilespmem:s1+$0x4010]  }
0x18f: {  	v55 =	vor.u32 v2, v10;
	v9 =	vld [tilespmem:s1+$0x90]  }
0x190: {  	v7 =	vadd.f32 v7, v8;
	v8 =	vld [tilespmem:s1+$0x6010]  }
0x191: {  	v54 =	vld [tilespmem:s1+$0x2090]  }
0x192: {  	v57 =	vor.u32 v1, v5;
	v56 =	vld [tilespmem:s1+$0x4090];
	v7 =	vadd.f32 v53, v7  }
0x193: {  	v12 =	vadd.f32 v14, v12;
	v14 =	vld [tilespmem:s1+$0x6050]  }
0x194: {  	[tilespmem:v55+s26+$0x0] =	vst.idx.msk $0xffff, v7;
	v7 =	vld [tilespmem:s1+$0x6090]  }
0x195: {  	v11 =	vadd.f32 v15, v11;
	v15 =	vld [tilespmem:s1+$0xF0];
	v8 =	vadd.f32 v8, v12  }
0x196: {  	v12 =	vor.u32 v1, v4;
	v18 =	vld [tilespmem:s1+$0x20F0]  }
0x197: {  	v11 =	vadd.f32 v13, v11;
	v13 =	vld [tilespmem:s1+$0x40F0];
	[tilespmem:v57+s26+$0x0] =	vst.idx.msk $0xffff, v8  }
0x198: {  	v8 =	vadd.f32 v54, v9;
	v9 =	vld [tilespmem:s1+$0x20]  }
0x199: {  	v58 =	vor.u32 v1, v6;
	v11 =	vadd.f32 v14, v11;
	v14 =	vld [tilespmem:s1+$0x2020]  }
0x19a: {  	v59 =	vld [tilespmem:s1+$0x60F0];
	v8 =	vadd.f32 v56, v8  }
0x19b: {  	[tilespmem:v12+s26+$0x0] =	vst.idx.msk $0xffff, v11;
	v11 =	vld [tilespmem:s1+$0x4020]  }
0x19c: {  	v12 =	vld [tilespmem:s1+$0x6020];
	v7 =	vadd.f32 v7, v8  }
0x19d: {  	v8 =	vld [tilespmem:s1+$0x60]  }
0x19e: {  	[tilespmem:v58+s26+$0x0] =	vst.idx.msk $0xffff, v7;
	v7 =	vld [tilespmem:s1+$0x2060];
	v9 =	vadd.f32 v14, v9  }
0x19f: {  	v60 =	vor.u32 v2, v5;
	v14 =	vld [tilespmem:s1+$0xA0]  }
0x1a0: {  	v61 =	vld [tilespmem:s1+$0x20A0];
	v9 =	vadd.f32 v11, v9  }
0x1a1: {  	v11 =	vld [tilespmem:s1+$0x4060]  }
0x1a2: {  	v9 =	vadd.f32 v12, v9;
	v12 =	vld [tilespmem:s1+$0x40A0]  }
0x1a3: {  	v15 =	vadd.f32 v18, v15;
	v62 =	vld [tilespmem:s1+$0x6060]  }
0x1a4: {  	v10 =	vor.u32 v3, v10;
	v63 =	vld [tilespmem:s1+$0x60A0];
	v7 =	vadd.f32 v7, v8;
	[tilespmem:v60+s26+$0x0] =	vst.idx.msk $0xffff, v9  }
0x1a5: {  	v8 =	vadd.f32 v13, v15;
	v9 =	vadd.f32 v61, v14;
	v14 =	vor.u32 v2, v4;
	v15 =	vld [tilespmem:s1+$0x30]  }
0x1a6: {  	s12 =	simm.s32 $0xE500;
	v7 =	vadd.f32 v11, v7;
	v11 =	vor.u32 v2, v6;
	v16 =	vld [tilespmem:s1+$0x2030]  }
0x1a7: {  	v13 =	vld [tilespmem:s12+$0x20C0];
	v17 =	vadd.f32 v59, v8;
	v9 =	vadd.f32 v12, v9  }
0x1a8: {  	v8 =	vld [tilespmem:s12+$0xC0];
	v7 =	vadd.f32 v62, v7  }
0x1a9: {  	s14 =	simm.s32 $0x7;
	[tilespmem:v10+s26+$0x0] =	vst.idx.msk $0xffff, v17;
	v12 =	vld [tilespmem:s12+$0x2000];
	v10 =	vadd.f32 v63, v9  }
0x1aa: {  	[tilespmem:v14+s26+$0x0] =	vst.idx.msk $0xffff, v7;
	v7 =	vmov s14;
	v14 =	vld [tilespmem:s12+$0x40C0]  }
0x1ab: {  	s3 =	simm.s32 $0x4;
	s6 =	simm.s32 $0x8;
	v9 =	vld [tilespmem:s12+$0x0];
	[tilespmem:v11+s26+$0x0] =	vst.idx.msk $0xffff, v10;
	v10 =	vand.u32 $0x7F, v7;
	v7 =	vadd.f32 v16, v15  }
.LBB2_11:
0x1ac: {  	p0 =	slt.u32 s6, $0x7C;
	v15 =	vld [tilespmem:s12+$0x60C0];
	v11 =	vbroadcast v10, $0x0  }
0x1ad: {  	v10 =	vld [tilespmem:s12+$0x40];
	v8 =	vadd.f32 v13, v8  }
0x1ae: {  	v13 =	vld [tilespmem:s12+$0x2040];
	v16 =	vor.u32 v0, v11  }
0x1af: {  	v17 =	vld [tilespmem:s12+$0x80];
	v8 =	vadd.f32 v14, v8  }
0x1b0: {  	v9 =	vadd.f32 v12, v9;
	v12 =	vld [tilespmem:s12+$0x2080]  }
0x1b1: {  	v14 =	vld [tilespmem:s12+$0x4000];
	v8 =	vadd.f32 v15, v8  }
0x1b2: {  	v15 =	vld [tilespmem:s12+$0x4040]  }
0x1b3: {  	v10 =	vadd.f32 v13, v10;
	v13 =	vld [tilespmem:s12+$0x4080];
	[tilespmem:v16+s26+$0x0] =	vst.idx.msk $0xffff, v8  }
0x1b4: {  	v8 =	vmov s3;
	v16 =	vld [tilespmem:s12+$0xD0]  }
0x1b5: {  	s7 =	sadd.s32 $0x1, s3;
	v8 =	vand.u32 $0x7C, v8;
	v12 =	vadd.f32 v12, v17;
	v17 =	vld [tilespmem:s12+$0x20D0]  }
0x1b6: {  	v8 =	vbroadcast v8, $0x0;
	v14 =	vadd.f32 v14, v9;
	v18 =	vld [tilespmem:s12+$0x6000];
	v9 =	vmov s7;
	s7 =	sadd.s32 $0x2, s3;
	s3 =	smov.u32 s6  }
0x1b7: {  	v15 =	vadd.f32 v15, v10;
	v9 =	vand.u32 $0x7D, v9;
	v10 =	vmov s7;
	v19 =	vld [tilespmem:s12+$0x40D0]  }
0x1b8: {  	v20 =	vor.u32 v0, v8;
	v21 =	vld [tilespmem:s12+$0x6040];
	v9 =	vbroadcast v9, $0x0;
	v12 =	vadd.f32 v13, v12  }
0x1b9: {  	v10 =	vand.u32 $0x7E, v10;
	v13 =	vld [tilespmem:s12+$0x60D0]  }
0x1ba: {  	v10 =	vbroadcast v10, $0x0;
	v22 =	vor.u32 v0, v9;
	v23 =	vld [tilespmem:s12+$0x6080];
	v16 =	vadd.f32 v17, v16  }
0x1bb: {  	v17 =	vor.u32 v1, v11;
	v14 =	vadd.f32 v18, v14;
	v18 =	vld [tilespmem:s1+$0x70]  }
0x1bc: {  	v24 =	vor.u32 v0, v10;
	v16 =	vadd.f32 v19, v16;
	v19 =	vld [tilespmem:s1+$0x2070]  }
0x1bd: {  	[tilespmem:v20+s26+$0x0] =	vst.idx.msk $0xffff, v14;
	v14 =	vadd.f32 v21, v15;
	v15 =	vld [tilespmem:s1+$0xB0]  }
0x1be: {  	v20 =	vld [tilespmem:s12+$0x10];
	v13 =	vadd.f32 v13, v16  }
0x1bf: {  	v16 =	vld [tilespmem:s12+$0x2010];
	[tilespmem:v22+s26+$0x0] =	vst.idx.msk $0xffff, v14;
	v12 =	vadd.f32 v23, v12  }
0x1c0: {  	v14 =	vld [tilespmem:s12+$0x50];
	[tilespmem:v17+s26+$0x0] =	vst.idx.msk $0xffff, v13  }
0x1c1: {  	[tilespmem:v24+s26+$0x0] =	vst.idx.msk $0xffff, v12;
	v12 =	vld [tilespmem:s12+$0xE0];
	v13 =	vadd.f32 v19, v18  }
0x1c2: {  	v17 =	vld [tilespmem:s12+$0x20E0]  }
0x1c3: {  	v18 =	vld [tilespmem:s12+$0x2050]  }
0x1c4: {  	v16 =	vadd.f32 v16, v20;
	v19 =	vld [tilespmem:s12+$0x40E0]  }
0x1c5: {  	v20 =	vld [tilespmem:s12+$0x90]  }
0x1c6: {  	v21 =	vld [tilespmem:s12+$0x60E0]  }
0x1c7: {  	v22 =	vld [tilespmem:s12+$0x2090];
	v12 =	vadd.f32 v17, v12  }
0x1c8: {  	v17 =	vld [tilespmem:s12+$0x4010];
	v14 =	vadd.f32 v18, v14;
	v18 =	vor.u32 v2, v11  }
0x1c9: {  	v23 =	vld [tilespmem:s12+$0x4050];
	v12 =	vadd.f32 v19, v12  }
0x1ca: {  	v19 =	vld [tilespmem:s12+$0x4090]  }
0x1cb: {  	v24 =	vld [tilespmem:s12+$0x6010];
	v12 =	vadd.f32 v21, v12  }
0x1cc: {  	v21 =	vld [tilespmem:s12+$0x6050];
	v20 =	vadd.f32 v22, v20  }
0x1cd: {  	v16 =	vadd.f32 v17, v16;
	v17 =	vor.u32 v1, v8;
	v22 =	vld [tilespmem:s12+$0x6090];
	[tilespmem:v18+s26+$0x0] =	vst.idx.msk $0xffff, v12  }
0x1ce: {  	v12 =	vadd.f32 v23, v14;
	v14 =	vor.u32 v1, v9;
	v18 =	vld [tilespmem:s12+$0xF0]  }
0x1cf: {  	v19 =	vadd.f32 v19, v20;
	v20 =	vor.u32 v1, v10;
	v23 =	vld [tilespmem:s12+$0x20F0]  }
0x1d0: {  	v16 =	vadd.f32 v24, v16;
	v24 =	vld [tilespmem:s1+$0x20B0]  }
0x1d1: {  	v12 =	vadd.f32 v21, v12;
	v21 =	vld [tilespmem:s12+$0x40F0]  }
0x1d2: {  	[tilespmem:v17+s26+$0x0] =	vst.idx.msk $0xffff, v16;
	v16 =	vadd.f32 v22, v19;
	v17 =	vld [tilespmem:s1+$0x4030]  }
0x1d3: {  	[tilespmem:v14+s26+$0x0] =	vst.idx.msk $0xffff, v12;
	v12 =	vld [tilespmem:s12+$0x60F0]  }
0x1d4: {  	v14 =	vld [tilespmem:s12+$0x20];
	[tilespmem:v20+s26+$0x0] =	vst.idx.msk $0xffff, v16;
	v16 =	vadd.f32 v23, v18  }
0x1d5: {  	v11 =	vor.u32 v3, v11;
	v18 =	vld [tilespmem:s12+$0x2020];
	v15 =	vadd.f32 v24, v15  }
0x1d6: {  	v19 =	vld [tilespmem:s12+$0x60];
	v16 =	vadd.f32 v21, v16  }
0x1d7: {  	v20 =	vld [tilespmem:s12+$0x2060];
	v7 =	vadd.f32 v17, v7  }
0x1d8: {  	v17 =	vld [tilespmem:s12+$0xA0];
	v12 =	vadd.f32 v12, v16  }
0x1d9: {  	v16 =	vld [tilespmem:s12+$0x20A0]  }
0x1da: {  	v14 =	vadd.f32 v18, v14;
	v18 =	vld [tilespmem:s12+$0x4020];
	[tilespmem:v11+s26+$0x0] =	vst.idx.msk $0xffff, v12  }
0x1db: {  	v11 =	vld [tilespmem:s12+$0x4060]  }
0x1dc: {  	v12 =	vadd.f32 v20, v19;
	v19 =	vld [tilespmem:s12+$0x40A0]  }
0x1dd: {  	v20 =	vld [tilespmem:s12+$0x6020]  }
0x1de: {  	v21 =	vld [tilespmem:s12+$0x6060];
	v16 =	vadd.f32 v16, v17  }
0x1df: {  	v17 =	vor.u32 v2, v8;
	v14 =	vadd.f32 v18, v14;
	v18 =	vld [tilespmem:s12+$0x60A0]  }
0x1e0: {  	v11 =	vadd.f32 v11, v12;
	v12 =	vor.u32 v2, v9;
	v22 =	vld [tilespmem:s1+$0x4070]  }
0x1e1: {  	v16 =	vadd.f32 v19, v16;
	v19 =	vor.u32 v2, v10;
	v23 =	vld [tilespmem:s1+$0x40B0]  }
0x1e2: {  	v14 =	vadd.f32 v20, v14;
	v20 =	vld [tilespmem:s1+$0x6030]  }
0x1e3: {  	v11 =	vadd.f32 v21, v11;
	v21 =	vld [tilespmem:s1+$0x6070]  }
0x1e4: {  	[tilespmem:v17+s26+$0x0] =	vst.idx.msk $0xffff, v14;
	v14 =	vadd.f32 v18, v16;
	v16 =	vor.u32 v3, v5;
	v17 =	vld [tilespmem:s1+$0x60B0];
	v5 =	vmov v8;
	s1 =	smov.u32 s12  }
0x1e5: {  	v18 =	vld [tilespmem:s12+$0x30];
	[tilespmem:v12+s26+$0x0] =	vst.idx.msk $0xffff, v11;
	v11 =	vadd.f32 v22, v13;
	v12 =	vor.u32 v3, v4;
	v4 =	vmov v9  }
0x1e6: {  	s12 =	sadd.s32 $0x100, s12;
	v22 =	vld [tilespmem:s1+$0x2030];
	[tilespmem:v19+s26+$0x0] =	vst.idx.msk $0xffff, v14;
	v14 =	vadd.f32 v23, v15;
	v15 =	vor.u32 v3, v6;
	v6 =	vmov v10  }
.Ltmp5:
0x1e7: {  	v8 =	vld [tilespmem:s12+$0xC0];
	v7 =	vadd.f32 v20, v7;
	(pc) =	sbr.rel @p0 .LBB2_11-.Ltmp5, $4  }
0x1e8: {  	v13 =	vld [tilespmem:s12+$0x20C0];
	v10 =	vadd.f32 v21, v11  }
0x1e9: {  	s7 =	sadd.s32 $0x3, s6;
	v9 =	vld [tilespmem:s12+$0x0];
	[tilespmem:v16+s26+$0x0] =	vst.idx.msk $0xffff, v7;
	v11 =	vadd.f32 v17, v14  }
0x1ea: {  	v7 =	vmov s7;
	v14 =	vld [tilespmem:s12+$0x40C0];
	[tilespmem:v12+s26+$0x0] =	vst.idx.msk $0xffff, v10  }
0x1eb: {  	s6 =	sadd.s32 $0x4, s6;
	v10 =	vand.u32 $0x7F, v7;
	v12 =	vld [tilespmem:s12+$0x2000];
	v7 =	vadd.f32 v22, v18;
	[tilespmem:v15+s26+$0x0] =	vst.idx.msk $0xffff, v11  }
0x1ec: {  	v11 =	vld [tilespmem:s12+$0x60C0]  }
0x1ed: {  	v15 =	vld [tilespmem:s12+$0x40]  }
0x1ee: {  	v31 =	vld [tilespmem:s12+$0x2040]  }
0x1ef: {  	v17 =	vld [tilespmem:s12+$0x80]  }
0x1f0: {  	v32 =	vld [tilespmem:s12+$0x2080]  }
0x1f1: {  	v18 =	vld [tilespmem:s12+$0x4000]  }
0x1f2: {  	v33 =	vld [tilespmem:s12+$0x4040]  }
0x1f3: {  	v19 =	vld [tilespmem:s12+$0x4080]  }
0x1f4: {  	v10 =	vbroadcast v10, $0x0;
	v21 =	vld [tilespmem:s12+$0x6000]  }
0x1f5: {  	v23 =	vld [tilespmem:s12+$0x6040];
	v8 =	vadd.f32 v13, v8  }
0x1f6: {  	s6 =	sadd.s32 $0x1, s3;
	v24 =	vld [tilespmem:s12+$0x6080];
	v16 =	vor.u32 v0, v10  }
0x1f7: {  	v25 =	vld [tilespmem:s1+$0x70];
	v22 =	vmov s6;
	v8 =	vadd.f32 v14, v8  }
0x1f8: {  	v57 =	vld [tilespmem:s1+$0x20B0];
	v35 =	vand.u32 $0x7D, v22;
	v12 =	vadd.f32 v12, v9  }
0x1f9: {  	v28 =	vld [tilespmem:s1+$0x4030];
	v9 =	vbroadcast v35, $0x0;
	v8 =	vadd.f32 v11, v8;
	v13 =	vadd.f32 v31, v15  }
0x1fa: {  	v22 =	vld [tilespmem:s1+$0x2070]  }
0x1fb: {  	v39 =	vor.u32 v0, v9;
	[tilespmem:v16+s26+$0x0] =	vst.idx.msk $0xffff, v8;
	v11 =	vadd.f32 v33, v13;
	v33 =	vld [tilespmem:s1+$0x6070]  }
0x1fc: {  	v34 =	vmov s3;
	v14 =	vadd.f32 v32, v17;
	v16 =	vld [tilespmem:s12+$0xD0]  }
0x1fd: {  	v8 =	vand.u32 $0x7C, v34;
	v20 =	vld [tilespmem:s12+$0x20D0]  }
0x1fe: {  	v44 =	vadd.f32 v19, v14;
	v8 =	vbroadcast v8, $0x0;
	v36 =	vld [tilespmem:s12+$0x40D0];
	v11 =	vadd.f32 v23, v11  }
0x1ff: {  	v38 =	vld [tilespmem:s12+$0x60D0]  }
0x200: {  	v37 =	vor.u32 v0, v8;
	[tilespmem:v39+s26+$0x0] =	vst.idx.msk $0xffff, v11;
	v11 =	vadd.f32 v24, v44;
	v44 =	vld [tilespmem:s1+$0x6030]  }
0x201: {  	v12 =	vadd.f32 v18, v12;
	v13 =	vld [tilespmem:s12+$0x50]  }
0x202: {  	v46 =	vld [tilespmem:s12+$0x2050]  }
0x203: {  	v12 =	vadd.f32 v21, v12;
	v26 =	vld [tilespmem:s12+$0x4050]  }
0x204: {  	v52 =	vld [tilespmem:s12+$0x6050]  }
0x205: {  	v16 =	vadd.f32 v20, v16;
	[tilespmem:v37+s26+$0x0] =	vst.idx.msk $0xffff, v12;
	v12 =	vld [tilespmem:s1+$0xB0]  }
0x206: {  	s7 =	sadd.s32 $0x2, s3;
	v41 =	vor.u32 v1, v10;
	v15 =	vld [tilespmem:s12+$0x10]  }
0x207: {  	v40 =	vmov s7;
	v16 =	vadd.f32 v36, v16;
	v43 =	vld [tilespmem:s12+$0x2010]  }
0x208: {  	v20 =	vand.u32 $0x7E, v40;
	v49 =	vld [tilespmem:s12+$0x4010]  }
0x209: {  	v20 =	vbroadcast v20, $0x0;
	v27 =	vld [tilespmem:s12+$0x6010];
	v16 =	vadd.f32 v38, v16  }
0x20a: {  	v13 =	vadd.f32 v46, v13;
	v46 =	vld [tilespmem:s1+$0x60B0]  }
0x20b: {  	v42 =	vor.u32 v0, v20;
	[tilespmem:v41+s26+$0x0] =	vst.idx.msk $0xffff, v16;
	v41 =	vld [tilespmem:s1+$0x4070]  }
0x20c: {  	v45 =	vld [tilespmem:s12+$0xE0]  }
0x20d: {  	v16 =	vld [tilespmem:s12+$0x20E0]  }
0x20e: {  	v47 =	vld [tilespmem:s12+$0x40E0]  }
0x20f: {  	v56 =	vor.u32 v1, v9;
	v21 =	vld [tilespmem:s12+$0x60E0]  }
0x210: {  	v13 =	vadd.f32 v26, v13;
	[tilespmem:v42+s26+$0x0] =	vst.idx.msk $0xffff, v11;
	v15 =	vadd.f32 v43, v15;
	v43 =	vld [tilespmem:s1+$0x40B0]  }
0x211: {  	v17 =	vld [tilespmem:s12+$0x90]  }
0x212: {  	v54 =	vor.u32 v1, v8;
	v13 =	vadd.f32 v52, v13;
	v48 =	vld [tilespmem:s12+$0x2090]  }
0x213: {  	v51 =	vld [tilespmem:s12+$0x4090];
	v15 =	vadd.f32 v49, v15  }
0x214: {  	v53 =	vld [tilespmem:s12+$0x6090];
	[tilespmem:v56+s26+$0x0] =	vst.idx.msk $0xffff, v13  }
0x215: {  	v62 =	vld [tilespmem:s12+$0x60];
	v15 =	vadd.f32 v27, v15  }
0x216: {  	v63 =	vld [tilespmem:s12+$0x2060];
	v14 =	vadd.f32 v16, v45  }
0x217: {  	v50 =	vor.u32 v2, v10;
	v39 =	vld [tilespmem:s12+$0x4060];
	v17 =	vadd.f32 v48, v17;
	[tilespmem:v54+s26+$0x0] =	vst.idx.msk $0xffff, v15  }
0x218: {  	v59 =	vor.u32 v1, v20;
	v11 =	vadd.f32 v47, v14;
	v15 =	vld [tilespmem:s12+$0x20]  }
0x219: {  	v61 =	vld [tilespmem:s12+$0x2020];
	v14 =	vadd.f32 v51, v17  }
0x21a: {  	v40 =	vld [tilespmem:s12+$0x6060];
	v11 =	vadd.f32 v21, v11  }
0x21b: {  	v38 =	vld [tilespmem:s12+$0x4020];
	v14 =	vadd.f32 v53, v14  }
0x21c: {  	v30 =	vld [tilespmem:s12+$0x6020];
	[tilespmem:v50+s26+$0x0] =	vst.idx.msk $0xffff, v11  }
0x21d: {  	v24 =	vld [tilespmem:s12+$0xF0];
	[tilespmem:v59+s26+$0x0] =	vst.idx.msk $0xffff, v14  }
0x21e: {  	v13 =	vadd.f32 v61, v15;
	v36 =	vld [tilespmem:s12+$0xA0]  }
0x21f: {  	v31 =	vor.u32 v2, v8;
	v37 =	vld [tilespmem:s12+$0x20A0]  }
0x220: {  	v55 =	vld [tilespmem:s12+$0x20F0];
	v14 =	vadd.f32 v63, v62;
	v13 =	vadd.f32 v38, v13  }
0x221: {  	v42 =	vor.u32 v2, v9;
	v29 =	vld [tilespmem:s12+$0x40A0]  }
0x222: {  	v58 =	vld [tilespmem:s12+$0x40F0];
	v14 =	vadd.f32 v39, v14;
	v13 =	vadd.f32 v30, v13  }
0x223: {  	v32 =	vld [tilespmem:s12+$0x60A0]  }
0x224: {  	v60 =	vld [tilespmem:s12+$0x60F0];
	v14 =	vadd.f32 v40, v14;
	v18 =	vadd.f32 v37, v36;
	[tilespmem:v31+s26+$0x0] =	vst.idx.msk $0xffff, v13  }
0x225: {  	v45 =	vor.u32 v2, v20;
	v47 =	vld [tilespmem:s12+$0x30]  }
0x226: {  	[tilespmem:v42+s26+$0x0] =	vst.idx.msk $0xffff, v14;
	v49 =	vld [tilespmem:s12+$0x2030];
	v18 =	vadd.f32 v29, v18  }
0x227: {  	v19 =	vld [tilespmem:s12+$0x70]  }
0x228: {  	v50 =	vld [tilespmem:s12+$0x2070];
	v48 =	vadd.f32 v32, v18  }
0x229: {  	v5 =	vor.u32 v3, v5;
	v53 =	vld [tilespmem:s12+$0x4030]  }
0x22a: {  	v7 =	vadd.f32 v28, v7;
	v16 =	vadd.f32 v55, v24;
	v54 =	vld [tilespmem:s12+$0x4070];
	[tilespmem:v45+s26+$0x0] =	vst.idx.msk $0xffff, v48  }
0x22b: {  	v10 =	vor.u32 v3, v10;
	v22 =	vadd.f32 v22, v25;
	v51 =	vld [tilespmem:s12+$0xB0]  }
0x22c: {  	v7 =	vadd.f32 v44, v7;
	v16 =	vadd.f32 v58, v16;
	v52 =	vld [tilespmem:s12+$0x20B0]  }
0x22d: {  	v4 =	vor.u32 v3, v4;
	v6 =	vor.u32 v3, v6;
	v12 =	vadd.f32 v57, v12;
	v57 =	vld [tilespmem:s12+$0x6030]  }
0x22e: {  	[tilespmem:v5+s26+$0x0] =	vst.idx.msk $0xffff, v7;
	v55 =	vadd.f32 v41, v22;
	v11 =	vadd.f32 v60, v16;
	v56 =	vld [tilespmem:s12+$0x40B0]  }
0x22f: {  	v12 =	vadd.f32 v43, v12;
	v59 =	vor.u32 v3, v8;
	v58 =	vld [tilespmem:s12+$0x6070];
	v15 =	vadd.f32 v49, v47  }
0x230: {  	[tilespmem:v10+s26+$0x0] =	vst.idx.msk $0xffff, v11;
	v10 =	vadd.f32 v33, v55;
	v5 =	vadd.f32 v50, v19;
	v60 =	vld [tilespmem:s12+$0x60B0]  }
0x231: {  	v9 =	vor.u32 v3, v9;
	v15 =	vadd.f32 v53, v15;
	v61 =	vadd.f32 v52, v51  }
0x232: {  	s31 =	sadd.s32 $0x1, s31;
	v12 =	vadd.f32 v46, v12;
	v62 =	vor.u32 v3, v20;
	v5 =	vadd.f32 v54, v5  }
0x233: {  	s0 =	sadd.s32 s5, s0;
	p0 =	sne.s32 s31, $0x19;
	[tilespmem:v4+s26+$0x0] =	vst.idx.msk $0xffff, v10;
	v63 =	vadd.f32 v57, v15;
	v4 =	vadd.f32 v56, v61  }
.Ltmp6:
0x234: {  	s14 =	sshll.u32 s0, $0x7;
	[tilespmem:v6+s26+$0x0] =	vst.idx.msk $0xffff, v12;
	v5 =	vadd.f32 v58, v5;
	(pc) =	sbr.rel @p0 .LBB2_4-.Ltmp6, $4  }
0x235: {  	s0 =	sshll.u32 s0, $0xA;
	s1 =	sand.u32 $0x380, s14;
	[tilespmem:v59+s26+$0x0] =	vst.idx.msk $0xffff, v63;
	v4 =	vadd.f32 v60, v4  }
0x236: {  	s0 =	sand.u32 $0xFFFE000, s0;
	s1 =	sadd.s32 s2, s1;
	[tilespmem:v9+s26+$0x0] =	vst.idx.msk $0xffff, v5  }
0x237: {  	s0 =	sadd.s32 s0, s1;
	[tilespmem:v62+s26+$0x0] =	vst.idx.msk $0xffff, v4  }
0x238: {  	[hbm4b:s0+s22] =	stream.strided.scatter [tilespmem:s26], [sflag:$0x4], $0x2000, s23, s22, $0x38;
	[tilespmem:$0x1A400] =	vst v63  }
0x239: {  	_ =	swait.ge [sflag:s28], $0x2000  }
0x23a: {  	[sflag:s28] =	ssyncset.done $0x0  }
0x23b: {  	[sflag:s28] =	ssyncadd.s32 $0xFFFFE000  }
0x23c: {  	_ =	swait.ge [sflag:s25], $0x2000  }
0x23d: {  	s29 =	sadd.s32 $0x1, s29;
	s0 =	rddreg [dreg:$0x5]  }
0x23e: {  	p0 =	sne.s32 s29, s0  }
.Ltmp7:
0x23f: {  	_ = 	snop;
	(pc) =	sbr.rel @p0 .LBB2_1-.Ltmp7, $3  }
0x240: {  	_ =	sdelay $0x1  }
0x241: {  	[sflag:s25] =	ssyncset.done $0x0  }
0x242: {  	[sflag:s25] =	ssyncadd.s32 $0xFFFFE000  }
0x243: {  	_ =	sfence.sel $0x180000  }
0x244: {  	[bflag:$0x0] =	sbarrier.arrive $0xFFFF  }
0x245: {  	_ =	strace $0x90000047  }
0x246: {  	s0 =	stileid.u32;
	[bflag:$0x2] =	sbarrier.arrive $0xFFFF  }
0x247: {  	p0 =	sne.s32 s0, $0x0;
	s0 =	rddreg [dreg:$0x3]  }
0x248: {  	s0 =	sadd.s32 @!p0 $0x100000, s0  }
0x249: {  	[sflag:s0] =	ssyncadd.tile.s32 @!p0 $0x1;
	_ =	shalt  }
.Lfunc_end2:
_tile_overlayer_lowered:
.L_overlay_start_2:
0x24a: {  	(tag) =	ssettag $0x2  }
0x24b: {  	s0 =	rddreg [dreg:$0x0];
	s2 =	stileid.u32  }
0x24c: {  	s1 =	rddreg [dreg:$0x1];
	p0 =	sne.s32 s2, $0x0  }
0x24d: {  	s3 =	rddreg [dreg:$0x2];
	[bflag:$0x3] =	sbarrier.arrive $0xFFFF;
	s2 =	simm.s32 @!p0 $0x1C05  }
0x24e: {  	[timem:s3], [sflag:s2] =	dma.local @!p0 [hbm:s0], s1  }
0x24f: {  	s0 =	simm.s32 @!p0 $0x5  }
0x250: {  	_ =	swait.ge @!p0 [sflag:s0], s1  }
0x251: {  	s1 =	ssub.s32 @!p0 $0x0, s1;
	[sflag:s0] =	ssyncset.done @!p0 $0x0  }
0x252: {  	[sflag:s0] =	ssyncadd.s32 @!p0 s1  }
0x253: {  	[bflag:$0x3] =	sbarrier.arrive $0xFFFF  }
0x254: {  	_ =	shalt  }

</sc_bundles>
